<compile_context>
chip_gen: v7x
topology: tpu7x:2x2x1
jax: 0.10.2.dev20260603
libtpu: 0.0.44.dev20260713+nightly
codegen_flags: <defaults>
</compile_context>

<pallas_src>
import jax
import jax.numpy as jnp
from jax import lax
from jax.experimental import pallas as pl
from jax.experimental.pallas import tpu as pltpu
from jax.experimental.pallas import tpu_sc as plsc

E = 8
TOP_K = 2
D = 1024
H = 4096
B = 2
S = 2048
N = B * S
NK = N * TOP_K
TILE = 256
P = NK + E * TILE
T = P // TILE

_NC = 2
_NS = 16
_NW = _NC * _NS

_GATE_TILE = 512


def _gate_body(x_ref, wg_ref, e_ref, w_ref):
    x = x_ref[...]
    wg = wg_ref[...]
    logits = lax.dot_general(x, wg, (((1,), (1,)), ((), ())),
                             preferred_element_type=jnp.float32)
    iota = lax.broadcasted_iota(jnp.int32, logits.shape, 1)
    m1 = jnp.max(logits, axis=1, keepdims=True)
    i1 = jnp.min(jnp.where(logits == m1, iota, E), axis=1, keepdims=True)
    l2 = jnp.where(iota == i1, -jnp.inf, logits)
    m2 = jnp.max(l2, axis=1, keepdims=True)
    i2 = jnp.min(jnp.where(l2 == m2, iota, E), axis=1, keepdims=True)
    e_ref[...] = jnp.concatenate([i1, i2], axis=1)
    t = jnp.exp(m2 - m1)
    w1 = 1.0 / (1.0 + t)
    w_ref[...] = jnp.concatenate([w1, w1 * t], axis=1)


def _stage_issue(w_hbm, bufs, sems, e, s):
    for k in range(3):
        @pl.when(s == k)
        def _():
            pltpu.make_async_copy(w_hbm.at[e], bufs[k], sems[k]).start()


def _stage_wait(w_hbm, bufs, sems, e, s):
    for k in range(3):
        @pl.when(s == k)
        def _():
            pltpu.make_async_copy(w_hbm.at[e], bufs[k], sems[k]).wait()


def _staged_ffn_body(act_ref, b_ref, w_hbm, out_ref, wa, wb, wc, s0, s1, s2,
                     te_ref, chg_ref, slot_ref, iss_ref, iexp_ref, islot_ref,
                     epilogue):
    t = pl.program_id(0)
    bufs = (wa, wb, wc)
    sems = (s0, s1, s2)

    @pl.when(t == 0)
    def _():
        _stage_issue(w_hbm, bufs, sems, te_ref[0], slot_ref[0])

        @pl.when(chg_ref[1] == 1)
        def _():
            _stage_issue(w_hbm, bufs, sems, te_ref[1], slot_ref[1])

    @pl.when(iss_ref[t] == 1)
    def _():
        _stage_issue(w_hbm, bufs, sems, iexp_ref[t], islot_ref[t])

    @pl.when(chg_ref[t] == 1)
    def _():
        _stage_wait(w_hbm, bufs, sems, te_ref[t], slot_ref[t])

    s = slot_ref[t]
    act = act_ref[...]
    for k in range(3):
        @pl.when(s == k)
        def _():
            r = lax.dot_general(act, bufs[k][...], (((1,), (1,)), ((), ())),
                                preferred_element_type=jnp.float32)
            out_ref[...] = epilogue(r, b_ref[0])


def _ffn1_body(te_ref, chg_ref, slot_ref, iss_ref, iexp_ref, islot_ref,
               xs_ref, b1_ref, w1_hbm, hs_ref, wa, wb, wc, s0, s1, s2):
    _staged_ffn_body(
        xs_ref, b1_ref, w1_hbm, hs_ref, wa, wb, wc, s0, s1, s2,
        te_ref, chg_ref, slot_ref, iss_ref, iexp_ref, islot_ref,
        lambda r, b: jnp.maximum(r + b, 0.0).astype(jnp.bfloat16))


def _ffn2_body(te_ref, chg_ref, slot_ref, iss_ref, iexp_ref, islot_ref,
               hs_ref, b2_ref, w2_hbm, ys_ref, wa, wb, wc, s0, s1, s2):
    _staged_ffn_body(
        hs_ref, b2_ref, w2_hbm, ys_ref, wa, wb, wc, s0, s1, s2,
        te_ref, chg_ref, slot_ref, iss_ref, iexp_ref, islot_ref,
        lambda r, b: r + b)


_DCHUNK = 32


def _dispatch_body(x_hbm, pe2_hbm, po2_hbm, xs_hbm,
                   ie_v, io_v, rows_v, ls0, ls1, sa0, sb0, sa1, sb1):
    wid = lax.axis_index("s") * _NC + lax.axis_index("c")
    per_w = N // _NW
    nch = per_w // _DCHUNK
    base = wid * per_w
    wrow = wid * nch
    pltpu.sync_copy(pe2_hbm.at[pl.ds(wrow, nch)], ie_v)
    pltpu.sync_copy(po2_hbm.at[pl.ds(wrow, nch)], io_v)
    ls = (ls0, ls1)
    sa = (sa0, sa1)
    sb = (sb0, sb1)
    loads = [None] * nch
    scats = [None] * nch
    loads[0] = pltpu.async_copy(x_hbm.at[pl.ds(base, _DCHUNK)], rows_v.at[0], ls[0])
    for c in range(nch):
        b = c % 2
        loads[c].wait()
        if c + 1 < nch:
            if c >= 1:
                scats[c - 1][0].wait()
                scats[c - 1][1].wait()
            loads[c + 1] = pltpu.async_copy(
                x_hbm.at[pl.ds(base + (c + 1) * _DCHUNK, _DCHUNK)],
                rows_v.at[(c + 1) % 2], ls[(c + 1) % 2])
        scats[c] = (
            pltpu.async_copy(rows_v.at[b], xs_hbm.at[ie_v.at[c]], sa[b]),
            pltpu.async_copy(rows_v.at[b], xs_hbm.at[io_v.at[c]], sb[b]),
        )
    for c in (nch - 2, nch - 1):
        scats[c][0].wait()
        scats[c][1].wait()


_CCHUNK = 32


def _combine_body(ys_hbm, pe_hbm, po_hbm, we_hbm, wo_hbm, out_hbm,
                  ie_v, io_v, we_v, wo_v, a_v, b_v, o_v, sem):
    wid = lax.axis_index("s") * _NC + lax.axis_index("c")
    per_w = N // _NW
    base = wid * per_w
    for ch in range(per_w // _CCHUNK):
        tok0 = base + ch * _CCHUNK
        pltpu.sync_copy(pe_hbm.at[pl.ds(tok0, _CCHUNK)], ie_v)
        pltpu.sync_copy(po_hbm.at[pl.ds(tok0, _CCHUNK)], io_v)
        pltpu.sync_copy(we_hbm.at[pl.ds(tok0, _CCHUNK)], we_v)
        pltpu.sync_copy(wo_hbm.at[pl.ds(tok0, _CCHUNK)], wo_v)
        cpa = pltpu.async_copy(ys_hbm.at[ie_v], a_v, sem)
        cpb = pltpu.async_copy(ys_hbm.at[io_v], b_v, sem)
        cpa.wait()
        cpb.wait()

        def _row(i, _):
            wa = we_v[i, :]
            wb = wo_v[i, :]

            def _vec(u, _):
                sl = pl.ds(u * 16, 16)
                o_v[i, sl] = wa * a_v[i, sl] + wb * b_v[i, sl]
                return 0

            lax.fori_loop(0, D // 16, _vec, 0, unroll=4)
            return 0

        lax.fori_loop(0, _CCHUNK, _row, 0)
        pltpu.sync_copy(o_v, out_hbm.at[pl.ds(tok0, _CCHUNK)])


def kernel(x, Wg, W1, b1, W2, b2):
    x2 = x.reshape(N, D)

    experts, weights = pl.pallas_call(
        _gate_body,
        grid=(N // _GATE_TILE,),
        in_specs=[
            pl.BlockSpec((_GATE_TILE, D), lambda i: (i, 0)),
            pl.BlockSpec((E, D), lambda i: (0, 0)),
        ],
        out_specs=[
            pl.BlockSpec((_GATE_TILE, TOP_K), lambda i: (i, 0)),
            pl.BlockSpec((_GATE_TILE, TOP_K), lambda i: (i, 0)),
        ],
        out_shape=[
            jax.ShapeDtypeStruct((N, TOP_K), jnp.int32),
            jax.ShapeDtypeStruct((N, TOP_K), jnp.float32),
        ],
    )(x2, Wg)

    ef = experts.reshape(NK)
    wf = weights.reshape(NK)
    oh = (ef[:, None] == jnp.arange(E, dtype=jnp.int32)[None, :]).astype(jnp.int32)
    cnt = jnp.sum(oh, axis=0)
    gsz = ((cnt + TILE - 1) // TILE) * TILE
    ends = jnp.cumsum(gsz)
    starts = ends - gsz
    rank = jnp.sum((jnp.cumsum(oh, axis=0) - oh) * oh, axis=1)
    pos = (jnp.sum(oh * starts[None, :], axis=1) + rank).astype(jnp.int32)
    tile_expert = jnp.minimum(
        jnp.sum(ends[None, :] <= (jnp.arange(T, dtype=jnp.int32) * TILE)[:, None],
                axis=1), E - 1).astype(jnp.int32)
    pos2 = pos.reshape(N, TOP_K)
    pe = pos2[:, 0]
    po = pos2[:, 1]
    we = jnp.broadcast_to(weights[:, 0:1], (N, 16))
    wo = jnp.broadcast_to(weights[:, 1:2], (N, 16))

    nchd = (N // _NW) // _DCHUNK
    mesh = plsc.VectorSubcoreMesh(core_axis_name="c", subcore_axis_name="s")
    xs = pl.kernel(
        _dispatch_body,
        out_type=jax.ShapeDtypeStruct((P, D), jnp.float32),
        mesh=mesh,
        scratch_types=[
            pltpu.VMEM((nchd, _DCHUNK), jnp.int32),
            pltpu.VMEM((nchd, _DCHUNK), jnp.int32),
            pltpu.VMEM((2, _DCHUNK, D), jnp.float32),
            pltpu.SemaphoreType.DMA,
            pltpu.SemaphoreType.DMA,
            pltpu.SemaphoreType.DMA,
            pltpu.SemaphoreType.DMA,
            pltpu.SemaphoreType.DMA,
            pltpu.SemaphoreType.DMA,
        ],
    )(x2, pe.reshape(N // _DCHUNK, _DCHUNK), po.reshape(N // _DCHUNK, _DCHUNK))

    chg = jnp.concatenate([jnp.ones((1,), jnp.int32),
                           (tile_expert[1:] != tile_expert[:-1]).astype(jnp.int32)])
    slot = (jnp.cumsum(chg) % 3).astype(jnp.int32)
    iss = jnp.concatenate([chg[2:], jnp.zeros((2,), jnp.int32)])
    iexp = jnp.concatenate([tile_expert[2:], tile_expert[-1:], tile_expert[-1:]])
    islot = jnp.concatenate([slot[2:], slot[-1:], slot[-1:]])
    pf = (tile_expert, chg, slot, iss, iexp, islot)
    n_pf = len(pf)

    def _row_spec(blk):
        return pl.BlockSpec(blk, lambda t, *_: (t, 0))

    def _bias_spec(blk):
        return pl.BlockSpec(blk, lambda t, te, *_: (te[t], 0, 0))

    hs = pl.pallas_call(
        _ffn1_body,
        grid_spec=pltpu.PrefetchScalarGridSpec(
            num_scalar_prefetch=n_pf,
            grid=(T,),
            in_specs=[
                _row_spec((TILE, D)),
                _bias_spec((1, 1, H)),
                pl.BlockSpec(memory_space=pl.ANY),
            ],
            out_specs=_row_spec((TILE, H)),
            scratch_shapes=[
                pltpu.VMEM((H, D), jnp.float32),
                pltpu.VMEM((H, D), jnp.float32),
                pltpu.VMEM((H, D), jnp.float32),
                pltpu.SemaphoreType.DMA,
                pltpu.SemaphoreType.DMA,
                pltpu.SemaphoreType.DMA,
            ],
        ),
        out_shape=jax.ShapeDtypeStruct((P, H), jnp.bfloat16),
        compiler_params=pltpu.CompilerParams(vmem_limit_bytes=62 * 1024 * 1024),
    )(*pf, xs, b1.reshape(E, 1, H), W1)
    ys = pl.pallas_call(
        _ffn2_body,
        grid_spec=pltpu.PrefetchScalarGridSpec(
            num_scalar_prefetch=n_pf,
            grid=(T,),
            in_specs=[
                _row_spec((TILE, H)),
                _bias_spec((1, 1, D)),
                pl.BlockSpec(memory_space=pl.ANY),
            ],
            out_specs=_row_spec((TILE, D)),
            scratch_shapes=[
                pltpu.VMEM((D, H), jnp.float32),
                pltpu.VMEM((D, H), jnp.float32),
                pltpu.VMEM((D, H), jnp.float32),
                pltpu.SemaphoreType.DMA,
                pltpu.SemaphoreType.DMA,
                pltpu.SemaphoreType.DMA,
            ],
        ),
        out_shape=jax.ShapeDtypeStruct((P, D), jnp.float32),
        compiler_params=pltpu.CompilerParams(vmem_limit_bytes=62 * 1024 * 1024),
    )(*pf, hs, b2.reshape(E, 1, D), W2)

    out = pl.kernel(
        _combine_body,
        out_type=jax.ShapeDtypeStruct((N, D), jnp.float32),
        mesh=mesh,
        scratch_types=[
            pltpu.VMEM((_CCHUNK,), jnp.int32),
            pltpu.VMEM((_CCHUNK,), jnp.int32),
            pltpu.VMEM((_CCHUNK, 16), jnp.float32),
            pltpu.VMEM((_CCHUNK, 16), jnp.float32),
            pltpu.VMEM((_CCHUNK, D), jnp.float32),
            pltpu.VMEM((_CCHUNK, D), jnp.float32),
            pltpu.VMEM((_CCHUNK, D), jnp.float32),
            pltpu.SemaphoreType.DMA,
        ],
    )(ys, pe, po, we, wo)

    return (out.reshape(B, S, D), experts.reshape(B, S, TOP_K))

# --- scband reference (transcript-rebuilt; emitter-appended) ---
"""Pipeline reference for scband-mo-elayer-23227183137053 (READ-ONLY COPY).

The authoritative reference and input builder live on the scoring server;
editing this copy changes nothing except your own understanding.
"""

import jax, jax.numpy as jnp
import numpy as np

E = 8
TOP_K = 2
D = 1024
H = 4096
B = 2
S = 2048


def setup_inputs(seed: int = 0) -> dict:
    key = jax.random.key(seed)
    ks = jax.random.split(key, 6)
    x = jax.random.normal(ks[0], (B, S, D), dtype=jnp.float32)
    # gate: Linear(D, E, bias=False) -> weight [E, D]
    Wg = jax.random.normal(ks[1], (E, D), dtype=jnp.float32) / np.sqrt(D)
    # experts: linear1 [H, D] + b1 [H]; linear2 [D, H] + b2 [D], stacked over E
    W1 = jax.random.normal(ks[2], (E, H, D), dtype=jnp.float32) / np.sqrt(D)
    b1 = jax.random.normal(ks[3], (E, H), dtype=jnp.float32) * 0.01
    W2 = jax.random.normal(ks[4], (E, D, H), dtype=jnp.float32) / np.sqrt(H)
    b2 = jax.random.normal(ks[5], (E, D), dtype=jnp.float32) * 0.01
    return {"x": x, "Wg": Wg, "W1": W1, "b1": b1, "W2": W2, "b2": b2}


def reference(x, Wg, W1, b1, W2, b2):
    # gate_response = self.gate(x)
    gate_response = jnp.einsum('bsd,ed->bse', x, Wg)
    # weights, selected_experts = torch.topk(gate_response, top_k)
    weights, selected_experts = jax.lax.top_k(gate_response, TOP_K)
    # weights = softmax(weights, dim=-1, dtype=float32)
    weights = jax.nn.softmax(weights.astype(jnp.float32), axis=-1).astype(x.dtype)
    out = jnp.zeros_like(x)
    for i in range(E):
        # tokens where expert i was selected, with its routing weight
        mask = (selected_experts == i)  # [B, S, K]
        w_i = jnp.sum(jnp.where(mask, weights, 0.0), axis=-1, keepdims=True)  # [B, S, 1]
        # PositionwiseFeedForward: linear2(relu(linear1(x))) (dropout is identity in eval)
        h = jnp.maximum(jnp.einsum('bsd,hd->bsh', x, W1[i]) + b1[i], 0.0)
        y = jnp.einsum('bsh,dh->bsd', h, W2[i]) + b2[i]
        out = out + w_i * y
    return (out, selected_experts)

if __name__ == "__main__":
    import jax
    _d = setup_inputs()
    print(jax.jit(kernel)(*tuple(_d.values())))

</pallas_src>

<mosaic_0001>
#map = affine_map<(d0, d1) -> (0, 0)>
#map1 = affine_map<(d0, d1) -> (0)>
module attributes {stable_mosaic.version = 14 : i64} {
  func.func @_combine_body(%arg0: i32, %arg1: i32, %arg2: memref<10240x1024xf32, #tpu.memory_space<hbm>>, %arg3: memref<4096xi32, #tpu.memory_space<hbm>>, %arg4: memref<4096xi32, #tpu.memory_space<hbm>>, %arg5: memref<4096x16xf32, #tpu.memory_space<hbm>>, %arg6: memref<4096x16xf32, #tpu.memory_space<hbm>>, %arg7: memref<4096x1024xf32, #tpu.memory_space<hbm>>, %arg8: memref<32xi32, #tpu.memory_space<vmem>>, %arg9: memref<32xi32, #tpu.memory_space<vmem>>, %arg10: memref<32x16xf32, #tpu.memory_space<vmem>>, %arg11: memref<32x16xf32, #tpu.memory_space<vmem>>, %arg12: memref<32x1024xf32, #tpu.memory_space<vmem>>, %arg13: memref<32x1024xf32, #tpu.memory_space<vmem>>, %arg14: memref<32x1024xf32, #tpu.memory_space<vmem>>, %arg15: memref<!tpu.dma_semaphore, #tpu.memory_space<semaphore_mem>>) attributes {dimension_semantics = [#tpu.dimension_semantics<core_parallel>, #tpu.dimension_semantics<subcore_parallel>], iteration_bounds = array<i64: 2, 16>, scalar_prefetch = 0 : i64, scratch_operands = 8 : i64, tpu.core_type = #tpu.core_type<sc_vector_subcore>, window_params = [{transform_indices = #map}, {transform_indices = #map1}, {transform_indices = #map1}, {transform_indices = #map}, {transform_indices = #map}, {transform_indices = #map}]} {
    %mul3A = arith.constant 2 : i32
    %mul3A_0 = arith.muli %arg1, %mul3A : i32
    %add3A = arith.addi %mul3A_0, %arg0 : i32
    %mul3A_1 = arith.constant 128 : i32
    %mul3A_2 = arith.muli %add3A, %mul3A_1 : i32
    %add3A_3 = arith.constant 0 : i32
    %add3A_4 = arith.addi %mul3A_2, %add3A_3 : i32
    "tpu.region"() ({
      %run_scoped3A = tpu.sem_alloc : memref<!tpu.dma_semaphore, #tpu.memory_space<semaphore_mem>>
      %dma_start3A_84 = tpu.memref_slice %arg3[%add3A_4] : memref<4096xi32, #tpu.memory_space<hbm>> -> memref<32xi32, #tpu.memory_space<hbm>>
      %dma_start3A_85 = tpu.memref_slice %arg3[%add3A_4] : memref<4096xi32, #tpu.memory_space<hbm>> -> memref<32xi32, #tpu.memory_space<hbm>>
      tpu.enqueue_dma source(%dma_start3A_85 : memref<32xi32, #tpu.memory_space<hbm>>) target(%arg8 : memref<32xi32, #tpu.memory_space<vmem>>) target_semaphore(%run_scoped3A : memref<!tpu.dma_semaphore, #tpu.memory_space<semaphore_mem>>)
      %dma_wait3A_86 = tpu.memref_slice %arg3[%add3A_4] : memref<4096xi32, #tpu.memory_space<hbm>> -> memref<32xi32, #tpu.memory_space<hbm>>
      %dma_wait3A_87 = tpu.memref_slice %arg3[%add3A_4] : memref<4096xi32, #tpu.memory_space<hbm>> -> memref<32xi32, #tpu.memory_space<hbm>>
      tpu.wait_dma2 semaphore(%run_scoped3A : memref<!tpu.dma_semaphore, #tpu.memory_space<semaphore_mem>>) src(%dma_wait3A_87 : memref<32xi32, #tpu.memory_space<hbm>>) dst(%arg8 : memref<32xi32, #tpu.memory_space<vmem>>)
      tpu.yield
    }) : () -> ()
    "tpu.region"() ({
      %run_scoped3A = tpu.sem_alloc : memref<!tpu.dma_semaphore, #tpu.memory_space<semaphore_mem>>
      %dma_start3A_84 = tpu.memref_slice %arg4[%add3A_4] : memref<4096xi32, #tpu.memory_space<hbm>> -> memref<32xi32, #tpu.memory_space<hbm>>
      %dma_start3A_85 = tpu.memref_slice %arg4[%add3A_4] : memref<4096xi32, #tpu.memory_space<hbm>> -> memref<32xi32, #tpu.memory_space<hbm>>
      tpu.enqueue_dma source(%dma_start3A_85 : memref<32xi32, #tpu.memory_space<hbm>>) target(%arg9 : memref<32xi32, #tpu.memory_space<vmem>>) target_semaphore(%run_scoped3A : memref<!tpu.dma_semaphore, #tpu.memory_space<semaphore_mem>>)
      %dma_wait3A_86 = tpu.memref_slice %arg4[%add3A_4] : memref<4096xi32, #tpu.memory_space<hbm>> -> memref<32xi32, #tpu.memory_space<hbm>>
      %dma_wait3A_87 = tpu.memref_slice %arg4[%add3A_4] : memref<4096xi32, #tpu.memory_space<hbm>> -> memref<32xi32, #tpu.memory_space<hbm>>
      tpu.wait_dma2 semaphore(%run_scoped3A : memref<!tpu.dma_semaphore, #tpu.memory_space<semaphore_mem>>) src(%dma_wait3A_87 : memref<32xi32, #tpu.memory_space<hbm>>) dst(%arg9 : memref<32xi32, #tpu.memory_space<vmem>>)
      tpu.yield
    }) : () -> ()
    "tpu.region"() ({
      %run_scoped3A = tpu.sem_alloc : memref<!tpu.dma_semaphore, #tpu.memory_space<semaphore_mem>>
      %dma_start3A_84 = arith.constant 0 : i32
      %dma_start3A_85 = tpu.memref_slice %arg5[%add3A_4, %dma_start3A_84] : memref<4096x16xf32, #tpu.memory_space<hbm>> -> memref<32x16xf32, #tpu.memory_space<hbm>>
      %dma_start3A_86 = arith.constant 0 : i32
      %dma_start3A_87 = tpu.memref_slice %arg5[%add3A_4, %dma_start3A_86] : memref<4096x16xf32, #tpu.memory_space<hbm>> -> memref<32x16xf32, #tpu.memory_space<hbm>>
      tpu.enqueue_dma source(%dma_start3A_87 : memref<32x16xf32, #tpu.memory_space<hbm>>) target(%arg10 : memref<32x16xf32, #tpu.memory_space<vmem>>) target_semaphore(%run_scoped3A : memref<!tpu.dma_semaphore, #tpu.memory_space<semaphore_mem>>)
      %dma_wait3A_88 = arith.constant 0 : i32
      %dma_wait3A_89 = tpu.memref_slice %arg5[%add3A_4, %dma_wait3A_88] : memref<4096x16xf32, #tpu.memory_space<hbm>> -> memref<32x16xf32, #tpu.memory_space<hbm>>
      %dma_wait3A_90 = arith.constant 0 : i32
      %dma_wait3A_91 = tpu.memref_slice %arg5[%add3A_4, %dma_wait3A_90] : memref<4096x16xf32, #tpu.memory_space<hbm>> -> memref<32x16xf32, #tpu.memory_space<hbm>>
      tpu.wait_dma2 semaphore(%run_scoped3A : memref<!tpu.dma_semaphore, #tpu.memory_space<semaphore_mem>>) src(%dma_wait3A_91 : memref<32x16xf32, #tpu.memory_space<hbm>>) dst(%arg10 : memref<32x16xf32, #tpu.memory_space<vmem>>)
      tpu.yield
    }) : () -> ()
    "tpu.region"() ({
      %run_scoped3A = tpu.sem_alloc : memref<!tpu.dma_semaphore, #tpu.memory_space<semaphore_mem>>
      %dma_start3A_84 = arith.constant 0 : i32
      %dma_start3A_85 = tpu.memref_slice %arg6[%add3A_4, %dma_start3A_84] : memref<4096x16xf32, #tpu.memory_space<hbm>> -> memref<32x16xf32, #tpu.memory_space<hbm>>
      %dma_start3A_86 = arith.constant 0 : i32
      %dma_start3A_87 = tpu.memref_slice %arg6[%add3A_4, %dma_start3A_86] : memref<4096x16xf32, #tpu.memory_space<hbm>> -> memref<32x16xf32, #tpu.memory_space<hbm>>
      tpu.enqueue_dma source(%dma_start3A_87 : memref<32x16xf32, #tpu.memory_space<hbm>>) target(%arg11 : memref<32x16xf32, #tpu.memory_space<vmem>>) target_semaphore(%run_scoped3A : memref<!tpu.dma_semaphore, #tpu.memory_space<semaphore_mem>>)
      %dma_wait3A_88 = arith.constant 0 : i32
      %dma_wait3A_89 = tpu.memref_slice %arg6[%add3A_4, %dma_wait3A_88] : memref<4096x16xf32, #tpu.memory_space<hbm>> -> memref<32x16xf32, #tpu.memory_space<hbm>>
      %dma_wait3A_90 = arith.constant 0 : i32
      %dma_wait3A_91 = tpu.memref_slice %arg6[%add3A_4, %dma_wait3A_90] : memref<4096x16xf32, #tpu.memory_space<hbm>> -> memref<32x16xf32, #tpu.memory_space<hbm>>
      tpu.wait_dma2 semaphore(%run_scoped3A : memref<!tpu.dma_semaphore, #tpu.memory_space<semaphore_mem>>) src(%dma_wait3A_91 : memref<32x16xf32, #tpu.memory_space<hbm>>) dst(%arg11 : memref<32x16xf32, #tpu.memory_space<vmem>>)
      tpu.yield
    }) : () -> ()
    %dma_start3A = arith.constant 0 : i32
    %dma_start3A_5 = arith.constant 0 : i32
    %dma_start3A_6 = tpu.memref_slice %arg2[%dma_start3A, %dma_start3A_5] : memref<10240x1024xf32, #tpu.memory_space<hbm>> -> memref<10240x1024xf32, #tpu.memory_space<hbm>>
    tpu.enqueue_indirect_dma source(%dma_start3A_6 : memref<10240x1024xf32, #tpu.memory_space<hbm>>) target(%arg12 : memref<32x1024xf32, #tpu.memory_space<vmem>>) offsets(%arg8 : memref<32xi32, #tpu.memory_space<vmem>>) semaphore(%arg15 : memref<!tpu.dma_semaphore, #tpu.memory_space<semaphore_mem>>)
    %dma_start3A_7 = arith.constant 0 : i32
    %dma_start3A_8 = arith.constant 0 : i32
    %dma_start3A_9 = tpu.memref_slice %arg2[%dma_start3A_7, %dma_start3A_8] : memref<10240x1024xf32, #tpu.memory_space<hbm>> -> memref<10240x1024xf32, #tpu.memory_space<hbm>>
    tpu.enqueue_indirect_dma source(%dma_start3A_9 : memref<10240x1024xf32, #tpu.memory_space<hbm>>) target(%arg13 : memref<32x1024xf32, #tpu.memory_space<vmem>>) offsets(%arg9 : memref<32xi32, #tpu.memory_space<vmem>>) semaphore(%arg15 : memref<!tpu.dma_semaphore, #tpu.memory_space<semaphore_mem>>)
    %dma_wait3A = arith.constant 0 : i32
    %dma_wait3A_10 = arith.constant 0 : i32
    %dma_wait3A_11 = tpu.memref_slice %arg2[%dma_wait3A, %dma_wait3A_10] : memref<10240x1024xf32, #tpu.memory_space<hbm>> -> memref<10240x1024xf32, #tpu.memory_space<hbm>>
    tpu.wait_indirect_dma semaphore(%arg15 : memref<!tpu.dma_semaphore, #tpu.memory_space<semaphore_mem>>) src(%dma_wait3A_11 : memref<10240x1024xf32, #tpu.memory_space<hbm>>) dst(%arg12 : memref<32x1024xf32, #tpu.memory_space<vmem>>)
    %dma_wait3A_12 = arith.constant 0 : i32
    %dma_wait3A_13 = arith.constant 0 : i32
    %dma_wait3A_14 = tpu.memref_slice %arg2[%dma_wait3A_12, %dma_wait3A_13] : memref<10240x1024xf32, #tpu.memory_space<hbm>> -> memref<10240x1024xf32, #tpu.memory_space<hbm>>
    tpu.wait_indirect_dma semaphore(%arg15 : memref<!tpu.dma_semaphore, #tpu.memory_space<semaphore_mem>>) src(%dma_wait3A_14 : memref<10240x1024xf32, #tpu.memory_space<hbm>>) dst(%arg13 : memref<32x1024xf32, #tpu.memory_space<vmem>>)
    %scan3A = arith.constant 0 : i32
    %scan3A_15 = arith.constant 0 : i32
    %scan3A_16 = arith.constant 32 : i32
    %scan3A_17 = arith.addi %scan3A_15, %scan3A_16 : i32
    %scan3A_18 = arith.constant 1 : i32
    %scan3A_19 = scf.for %scan3A_84 = %scan3A_15 to %scan3A_17 step %scan3A_18 iter_args(%scan3A_85 = %scan3A) -> (i32)  : i32 {
      %get3A = arith.index_cast %scan3A_84 : i32 to index
      %get3A_86 = arith.constant 0 : index
      %get3A_87 = tpu.vector_load %arg10[%get3A, %get3A_86] {strides = array<i32>} : memref<32x16xf32, #tpu.memory_space<vmem>>, vector<1x16xf32>,
      %get3A_88 = vector.shape_cast %get3A_87 : vector<1x16xf32> to vector<16xf32>
      %get3A_89 = arith.index_cast %scan3A_84 : i32 to index
      %get3A_90 = arith.constant 0 : index
      %get3A_91 = tpu.vector_load %arg11[%get3A_89, %get3A_90] {strides = array<i32>} : memref<32x16xf32, #tpu.memory_space<vmem>>, vector<1x16xf32>,
      %get3A_92 = vector.shape_cast %get3A_91 : vector<1x16xf32> to vector<16xf32>
      %scan3A_93 = arith.constant 0 : i32
      %scan3A_94 = arith.constant 0 : i32
      %scan3A_95 = arith.constant 64 : i32
      %scan3A_96 = arith.addi %scan3A_94, %scan3A_95 : i32
      %scan3A_97 = arith.constant 4 : i32
      %scan3A_98 = scf.for %scan3A_101 = %scan3A_94 to %scan3A_96 step %scan3A_97 iter_args(%scan3A_102 = %scan3A_93) -> (i32)  : i32 {
        %mul3A_103 = arith.constant 16 : i32
        %mul3A_104 = arith.muli %scan3A_101, %mul3A_103 : i32
        %get3A_105 = arith.index_cast %scan3A_84 : i32 to index
        %get3A_106 = arith.index_cast %mul3A_104 : i32 to index
        %get3A_107 = tpu.vector_load %arg12[%get3A_105, %get3A_106] {strides = array<i32>} : memref<32x1024xf32, #tpu.memory_space<vmem>>, vector<1x16xf32>,
        %get3A_108 = vector.shape_cast %get3A_107 : vector<1x16xf32> to vector<16xf32>
        %mul3A_109 = arith.mulf %get3A_88, %get3A_108 : vector<16xf32>
        %get3A_110 = arith.index_cast %scan3A_84 : i32 to index
        %get3A_111 = arith.index_cast %mul3A_104 : i32 to index
        %get3A_112 = tpu.vector_load %arg13[%get3A_110, %get3A_111] {strides = array<i32>} : memref<32x1024xf32, #tpu.memory_space<vmem>>, vector<1x16xf32>,
        %get3A_113 = vector.shape_cast %get3A_112 : vector<1x16xf32> to vector<16xf32>
        %mul3A_114 = arith.mulf %get3A_92, %get3A_113 : vector<16xf32>
        %add3A_115 = arith.addf %mul3A_109, %mul3A_114 : vector<16xf32>
        %swap3A = arith.index_cast %scan3A_84 : i32 to index
        %swap3A_116 = arith.index_cast %mul3A_104 : i32 to index
        %swap3A_117 = tpu.vector_load %arg14[%swap3A, %swap3A_116] {strides = array<i32>} : memref<32x1024xf32, #tpu.memory_space<vmem>>, vector<1x16xf32>,
        %swap3A_118 = vector.shape_cast %swap3A_117 : vector<1x16xf32> to vector<16xf32>
        %swap3A_119 = vector.shape_cast %add3A_115 : vector<16xf32> to vector<1x16xf32>
        tpu.vector_store %arg14[%swap3A, %swap3A_116], %swap3A_119 {strides = array<i32>} : memref<32x1024xf32, #tpu.memory_space<vmem>>, vector<1x16xf32>,
        %scan3A_120 = arith.constant 0 : i32
        %scan3A_121 = arith.constant 1 : i32
        %scan3A_122 = arith.addi %scan3A_101, %scan3A_121 : i32
        %mul3A_123 = arith.constant 16 : i32
        %mul3A_124 = arith.muli %scan3A_122, %mul3A_123 : i32
        %get3A_125 = arith.index_cast %scan3A_84 : i32 to index
        %get3A_126 = arith.index_cast %mul3A_124 : i32 to index
        %get3A_127 = tpu.vector_load %arg12[%get3A_125, %get3A_126] {strides = array<i32>} : memref<32x1024xf32, #tpu.memory_space<vmem>>, vector<1x16xf32>,
        %get3A_128 = vector.shape_cast %get3A_127 : vector<1x16xf32> to vector<16xf32>
        %mul3A_129 = arith.mulf %get3A_88, %get3A_128 : vector<16xf32>
        %get3A_130 = arith.index_cast %scan3A_84 : i32 to index
        %get3A_131 = arith.index_cast %mul3A_124 : i32 to index
        %get3A_132 = tpu.vector_load %arg13[%get3A_130, %get3A_131] {strides = array<i32>} : memref<32x1024xf32, #tpu.memory_space<vmem>>, vector<1x16xf32>,
        %get3A_133 = vector.shape_cast %get3A_132 : vector<1x16xf32> to vector<16xf32>
        %mul3A_134 = arith.mulf %get3A_92, %get3A_133 : vector<16xf32>
        %add3A_135 = arith.addf %mul3A_129, %mul3A_134 : vector<16xf32>
        %swap3A_136 = arith.index_cast %scan3A_84 : i32 to index
        %swap3A_137 = arith.index_cast %mul3A_124 : i32 to index
        %swap3A_138 = tpu.vector_load %arg14[%swap3A_136, %swap3A_137] {strides = array<i32>} : memref<32x1024xf32, #tpu.memory_space<vmem>>, vector<1x16xf32>,
        %swap3A_139 = vector.shape_cast %swap3A_138 : vector<1x16xf32> to vector<16xf32>
        %swap3A_140 = vector.shape_cast %add3A_135 : vector<16xf32> to vector<1x16xf32>
        tpu.vector_store %arg14[%swap3A_136, %swap3A_137], %swap3A_140 {strides = array<i32>} : memref<32x1024xf32, #tpu.memory_space<vmem>>, vector<1x16xf32>,
        %scan3A_141 = arith.constant 0 : i32
        %scan3A_142 = arith.constant 2 : i32
        %scan3A_143 = arith.addi %scan3A_101, %scan3A_142 : i32
        %mul3A_144 = arith.constant 16 : i32
        %mul3A_145 = arith.muli %scan3A_143, %mul3A_144 : i32
        %get3A_146 = arith.index_cast %scan3A_84 : i32 to index
        %get3A_147 = arith.index_cast %mul3A_145 : i32 to index
        %get3A_148 = tpu.vector_load %arg12[%get3A_146, %get3A_147] {strides = array<i32>} : memref<32x1024xf32, #tpu.memory_space<vmem>>, vector<1x16xf32>,
        %get3A_149 = vector.shape_cast %get3A_148 : vector<1x16xf32> to vector<16xf32>
        %mul3A_150 = arith.mulf %get3A_88, %get3A_149 : vector<16xf32>
        %get3A_151 = arith.index_cast %scan3A_84 : i32 to index
        %get3A_152 = arith.index_cast %mul3A_145 : i32 to index
        %get3A_153 = tpu.vector_load %arg13[%get3A_151, %get3A_152] {strides = array<i32>} : memref<32x1024xf32, #tpu.memory_space<vmem>>, vector<1x16xf32>,
        %get3A_154 = vector.shape_cast %get3A_153 : vector<1x16xf32> to vector<16xf32>
        %mul3A_155 = arith.mulf %get3A_92, %get3A_154 : vector<16xf32>
        %add3A_156 = arith.addf %mul3A_150, %mul3A_155 : vector<16xf32>
        %swap3A_157 = arith.index_cast %scan3A_84 : i32 to index
        %swap3A_158 = arith.index_cast %mul3A_145 : i32 to index
        %swap3A_159 = tpu.vector_load %arg14[%swap3A_157, %swap3A_158] {strides = array<i32>} : memref<32x1024xf32, #tpu.memory_space<vmem>>, vector<1x16xf32>,
        %swap3A_160 = vector.shape_cast %swap3A_159 : vector<1x16xf32> to vector<16xf32>
        %swap3A_161 = vector.shape_cast %add3A_156 : vector<16xf32> to vector<1x16xf32>
        tpu.vector_store %arg14[%swap3A_157, %swap3A_158], %swap3A_161 {strides = array<i32>} : memref<32x1024xf32, #tpu.memory_space<vmem>>, vector<1x16xf32>,
        %scan3A_162 = arith.constant 0 : i32
        %scan3A_163 = arith.constant 3 : i32
        %scan3A_164 = arith.addi %scan3A_101, %scan3A_163 : i32
        %mul3A_165 = arith.constant 16 : i32
        %mul3A_166 = arith.muli %scan3A_164, %mul3A_165 : i32
        %get3A_167 = arith.index_cast %scan3A_84 : i32 to index
        %get3A_168 = arith.index_cast %mul3A_166 : i32 to index
        %get3A_169 = tpu.vector_load %arg12[%get3A_167, %get3A_168] {strides = array<i32>} : memref<32x1024xf32, #tpu.memory_space<vmem>>, vector<1x16xf32>,
        %get3A_170 = vector.shape_cast %get3A_169 : vector<1x16xf32> to vector<16xf32>
        %mul3A_171 = arith.mulf %get3A_88, %get3A_170 : vector<16xf32>
        %get3A_172 = arith.index_cast %scan3A_84 : i32 to index
        %get3A_173 = arith.index_cast %mul3A_166 : i32 to index
        %get3A_174 = tpu.vector_load %arg13[%get3A_172, %get3A_173] {strides = array<i32>} : memref<32x1024xf32, #tpu.memory_space<vmem>>, vector<1x16xf32>,
        %get3A_175 = vector.shape_cast %get3A_174 : vector<1x16xf32> to vector<16xf32>
        %mul3A_176 = arith.mulf %get3A_92, %get3A_175 : vector<16xf32>
        %add3A_177 = arith.addf %mul3A_171, %mul3A_176 : vector<16xf32>
        %swap3A_178 = arith.index_cast %scan3A_84 : i32 to index
        %swap3A_179 = arith.index_cast %mul3A_166 : i32 to index
        %swap3A_180 = tpu.vector_load %arg14[%swap3A_178, %swap3A_179] {strides = array<i32>} : memref<32x1024xf32, #tpu.memory_space<vmem>>, vector<1x16xf32>,
        %swap3A_181 = vector.shape_cast %swap3A_180 : vector<1x16xf32> to vector<16xf32>
        %swap3A_182 = vector.shape_cast %add3A_177 : vector<16xf32> to vector<1x16xf32>
        tpu.vector_store %arg14[%swap3A_178, %swap3A_179], %swap3A_182 {strides = array<i32>} : memref<32x1024xf32, #tpu.memory_space<vmem>>, vector<1x16xf32>,
        %scan3A_183 = arith.constant 0 : i32
        scf.yield %scan3A_183 : i32
      }
      %scan3A_99 = arith.constant 64 : i32
      %scan3A_100 = arith.constant 0 : i32
      scf.yield %scan3A_100 : i32
    }
    %scan3A_20 = arith.constant 32 : i32
    "tpu.region"() ({
      %run_scoped3A = tpu.sem_alloc : memref<!tpu.dma_semaphore, #tpu.memory_space<semaphore_mem>>
      %dma_start3A_84 = arith.constant 0 : i32
      %dma_start3A_85 = tpu.memref_slice %arg7[%add3A_4, %dma_start3A_84] : memref<4096x1024xf32, #tpu.memory_space<hbm>> -> memref<32x1024xf32, #tpu.memory_space<hbm>>
      %dma_start3A_86 = arith.constant 0 : i32
      %dma_start3A_87 = tpu.memref_slice %arg7[%add3A_4, %dma_start3A_86] : memref<4096x1024xf32, #tpu.memory_space<hbm>> -> memref<32x1024xf32, #tpu.memory_space<hbm>>
      tpu.enqueue_dma source(%arg14 : memref<32x1024xf32, #tpu.memory_space<vmem>>) target(%dma_start3A_87 : memref<32x1024xf32, #tpu.memory_space<hbm>>) target_semaphore(%run_scoped3A : memref<!tpu.dma_semaphore, #tpu.memory_space<semaphore_mem>>)
      %dma_wait3A_88 = arith.constant 0 : i32
      %dma_wait3A_89 = tpu.memref_slice %arg7[%add3A_4, %dma_wait3A_88] : memref<4096x1024xf32, #tpu.memory_space<hbm>> -> memref<32x1024xf32, #tpu.memory_space<hbm>>
      %dma_wait3A_90 = arith.constant 0 : i32
      %dma_wait3A_91 = tpu.memref_slice %arg7[%add3A_4, %dma_wait3A_90] : memref<4096x1024xf32, #tpu.memory_space<hbm>> -> memref<32x1024xf32, #tpu.memory_space<hbm>>
      tpu.wait_dma2 semaphore(%run_scoped3A : memref<!tpu.dma_semaphore, #tpu.memory_space<semaphore_mem>>) src(%arg14 : memref<32x1024xf32, #tpu.memory_space<vmem>>) dst(%dma_wait3A_91 : memref<32x1024xf32, #tpu.memory_space<hbm>>)
      tpu.yield
    }) : () -> ()
    %add3A_21 = arith.constant 32 : i32
    %add3A_22 = arith.addi %mul3A_2, %add3A_21 : i32
    "tpu.region"() ({
      %run_scoped3A = tpu.sem_alloc : memref<!tpu.dma_semaphore, #tpu.memory_space<semaphore_mem>>
      %dma_start3A_84 = tpu.memref_slice %arg3[%add3A_22] : memref<4096xi32, #tpu.memory_space<hbm>> -> memref<32xi32, #tpu.memory_space<hbm>>
      %dma_start3A_85 = tpu.memref_slice %arg3[%add3A_22] : memref<4096xi32, #tpu.memory_space<hbm>> -> memref<32xi32, #tpu.memory_space<hbm>>
      tpu.enqueue_dma source(%dma_start3A_85 : memref<32xi32, #tpu.memory_space<hbm>>) target(%arg8 : memref<32xi32, #tpu.memory_space<vmem>>) target_semaphore(%run_scoped3A : memref<!tpu.dma_semaphore, #tpu.memory_space<semaphore_mem>>)
      %dma_wait3A_86 = tpu.memref_slice %arg3[%add3A_22] : memref<4096xi32, #tpu.memory_space<hbm>> -> memref<32xi32, #tpu.memory_space<hbm>>
      %dma_wait3A_87 = tpu.memref_slice %arg3[%add3A_22] : memref<4096xi32, #tpu.memory_space<hbm>> -> memref<32xi32, #tpu.memory_space<hbm>>
      tpu.wait_dma2 semaphore(%run_scoped3A : memref<!tpu.dma_semaphore, #tpu.memory_space<semaphore_mem>>) src(%dma_wait3A_87 : memref<32xi32, #tpu.memory_space<hbm>>) dst(%arg8 : memref<32xi32, #tpu.memory_space<vmem>>)
      tpu.yield
    }) : () -> ()
    "tpu.region"() ({
      %run_scoped3A = tpu.sem_alloc : memref<!tpu.dma_semaphore, #tpu.memory_space<semaphore_mem>>
      %dma_start3A_84 = tpu.memref_slice %arg4[%add3A_22] : memref<4096xi32, #tpu.memory_space<hbm>> -> memref<32xi32, #tpu.memory_space<hbm>>
      %dma_start3A_85 = tpu.memref_slice %arg4[%add3A_22] : memref<4096xi32, #tpu.memory_space<hbm>> -> memref<32xi32, #tpu.memory_space<hbm>>
      tpu.enqueue_dma source(%dma_start3A_85 : memref<32xi32, #tpu.memory_space<hbm>>) target(%arg9 : memref<32xi32, #tpu.memory_space<vmem>>) target_semaphore(%run_scoped3A : memref<!tpu.dma_semaphore, #tpu.memory_space<semaphore_mem>>)
      %dma_wait3A_86 = tpu.memref_slice %arg4[%add3A_22] : memref<4096xi32, #tpu.memory_space<hbm>> -> memref<32xi32, #tpu.memory_space<hbm>>
      %dma_wait3A_87 = tpu.memref_slice %arg4[%add3A_22] : memref<4096xi32, #tpu.memory_space<hbm>> -> memref<32xi32, #tpu.memory_space<hbm>>
      tpu.wait_dma2 semaphore(%run_scoped3A : memref<!tpu.dma_semaphore, #tpu.memory_space<semaphore_mem>>) src(%dma_wait3A_87 : memref<32xi32, #tpu.memory_space<hbm>>) dst(%arg9 : memref<32xi32, #tpu.memory_space<vmem>>)
      tpu.yield
    }) : () -> ()
    "tpu.region"() ({
      %run_scoped3A = tpu.sem_alloc : memref<!tpu.dma_semaphore, #tpu.memory_space<semaphore_mem>>
      %dma_start3A_84 = arith.constant 0 : i32
      %dma_start3A_85 = tpu.memref_slice %arg5[%add3A_22, %dma_start3A_84] : memref<4096x16xf32, #tpu.memory_space<hbm>> -> memref<32x16xf32, #tpu.memory_space<hbm>>
      %dma_start3A_86 = arith.constant 0 : i32
      %dma_start3A_87 = tpu.memref_slice %arg5[%add3A_22, %dma_start3A_86] : memref<4096x16xf32, #tpu.memory_space<hbm>> -> memref<32x16xf32, #tpu.memory_space<hbm>>
      tpu.enqueue_dma source(%dma_start3A_87 : memref<32x16xf32, #tpu.memory_space<hbm>>) target(%arg10 : memref<32x16xf32, #tpu.memory_space<vmem>>) target_semaphore(%run_scoped3A : memref<!tpu.dma_semaphore, #tpu.memory_space<semaphore_mem>>)
      %dma_wait3A_88 = arith.constant 0 : i32
      %dma_wait3A_89 = tpu.memref_slice %arg5[%add3A_22, %dma_wait3A_88] : memref<4096x16xf32, #tpu.memory_space<hbm>> -> memref<32x16xf32, #tpu.memory_space<hbm>>
      %dma_wait3A_90 = arith.constant 0 : i32
      %dma_wait3A_91 = tpu.memref_slice %arg5[%add3A_22, %dma_wait3A_90] : memref<4096x16xf32, #tpu.memory_space<hbm>> -> memref<32x16xf32, #tpu.memory_space<hbm>>
      tpu.wait_dma2 semaphore(%run_scoped3A : memref<!tpu.dma_semaphore, #tpu.memory_space<semaphore_mem>>) src(%dma_wait3A_91 : memref<32x16xf32, #tpu.memory_space<hbm>>) dst(%arg10 : memref<32x16xf32, #tpu.memory_space<vmem>>)
      tpu.yield
    }) : () -> ()
    "tpu.region"() ({
      %run_scoped3A = tpu.sem_alloc : memref<!tpu.dma_semaphore, #tpu.memory_space<semaphore_mem>>
      %dma_start3A_84 = arith.constant 0 : i32
      %dma_start3A_85 = tpu.memref_slice %arg6[%add3A_22, %dma_start3A_84] : memref<4096x16xf32, #tpu.memory_space<hbm>> -> memref<32x16xf32, #tpu.memory_space<hbm>>
      %dma_start3A_86 = arith.constant 0 : i32
      %dma_start3A_87 = tpu.memref_slice %arg6[%add3A_22, %dma_start3A_86] : memref<4096x16xf32, #tpu.memory_space<hbm>> -> memref<32x16xf32, #tpu.memory_space<hbm>>
      tpu.enqueue_dma source(%dma_start3A_87 : memref<32x16xf32, #tpu.memory_space<hbm>>) target(%arg11 : memref<32x16xf32, #tpu.memory_space<vmem>>) target_semaphore(%run_scoped3A : memref<!tpu.dma_semaphore, #tpu.memory_space<semaphore_mem>>)
      %dma_wait3A_88 = arith.constant 0 : i32
      %dma_wait3A_89 = tpu.memref_slice %arg6[%add3A_22, %dma_wait3A_88] : memref<4096x16xf32, #tpu.memory_space<hbm>> -> memref<32x16xf32, #tpu.memory_space<hbm>>
      %dma_wait3A_90 = arith.constant 0 : i32
      %dma_wait3A_91 = tpu.memref_slice %arg6[%add3A_22, %dma_wait3A_90] : memref<4096x16xf32, #tpu.memory_space<hbm>> -> memref<32x16xf32, #tpu.memory_space<hbm>>
      tpu.wait_dma2 semaphore(%run_scoped3A : memref<!tpu.dma_semaphore, #tpu.memory_space<semaphore_mem>>) src(%dma_wait3A_91 : memref<32x16xf32, #tpu.memory_space<hbm>>) dst(%arg11 : memref<32x16xf32, #tpu.memory_space<vmem>>)
      tpu.yield
    }) : () -> ()
    %dma_start3A_23 = arith.constant 0 : i32
    %dma_start3A_24 = arith.constant 0 : i32
    %dma_start3A_25 = tpu.memref_slice %arg2[%dma_start3A_23, %dma_start3A_24] : memref<10240x1024xf32, #tpu.memory_space<hbm>> -> memref<10240x1024xf32, #tpu.memory_space<hbm>>
    tpu.enqueue_indirect_dma source(%dma_start3A_25 : memref<10240x1024xf32, #tpu.memory_space<hbm>>) target(%arg12 : memref<32x1024xf32, #tpu.memory_space<vmem>>) offsets(%arg8 : memref<32xi32, #tpu.memory_space<vmem>>) semaphore(%arg15 : memref<!tpu.dma_semaphore, #tpu.memory_space<semaphore_mem>>)
    %dma_start3A_26 = arith.constant 0 : i32
    %dma_start3A_27 = arith.constant 0 : i32
    %dma_start3A_28 = tpu.memref_slice %arg2[%dma_start3A_26, %dma_start3A_27] : memref<10240x1024xf32, #tpu.memory_space<hbm>> -> memref<10240x1024xf32, #tpu.memory_space<hbm>>
    tpu.enqueue_indirect_dma source(%dma_start3A_28 : memref<10240x1024xf32, #tpu.memory_space<hbm>>) target(%arg13 : memref<32x1024xf32, #tpu.memory_space<vmem>>) offsets(%arg9 : memref<32xi32, #tpu.memory_space<vmem>>) semaphore(%arg15 : memref<!tpu.dma_semaphore, #tpu.memory_space<semaphore_mem>>)
    %dma_wait3A_29 = arith.constant 0 : i32
    %dma_wait3A_30 = arith.constant 0 : i32
    %dma_wait3A_31 = tpu.memref_slice %arg2[%dma_wait3A_29, %dma_wait3A_30] : memref<10240x1024xf32, #tpu.memory_space<hbm>> -> memref<10240x1024xf32, #tpu.memory_space<hbm>>
    tpu.wait_indirect_dma semaphore(%arg15 : memref<!tpu.dma_semaphore, #tpu.memory_space<semaphore_mem>>) src(%dma_wait3A_31 : memref<10240x1024xf32, #tpu.memory_space<hbm>>) dst(%arg12 : memref<32x1024xf32, #tpu.memory_space<vmem>>)
    %dma_wait3A_32 = arith.constant 0 : i32
    %dma_wait3A_33 = arith.constant 0 : i32
    %dma_wait3A_34 = tpu.memref_slice %arg2[%dma_wait3A_32, %dma_wait3A_33] : memref<10240x1024xf32, #tpu.memory_space<hbm>> -> memref<10240x1024xf32, #tpu.memory_space<hbm>>
    tpu.wait_indirect_dma semaphore(%arg15 : memref<!tpu.dma_semaphore, #tpu.memory_space<semaphore_mem>>) src(%dma_wait3A_34 : memref<10240x1024xf32, #tpu.memory_space<hbm>>) dst(%arg13 : memref<32x1024xf32, #tpu.memory_space<vmem>>)
    %scan3A_35 = arith.constant 0 : i32
    %scan3A_36 = arith.constant 0 : i32
    %scan3A_37 = arith.constant 32 : i32
    %scan3A_38 = arith.addi %scan3A_36, %scan3A_37 : i32
    %scan3A_39 = arith.constant 1 : i32
    %scan3A_40 = scf.for %scan3A_84 = %scan3A_36 to %scan3A_38 step %scan3A_39 iter_args(%scan3A_85 = %scan3A_35) -> (i32)  : i32 {
      %get3A = arith.index_cast %scan3A_84 : i32 to index
      %get3A_86 = arith.constant 0 : index
      %get3A_87 = tpu.vector_load %arg10[%get3A, %get3A_86] {strides = array<i32>} : memref<32x16xf32, #tpu.memory_space<vmem>>, vector<1x16xf32>,
      %get3A_88 = vector.shape_cast %get3A_87 : vector<1x16xf32> to vector<16xf32>
      %get3A_89 = arith.index_cast %scan3A_84 : i32 to index
      %get3A_90 = arith.constant 0 : index
      %get3A_91 = tpu.vector_load %arg11[%get3A_89, %get3A_90] {strides = array<i32>} : memref<32x16xf32, #tpu.memory_space<vmem>>, vector<1x16xf32>,
      %get3A_92 = vector.shape_cast %get3A_91 : vector<1x16xf32> to vector<16xf32>
      %scan3A_93 = arith.constant 0 : i32
      %scan3A_94 = arith.constant 0 : i32
      %scan3A_95 = arith.constant 64 : i32
      %scan3A_96 = arith.addi %scan3A_94, %scan3A_95 : i32
      %scan3A_97 = arith.constant 4 : i32
      %scan3A_98 = scf.for %scan3A_101 = %scan3A_94 to %scan3A_96 step %scan3A_97 iter_args(%scan3A_102 = %scan3A_93) -> (i32)  : i32 {
        %mul3A_103 = arith.constant 16 : i32
        %mul3A_104 = arith.muli %scan3A_101, %mul3A_103 : i32
        %get3A_105 = arith.index_cast %scan3A_84 : i32 to index
        %get3A_106 = arith.index_cast %mul3A_104 : i32 to index
        %get3A_107 = tpu.vector_load %arg12[%get3A_105, %get3A_106] {strides = array<i32>} : memref<32x1024xf32, #tpu.memory_space<vmem>>, vector<1x16xf32>,
        %get3A_108 = vector.shape_cast %get3A_107 : vector<1x16xf32> to vector<16xf32>
        %mul3A_109 = arith.mulf %get3A_88, %get3A_108 : vector<16xf32>
        %get3A_110 = arith.index_cast %scan3A_84 : i32 to index
        %get3A_111 = arith.index_cast %mul3A_104 : i32 to index
        %get3A_112 = tpu.vector_load %arg13[%get3A_110, %get3A_111] {strides = array<i32>} : memref<32x1024xf32, #tpu.memory_space<vmem>>, vector<1x16xf32>,
        %get3A_113 = vector.shape_cast %get3A_112 : vector<1x16xf32> to vector<16xf32>
        %mul3A_114 = arith.mulf %get3A_92, %get3A_113 : vector<16xf32>
        %add3A_115 = arith.addf %mul3A_109, %mul3A_114 : vector<16xf32>
        %swap3A = arith.index_cast %scan3A_84 : i32 to index
        %swap3A_116 = arith.index_cast %mul3A_104 : i32 to index
        %swap3A_117 = tpu.vector_load %arg14[%swap3A, %swap3A_116] {strides = array<i32>} : memref<32x1024xf32, #tpu.memory_space<vmem>>, vector<1x16xf32>,
        %swap3A_118 = vector.shape_cast %swap3A_117 : vector<1x16xf32> to vector<16xf32>
        %swap3A_119 = vector.shape_cast %add3A_115 : vector<16xf32> to vector<1x16xf32>
        tpu.vector_store %arg14[%swap3A, %swap3A_116], %swap3A_119 {strides = array<i32>} : memref<32x1024xf32, #tpu.memory_space<vmem>>, vector<1x16xf32>,
        %scan3A_120 = arith.constant 0 : i32
        %scan3A_121 = arith.constant 1 : i32
        %scan3A_122 = arith.addi %scan3A_101, %scan3A_121 : i32
        %mul3A_123 = arith.constant 16 : i32
        %mul3A_124 = arith.muli %scan3A_122, %mul3A_123 : i32
        %get3A_125 = arith.index_cast %scan3A_84 : i32 to index
        %get3A_126 = arith.index_cast %mul3A_124 : i32 to index
        %get3A_127 = tpu.vector_load %arg12[%get3A_125, %get3A_126] {strides = array<i32>} : memref<32x1024xf32, #tpu.memory_space<vmem>>, vector<1x16xf32>,
        %get3A_128 = vector.shape_cast %get3A_127 : vector<1x16xf32> to vector<16xf32>
        %mul3A_129 = arith.mulf %get3A_88, %get3A_128 : vector<16xf32>
        %get3A_130 = arith.index_cast %scan3A_84 : i32 to index
        %get3A_131 = arith.index_cast %mul3A_124 : i32 to index
        %get3A_132 = tpu.vector_load %arg13[%get3A_130, %get3A_131] {strides = array<i32>} : memref<32x1024xf32, #tpu.memory_space<vmem>>, vector<1x16xf32>,
        %get3A_133 = vector.shape_cast %get3A_132 : vector<1x16xf32> to vector<16xf32>
        %mul3A_134 = arith.mulf %get3A_92, %get3A_133 : vector<16xf32>
        %add3A_135 = arith.addf %mul3A_129, %mul3A_134 : vector<16xf32>
        %swap3A_136 = arith.index_cast %scan3A_84 : i32 to index
        %swap3A_137 = arith.index_cast %mul3A_124 : i32 to index
        %swap3A_138 = tpu.vector_load %arg14[%swap3A_136, %swap3A_137] {strides = array<i32>} : memref<32x1024xf32, #tpu.memory_space<vmem>>, vector<1x16xf32>,
        %swap3A_139 = vector.shape_cast %swap3A_138 : vector<1x16xf32> to vector<16xf32>
        %swap3A_140 = vector.shape_cast %add3A_135 : vector<16xf32> to vector<1x16xf32>
        tpu.vector_store %arg14[%swap3A_136, %swap3A_137], %swap3A_140 {strides = array<i32>} : memref<32x1024xf32, #tpu.memory_space<vmem>>, vector<1x16xf32>,
        %scan3A_141 = arith.constant 0 : i32
        %scan3A_142 = arith.constant 2 : i32
        %scan3A_143 = arith.addi %scan3A_101, %scan3A_142 : i32
        %mul3A_144 = arith.constant 16 : i32
        %mul3A_145 = arith.muli %scan3A_143, %mul3A_144 : i32
        %get3A_146 = arith.index_cast %scan3A_84 : i32 to index
        %get3A_147 = arith.index_cast %mul3A_145 : i32 to index
        %get3A_148 = tpu.vector_load %arg12[%get3A_146, %get3A_147] {strides = array<i32>} : memref<32x1024xf32, #tpu.memory_space<vmem>>, vector<1x16xf32>,
        %get3A_149 = vector.shape_cast %get3A_148 : vector<1x16xf32> to vector<16xf32>
        %mul3A_150 = arith.mulf %get3A_88, %get3A_149 : vector<16xf32>
        %get3A_151 = arith.index_cast %scan3A_84 : i32 to index
        %get3A_152 = arith.index_cast %mul3A_145 : i32 to index
        %get3A_153 = tpu.vector_load %arg13[%get3A_151, %get3A_152] {strides = array<i32>} : memref<32x1024xf32, #tpu.memory_space<vmem>>, vector<1x16xf32>,
        %get3A_154 = vector.shape_cast %get3A_153 : vector<1x16xf32> to vector<16xf32>
        %mul3A_155 = arith.mulf %get3A_92, %get3A_154 : vector<16xf32>
        %add3A_156 = arith.addf %mul3A_150, %mul3A_155 : vector<16xf32>
        %swap3A_157 = arith.index_cast %scan3A_84 : i32 to index
        %swap3A_158 = arith.index_cast %mul3A_145 : i32 to index
        %swap3A_159 = tpu.vector_load %arg14[%swap3A_157, %swap3A_158] {strides = array<i32>} : memref<32x1024xf32, #tpu.memory_space<vmem>>, vector<1x16xf32>,
        %swap3A_160 = vector.shape_cast %swap3A_159 : vector<1x16xf32> to vector<16xf32>
        %swap3A_161 = vector.shape_cast %add3A_156 : vector<16xf32> to vector<1x16xf32>
        tpu.vector_store %arg14[%swap3A_157, %swap3A_158], %swap3A_161 {strides = array<i32>} : memref<32x1024xf32, #tpu.memory_space<vmem>>, vector<1x16xf32>,
        %scan3A_162 = arith.constant 0 : i32
        %scan3A_163 = arith.constant 3 : i32
        %scan3A_164 = arith.addi %scan3A_101, %scan3A_163 : i32
        %mul3A_165 = arith.constant 16 : i32
        %mul3A_166 = arith.muli %scan3A_164, %mul3A_165 : i32
        %get3A_167 = arith.index_cast %scan3A_84 : i32 to index
        %get3A_168 = arith.index_cast %mul3A_166 : i32 to index
        %get3A_169 = tpu.vector_load %arg12[%get3A_167, %get3A_168] {strides = array<i32>} : memref<32x1024xf32, #tpu.memory_space<vmem>>, vector<1x16xf32>,
        %get3A_170 = vector.shape_cast %get3A_169 : vector<1x16xf32> to vector<16xf32>
        %mul3A_171 = arith.mulf %get3A_88, %get3A_170 : vector<16xf32>
        %get3A_172 = arith.index_cast %scan3A_84 : i32 to index
        %get3A_173 = arith.index_cast %mul3A_166 : i32 to index
        %get3A_174 = tpu.vector_load %arg13[%get3A_172, %get3A_173] {strides = array<i32>} : memref<32x1024xf32, #tpu.memory_space<vmem>>, vector<1x16xf32>,
        %get3A_175 = vector.shape_cast %get3A_174 : vector<1x16xf32> to vector<16xf32>
        %mul3A_176 = arith.mulf %get3A_92, %get3A_175 : vector<16xf32>
        %add3A_177 = arith.addf %mul3A_171, %mul3A_176 : vector<16xf32>
        %swap3A_178 = arith.index_cast %scan3A_84 : i32 to index
        %swap3A_179 = arith.index_cast %mul3A_166 : i32 to index
        %swap3A_180 = tpu.vector_load %arg14[%swap3A_178, %swap3A_179] {strides = array<i32>} : memref<32x1024xf32, #tpu.memory_space<vmem>>, vector<1x16xf32>,
        %swap3A_181 = vector.shape_cast %swap3A_180 : vector<1x16xf32> to vector<16xf32>
        %swap3A_182 = vector.shape_cast %add3A_177 : vector<16xf32> to vector<1x16xf32>
        tpu.vector_store %arg14[%swap3A_178, %swap3A_179], %swap3A_182 {strides = array<i32>} : memref<32x1024xf32, #tpu.memory_space<vmem>>, vector<1x16xf32>,
        %scan3A_183 = arith.constant 0 : i32
        scf.yield %scan3A_183 : i32
      }
      %scan3A_99 = arith.constant 64 : i32
      %scan3A_100 = arith.constant 0 : i32
      scf.yield %scan3A_100 : i32
    }
    %scan3A_41 = arith.constant 32 : i32
    "tpu.region"() ({
      %run_scoped3A = tpu.sem_alloc : memref<!tpu.dma_semaphore, #tpu.memory_space<semaphore_mem>>
      %dma_start3A_84 = arith.constant 0 : i32
      %dma_start3A_85 = tpu.memref_slice %arg7[%add3A_22, %dma_start3A_84] : memref<4096x1024xf32, #tpu.memory_space<hbm>> -> memref<32x1024xf32, #tpu.memory_space<hbm>>
      %dma_start3A_86 = arith.constant 0 : i32
      %dma_start3A_87 = tpu.memref_slice %arg7[%add3A_22, %dma_start3A_86] : memref<4096x1024xf32, #tpu.memory_space<hbm>> -> memref<32x1024xf32, #tpu.memory_space<hbm>>
      tpu.enqueue_dma source(%arg14 : memref<32x1024xf32, #tpu.memory_space<vmem>>) target(%dma_start3A_87 : memref<32x1024xf32, #tpu.memory_space<hbm>>) target_semaphore(%run_scoped3A : memref<!tpu.dma_semaphore, #tpu.memory_space<semaphore_mem>>)
      %dma_wait3A_88 = arith.constant 0 : i32
      %dma_wait3A_89 = tpu.memref_slice %arg7[%add3A_22, %dma_wait3A_88] : memref<4096x1024xf32, #tpu.memory_space<hbm>> -> memref<32x1024xf32, #tpu.memory_space<hbm>>
      %dma_wait3A_90 = arith.constant 0 : i32
      %dma_wait3A_91 = tpu.memref_slice %arg7[%add3A_22, %dma_wait3A_90] : memref<4096x1024xf32, #tpu.memory_space<hbm>> -> memref<32x1024xf32, #tpu.memory_space<hbm>>
      tpu.wait_dma2 semaphore(%run_scoped3A : memref<!tpu.dma_semaphore, #tpu.memory_space<semaphore_mem>>) src(%arg14 : memref<32x1024xf32, #tpu.memory_space<vmem>>) dst(%dma_wait3A_91 : memref<32x1024xf32, #tpu.memory_space<hbm>>)
      tpu.yield
    }) : () -> ()
    %add3A_42 = arith.constant 64 : i32
    %add3A_43 = arith.addi %mul3A_2, %add3A_42 : i32
    "tpu.region"() ({
      %run_scoped3A = tpu.sem_alloc : memref<!tpu.dma_semaphore, #tpu.memory_space<semaphore_mem>>
      %dma_start3A_84 = tpu.memref_slice %arg3[%add3A_43] : memref<4096xi32, #tpu.memory_space<hbm>> -> memref<32xi32, #tpu.memory_space<hbm>>
      %dma_start3A_85 = tpu.memref_slice %arg3[%add3A_43] : memref<4096xi32, #tpu.memory_space<hbm>> -> memref<32xi32, #tpu.memory_space<hbm>>
      tpu.enqueue_dma source(%dma_start3A_85 : memref<32xi32, #tpu.memory_space<hbm>>) target(%arg8 : memref<32xi32, #tpu.memory_space<vmem>>) target_semaphore(%run_scoped3A : memref<!tpu.dma_semaphore, #tpu.memory_space<semaphore_mem>>)
      %dma_wait3A_86 = tpu.memref_slice %arg3[%add3A_43] : memref<4096xi32, #tpu.memory_space<hbm>> -> memref<32xi32, #tpu.memory_space<hbm>>
      %dma_wait3A_87 = tpu.memref_slice %arg3[%add3A_43] : memref<4096xi32, #tpu.memory_space<hbm>> -> memref<32xi32, #tpu.memory_space<hbm>>
      tpu.wait_dma2 semaphore(%run_scoped3A : memref<!tpu.dma_semaphore, #tpu.memory_space<semaphore_mem>>) src(%dma_wait3A_87 : memref<32xi32, #tpu.memory_space<hbm>>) dst(%arg8 : memref<32xi32, #tpu.memory_space<vmem>>)
      tpu.yield
    }) : () -> ()
    "tpu.region"() ({
      %run_scoped3A = tpu.sem_alloc : memref<!tpu.dma_semaphore, #tpu.memory_space<semaphore_mem>>
      %dma_start3A_84 = tpu.memref_slice %arg4[%add3A_43] : memref<4096xi32, #tpu.memory_space<hbm>> -> memref<32xi32, #tpu.memory_space<hbm>>
      %dma_start3A_85 = tpu.memref_slice %arg4[%add3A_43] : memref<4096xi32, #tpu.memory_space<hbm>> -> memref<32xi32, #tpu.memory_space<hbm>>
      tpu.enqueue_dma source(%dma_start3A_85 : memref<32xi32, #tpu.memory_space<hbm>>) target(%arg9 : memref<32xi32, #tpu.memory_space<vmem>>) target_semaphore(%run_scoped3A : memref<!tpu.dma_semaphore, #tpu.memory_space<semaphore_mem>>)
      %dma_wait3A_86 = tpu.memref_slice %arg4[%add3A_43] : memref<4096xi32, #tpu.memory_space<hbm>> -> memref<32xi32, #tpu.memory_space<hbm>>
      %dma_wait3A_87 = tpu.memref_slice %arg4[%add3A_43] : memref<4096xi32, #tpu.memory_space<hbm>> -> memref<32xi32, #tpu.memory_space<hbm>>
      tpu.wait_dma2 semaphore(%run_scoped3A : memref<!tpu.dma_semaphore, #tpu.memory_space<semaphore_mem>>) src(%dma_wait3A_87 : memref<32xi32, #tpu.memory_space<hbm>>) dst(%arg9 : memref<32xi32, #tpu.memory_space<vmem>>)
      tpu.yield
    }) : () -> ()
    "tpu.region"() ({
      %run_scoped3A = tpu.sem_alloc : memref<!tpu.dma_semaphore, #tpu.memory_space<semaphore_mem>>
      %dma_start3A_84 = arith.constant 0 : i32
      %dma_start3A_85 = tpu.memref_slice %arg5[%add3A_43, %dma_start3A_84] : memref<4096x16xf32, #tpu.memory_space<hbm>> -> memref<32x16xf32, #tpu.memory_space<hbm>>
      %dma_start3A_86 = arith.constant 0 : i32
      %dma_start3A_87 = tpu.memref_slice %arg5[%add3A_43, %dma_start3A_86] : memref<4096x16xf32, #tpu.memory_space<hbm>> -> memref<32x16xf32, #tpu.memory_space<hbm>>
      tpu.enqueue_dma source(%dma_start3A_87 : memref<32x16xf32, #tpu.memory_space<hbm>>) target(%arg10 : memref<32x16xf32, #tpu.memory_space<vmem>>) target_semaphore(%run_scoped3A : memref<!tpu.dma_semaphore, #tpu.memory_space<semaphore_mem>>)
      %dma_wait3A_88 = arith.constant 0 : i32
      %dma_wait3A_89 = tpu.memref_slice %arg5[%add3A_43, %dma_wait3A_88] : memref<4096x16xf32, #tpu.memory_space<hbm>> -> memref<32x16xf32, #tpu.memory_space<hbm>>
      %dma_wait3A_90 = arith.constant 0 : i32
      %dma_wait3A_91 = tpu.memref_slice %arg5[%add3A_43, %dma_wait3A_90] : memref<4096x16xf32, #tpu.memory_space<hbm>> -> memref<32x16xf32, #tpu.memory_space<hbm>>
      tpu.wait_dma2 semaphore(%run_scoped3A : memref<!tpu.dma_semaphore, #tpu.memory_space<semaphore_mem>>) src(%dma_wait3A_91 : memref<32x16xf32, #tpu.memory_space<hbm>>) dst(%arg10 : memref<32x16xf32, #tpu.memory_space<vmem>>)
      tpu.yield
    }) : () -> ()
    "tpu.region"() ({
      %run_scoped3A = tpu.sem_alloc : memref<!tpu.dma_semaphore, #tpu.memory_space<semaphore_mem>>
      %dma_start3A_84 = arith.constant 0 : i32
      %dma_start3A_85 = tpu.memref_slice %arg6[%add3A_43, %dma_start3A_84] : memref<4096x16xf32, #tpu.memory_space<hbm>> -> memref<32x16xf32, #tpu.memory_space<hbm>>
      %dma_start3A_86 = arith.constant 0 : i32
      %dma_start3A_87 = tpu.memref_slice %arg6[%add3A_43, %dma_start3A_86] : memref<4096x16xf32, #tpu.memory_space<hbm>> -> memref<32x16xf32, #tpu.memory_space<hbm>>
      tpu.enqueue_dma source(%dma_start3A_87 : memref<32x16xf32, #tpu.memory_space<hbm>>) target(%arg11 : memref<32x16xf32, #tpu.memory_space<vmem>>) target_semaphore(%run_scoped3A : memref<!tpu.dma_semaphore, #tpu.memory_space<semaphore_mem>>)
      %dma_wait3A_88 = arith.constant 0 : i32
      %dma_wait3A_89 = tpu.memref_slice %arg6[%add3A_43, %dma_wait3A_88] : memref<4096x16xf32, #tpu.memory_space<hbm>> -> memref<32x16xf32, #tpu.memory_space<hbm>>
      %dma_wait3A_90 = arith.constant 0 : i32
      %dma_wait3A_91 = tpu.memref_slice %arg6[%add3A_43, %dma_wait3A_90] : memref<4096x16xf32, #tpu.memory_space<hbm>> -> memref<32x16xf32, #tpu.memory_space<hbm>>
      tpu.wait_dma2 semaphore(%run_scoped3A : memref<!tpu.dma_semaphore, #tpu.memory_space<semaphore_mem>>) src(%dma_wait3A_91 : memref<32x16xf32, #tpu.memory_space<hbm>>) dst(%arg11 : memref<32x16xf32, #tpu.memory_space<vmem>>)
      tpu.yield
    }) : () -> ()
    %dma_start3A_44 = arith.constant 0 : i32
    %dma_start3A_45 = arith.constant 0 : i32
    %dma_start3A_46 = tpu.memref_slice %arg2[%dma_start3A_44, %dma_start3A_45] : memref<10240x1024xf32, #tpu.memory_space<hbm>> -> memref<10240x1024xf32, #tpu.memory_space<hbm>>
    tpu.enqueue_indirect_dma source(%dma_start3A_46 : memref<10240x1024xf32, #tpu.memory_space<hbm>>) target(%arg12 : memref<32x1024xf32, #tpu.memory_space<vmem>>) offsets(%arg8 : memref<32xi32, #tpu.memory_space<vmem>>) semaphore(%arg15 : memref<!tpu.dma_semaphore, #tpu.memory_space<semaphore_mem>>)
    %dma_start3A_47 = arith.constant 0 : i32
    %dma_start3A_48 = arith.constant 0 : i32
    %dma_start3A_49 = tpu.memref_slice %arg2[%dma_start3A_47, %dma_start3A_48] : memref<10240x1024xf32, #tpu.memory_space<hbm>> -> memref<10240x1024xf32, #tpu.memory_space<hbm>>
    tpu.enqueue_indirect_dma source(%dma_start3A_49 : memref<10240x1024xf32, #tpu.memory_space<hbm>>) target(%arg13 : memref<32x1024xf32, #tpu.memory_space<vmem>>) offsets(%arg9 : memref<32xi32, #tpu.memory_space<vmem>>) semaphore(%arg15 : memref<!tpu.dma_semaphore, #tpu.memory_space<semaphore_mem>>)
    %dma_wait3A_50 = arith.constant 0 : i32
    %dma_wait3A_51 = arith.constant 0 : i32
    %dma_wait3A_52 = tpu.memref_slice %arg2[%dma_wait3A_50, %dma_wait3A_51] : memref<10240x1024xf32, #tpu.memory_space<hbm>> -> memref<10240x1024xf32, #tpu.memory_space<hbm>>
    tpu.wait_indirect_dma semaphore(%arg15 : memref<!tpu.dma_semaphore, #tpu.memory_space<semaphore_mem>>) src(%dma_wait3A_52 : memref<10240x1024xf32, #tpu.memory_space<hbm>>) dst(%arg12 : memref<32x1024xf32, #tpu.memory_space<vmem>>)
    %dma_wait3A_53 = arith.constant 0 : i32
    %dma_wait3A_54 = arith.constant 0 : i32
    %dma_wait3A_55 = tpu.memref_slice %arg2[%dma_wait3A_53, %dma_wait3A_54] : memref<10240x1024xf32, #tpu.memory_space<hbm>> -> memref<10240x1024xf32, #tpu.memory_space<hbm>>
    tpu.wait_indirect_dma semaphore(%arg15 : memref<!tpu.dma_semaphore, #tpu.memory_space<semaphore_mem>>) src(%dma_wait3A_55 : memref<10240x1024xf32, #tpu.memory_space<hbm>>) dst(%arg13 : memref<32x1024xf32, #tpu.memory_space<vmem>>)
    %scan3A_56 = arith.constant 0 : i32
    %scan3A_57 = arith.constant 0 : i32
    %scan3A_58 = arith.constant 32 : i32
    %scan3A_59 = arith.addi %scan3A_57, %scan3A_58 : i32
    %scan3A_60 = arith.constant 1 : i32
    %scan3A_61 = scf.for %scan3A_84 = %scan3A_57 to %scan3A_59 step %scan3A_60 iter_args(%scan3A_85 = %scan3A_56) -> (i32)  : i32 {
      %get3A = arith.index_cast %scan3A_84 : i32 to index
      %get3A_86 = arith.constant 0 : index
      %get3A_87 = tpu.vector_load %arg10[%get3A, %get3A_86] {strides = array<i32>} : memref<32x16xf32, #tpu.memory_space<vmem>>, vector<1x16xf32>,
      %get3A_88 = vector.shape_cast %get3A_87 : vector<1x16xf32> to vector<16xf32>
      %get3A_89 = arith.index_cast %scan3A_84 : i32 to index
      %get3A_90 = arith.constant 0 : index
      %get3A_91 = tpu.vector_load %arg11[%get3A_89, %get3A_90] {strides = array<i32>} : memref<32x16xf32, #tpu.memory_space<vmem>>, vector<1x16xf32>,
      %get3A_92 = vector.shape_cast %get3A_91 : vector<1x16xf32> to vector<16xf32>
      %scan3A_93 = arith.constant 0 : i32
      %scan3A_94 = arith.constant 0 : i32
      %scan3A_95 = arith.constant 64 : i32
      %scan3A_96 = arith.addi %scan3A_94, %scan3A_95 : i32
      %scan3A_97 = arith.constant 4 : i32
      %scan3A_98 = scf.for %scan3A_101 = %scan3A_94 to %scan3A_96 step %scan3A_97 iter_args(%scan3A_102 = %scan3A_93) -> (i32)  : i32 {
        %mul3A_103 = arith.constant 16 : i32
        %mul3A_104 = arith.muli %scan3A_101, %mul3A_103 : i32
        %get3A_105 = arith.index_cast %scan3A_84 : i32 to index
        %get3A_106 = arith.index_cast %mul3A_104 : i32 to index
        %get3A_107 = tpu.vector_load %arg12[%get3A_105, %get3A_106] {strides = array<i32>} : memref<32x1024xf32, #tpu.memory_space<vmem>>, vector<1x16xf32>,
        %get3A_108 = vector.shape_cast %get3A_107 : vector<1x16xf32> to vector<16xf32>
        %mul3A_109 = arith.mulf %get3A_88, %get3A_108 : vector<16xf32>
        %get3A_110 = arith.index_cast %scan3A_84 : i32 to index
        %get3A_111 = arith.index_cast %mul3A_104 : i32 to index
        %get3A_112 = tpu.vector_load %arg13[%get3A_110, %get3A_111] {strides = array<i32>} : memref<32x1024xf32, #tpu.memory_space<vmem>>, vector<1x16xf32>,
        %get3A_113 = vector.shape_cast %get3A_112 : vector<1x16xf32> to vector<16xf32>
        %mul3A_114 = arith.mulf %get3A_92, %get3A_113 : vector<16xf32>
        %add3A_115 = arith.addf %mul3A_109, %mul3A_114 : vector<16xf32>
        %swap3A = arith.index_cast %scan3A_84 : i32 to index
        %swap3A_116 = arith.index_cast %mul3A_104 : i32 to index
        %swap3A_117 = tpu.vector_load %arg14[%swap3A, %swap3A_116] {strides = array<i32>} : memref<32x1024xf32, #tpu.memory_space<vmem>>, vector<1x16xf32>,
        %swap3A_118 = vector.shape_cast %swap3A_117 : vector<1x16xf32> to vector<16xf32>
        %swap3A_119 = vector.shape_cast %add3A_115 : vector<16xf32> to vector<1x16xf32>
        tpu.vector_store %arg14[%swap3A, %swap3A_116], %swap3A_119 {strides = array<i32>} : memref<32x1024xf32, #tpu.memory_space<vmem>>, vector<1x16xf32>,
        %scan3A_120 = arith.constant 0 : i32
        %scan3A_121 = arith.constant 1 : i32
        %scan3A_122 = arith.addi %scan3A_101, %scan3A_121 : i32
        %mul3A_123 = arith.constant 16 : i32
        %mul3A_124 = arith.muli %scan3A_122, %mul3A_123 : i32
        %get3A_125 = arith.index_cast %scan3A_84 : i32 to index
        %get3A_126 = arith.index_cast %mul3A_124 : i32 to index
        %get3A_127 = tpu.vector_load %arg12[%get3A_125, %get3A_126] {strides = array<i32>} : memref<32x1024xf32, #tpu.memory_space<vmem>>, vector<1x16xf32>,
        %get3A_128 = vector.shape_cast %get3A_127 : vector<1x16xf32> to vector<16xf32>
        %mul3A_129 = arith.mulf %get3A_88, %get3A_128 : vector<16xf32>
        %get3A_130 = arith.index_cast %scan3A_84 : i32 to index
        %get3A_131 = arith.index_cast %mul3A_124 : i32 to index
        %get3A_132 = tpu.vector_load %arg13[%get3A_130, %get3A_131] {strides = array<i32>} : memref<32x1024xf32, #tpu.memory_space<vmem>>, vector<1x16xf32>,
        %get3A_133 = vector.shape_cast %get3A_132 : vector<1x16xf32> to vector<16xf32>
        %mul3A_134 = arith.mulf %get3A_92, %get3A_133 : vector<16xf32>
        %add3A_135 = arith.addf %mul3A_129, %mul3A_134 : vector<16xf32>
        %swap3A_136 = arith.index_cast %scan3A_84 : i32 to index
        %swap3A_137 = arith.index_cast %mul3A_124 : i32 to index
        %swap3A_138 = tpu.vector_load %arg14[%swap3A_136, %swap3A_137] {strides = array<i32>} : memref<32x1024xf32, #tpu.memory_space<vmem>>, vector<1x16xf32>,
        %swap3A_139 = vector.shape_cast %swap3A_138 : vector<1x16xf32> to vector<16xf32>
        %swap3A_140 = vector.shape_cast %add3A_135 : vector<16xf32> to vector<1x16xf32>
        tpu.vector_store %arg14[%swap3A_136, %swap3A_137], %swap3A_140 {strides = array<i32>} : memref<32x1024xf32, #tpu.memory_space<vmem>>, vector<1x16xf32>,
        %scan3A_141 = arith.constant 0 : i32
        %scan3A_142 = arith.constant 2 : i32
        %scan3A_143 = arith.addi %scan3A_101, %scan3A_142 : i32
        %mul3A_144 = arith.constant 16 : i32
        %mul3A_145 = arith.muli %scan3A_143, %mul3A_144 : i32
        %get3A_146 = arith.index_cast %scan3A_84 : i32 to index
        %get3A_147 = arith.index_cast %mul3A_145 : i32 to index
        %get3A_148 = tpu.vector_load %arg12[%get3A_146, %get3A_147] {strides = array<i32>} : memref<32x1024xf32, #tpu.memory_space<vmem>>, vector<1x16xf32>,
        %get3A_149 = vector.shape_cast %get3A_148 : vector<1x16xf32> to vector<16xf32>
        %mul3A_150 = arith.mulf %get3A_88, %get3A_149 : vector<16xf32>
        %get3A_151 = arith.index_cast %scan3A_84 : i32 to index
        %get3A_152 = arith.index_cast %mul3A_145 : i32 to index
        %get3A_153 = tpu.vector_load %arg13[%get3A_151, %get3A_152] {strides = array<i32>} : memref<32x1024xf32, #tpu.memory_space<vmem>>, vector<1x16xf32>,
        %get3A_154 = vector.shape_cast %get3A_153 : vector<1x16xf32> to vector<16xf32>
        %mul3A_155 = arith.mulf %get3A_92, %get3A_154 : vector<16xf32>
        %add3A_156 = arith.addf %mul3A_150, %mul3A_155 : vector<16xf32>
        %swap3A_157 = arith.index_cast %scan3A_84 : i32 to index
        %swap3A_158 = arith.index_cast %mul3A_145 : i32 to index
        %swap3A_159 = tpu.vector_load %arg14[%swap3A_157, %swap3A_158] {strides = array<i32>} : memref<32x1024xf32, #tpu.memory_space<vmem>>, vector<1x16xf32>,
        %swap3A_160 = vector.shape_cast %swap3A_159 : vector<1x16xf32> to vector<16xf32>
        %swap3A_161 = vector.shape_cast %add3A_156 : vector<16xf32> to vector<1x16xf32>
        tpu.vector_store %arg14[%swap3A_157, %swap3A_158], %swap3A_161 {strides = array<i32>} : memref<32x1024xf32, #tpu.memory_space<vmem>>, vector<1x16xf32>,
        %scan3A_162 = arith.constant 0 : i32
        %scan3A_163 = arith.constant 3 : i32
        %scan3A_164 = arith.addi %scan3A_101, %scan3A_163 : i32
        %mul3A_165 = arith.constant 16 : i32
        %mul3A_166 = arith.muli %scan3A_164, %mul3A_165 : i32
        %get3A_167 = arith.index_cast %scan3A_84 : i32 to index
        %get3A_168 = arith.index_cast %mul3A_166 : i32 to index
        %get3A_169 = tpu.vector_load %arg12[%get3A_167, %get3A_168] {strides = array<i32>} : memref<32x1024xf32, #tpu.memory_space<vmem>>, vector<1x16xf32>,
        %get3A_170 = vector.shape_cast %get3A_169 : vector<1x16xf32> to vector<16xf32>
        %mul3A_171 = arith.mulf %get3A_88, %get3A_170 : vector<16xf32>
        %get3A_172 = arith.index_cast %scan3A_84 : i32 to index
        %get3A_173 = arith.index_cast %mul3A_166 : i32 to index
        %get3A_174 = tpu.vector_load %arg13[%get3A_172, %get3A_173] {strides = array<i32>} : memref<32x1024xf32, #tpu.memory_space<vmem>>, vector<1x16xf32>,
        %get3A_175 = vector.shape_cast %get3A_174 : vector<1x16xf32> to vector<16xf32>
        %mul3A_176 = arith.mulf %get3A_92, %get3A_175 : vector<16xf32>
        %add3A_177 = arith.addf %mul3A_171, %mul3A_176 : vector<16xf32>
        %swap3A_178 = arith.index_cast %scan3A_84 : i32 to index
        %swap3A_179 = arith.index_cast %mul3A_166 : i32 to index
        %swap3A_180 = tpu.vector_load %arg14[%swap3A_178, %swap3A_179] {strides = array<i32>} : memref<32x1024xf32, #tpu.memory_space<vmem>>, vector<1x16xf32>,
        %swap3A_181 = vector.shape_cast %swap3A_180 : vector<1x16xf32> to vector<16xf32>
        %swap3A_182 = vector.shape_cast %add3A_177 : vector<16xf32> to vector<1x16xf32>
        tpu.vector_store %arg14[%swap3A_178, %swap3A_179], %swap3A_182 {strides = array<i32>} : memref<32x1024xf32, #tpu.memory_space<vmem>>, vector<1x16xf32>,
        %scan3A_183 = arith.constant 0 : i32
        scf.yield %scan3A_183 : i32
      }
      %scan3A_99 = arith.constant 64 : i32
      %scan3A_100 = arith.constant 0 : i32
      scf.yield %scan3A_100 : i32
    }
    %scan3A_62 = arith.constant 32 : i32
    "tpu.region"() ({
      %run_scoped3A = tpu.sem_alloc : memref<!tpu.dma_semaphore, #tpu.memory_space<semaphore_mem>>
      %dma_start3A_84 = arith.constant 0 : i32
      %dma_start3A_85 = tpu.memref_slice %arg7[%add3A_43, %dma_start3A_84] : memref<4096x1024xf32, #tpu.memory_space<hbm>> -> memref<32x1024xf32, #tpu.memory_space<hbm>>
      %dma_start3A_86 = arith.constant 0 : i32
      %dma_start3A_87 = tpu.memref_slice %arg7[%add3A_43, %dma_start3A_86] : memref<4096x1024xf32, #tpu.memory_space<hbm>> -> memref<32x1024xf32, #tpu.memory_space<hbm>>
      tpu.enqueue_dma source(%arg14 : memref<32x1024xf32, #tpu.memory_space<vmem>>) target(%dma_start3A_87 : memref<32x1024xf32, #tpu.memory_space<hbm>>) target_semaphore(%run_scoped3A : memref<!tpu.dma_semaphore, #tpu.memory_space<semaphore_mem>>)
      %dma_wait3A_88 = arith.constant 0 : i32
      %dma_wait3A_89 = tpu.memref_slice %arg7[%add3A_43, %dma_wait3A_88] : memref<4096x1024xf32, #tpu.memory_space<hbm>> -> memref<32x1024xf32, #tpu.memory_space<hbm>>
      %dma_wait3A_90 = arith.constant 0 : i32
      %dma_wait3A_91 = tpu.memref_slice %arg7[%add3A_43, %dma_wait3A_90] : memref<4096x1024xf32, #tpu.memory_space<hbm>> -> memref<32x1024xf32, #tpu.memory_space<hbm>>
      tpu.wait_dma2 semaphore(%run_scoped3A : memref<!tpu.dma_semaphore, #tpu.memory_space<semaphore_mem>>) src(%arg14 : memref<32x1024xf32, #tpu.memory_space<vmem>>) dst(%dma_wait3A_91 : memref<32x1024xf32, #tpu.memory_space<hbm>>)
      tpu.yield
    }) : () -> ()
    %add3A_63 = arith.constant 96 : i32
    %add3A_64 = arith.addi %mul3A_2, %add3A_63 : i32
    "tpu.region"() ({
      %run_scoped3A = tpu.sem_alloc : memref<!tpu.dma_semaphore, #tpu.memory_space<semaphore_mem>>
      %dma_start3A_84 = tpu.memref_slice %arg3[%add3A_64] : memref<4096xi32, #tpu.memory_space<hbm>> -> memref<32xi32, #tpu.memory_space<hbm>>
      %dma_start3A_85 = tpu.memref_slice %arg3[%add3A_64] : memref<4096xi32, #tpu.memory_space<hbm>> -> memref<32xi32, #tpu.memory_space<hbm>>
      tpu.enqueue_dma source(%dma_start3A_85 : memref<32xi32, #tpu.memory_space<hbm>>) target(%arg8 : memref<32xi32, #tpu.memory_space<vmem>>) target_semaphore(%run_scoped3A : memref<!tpu.dma_semaphore, #tpu.memory_space<semaphore_mem>>)
      %dma_wait3A_86 = tpu.memref_slice %arg3[%add3A_64] : memref<4096xi32, #tpu.memory_space<hbm>> -> memref<32xi32, #tpu.memory_space<hbm>>
      %dma_wait3A_87 = tpu.memref_slice %arg3[%add3A_64] : memref<4096xi32, #tpu.memory_space<hbm>> -> memref<32xi32, #tpu.memory_space<hbm>>
      tpu.wait_dma2 semaphore(%run_scoped3A : memref<!tpu.dma_semaphore, #tpu.memory_space<semaphore_mem>>) src(%dma_wait3A_87 : memref<32xi32, #tpu.memory_space<hbm>>) dst(%arg8 : memref<32xi32, #tpu.memory_space<vmem>>)
      tpu.yield
    }) : () -> ()
    "tpu.region"() ({
      %run_scoped3A = tpu.sem_alloc : memref<!tpu.dma_semaphore, #tpu.memory_space<semaphore_mem>>
      %dma_start3A_84 = tpu.memref_slice %arg4[%add3A_64] : memref<4096xi32, #tpu.memory_space<hbm>> -> memref<32xi32, #tpu.memory_space<hbm>>
      %dma_start3A_85 = tpu.memref_slice %arg4[%add3A_64] : memref<4096xi32, #tpu.memory_space<hbm>> -> memref<32xi32, #tpu.memory_space<hbm>>
      tpu.enqueue_dma source(%dma_start3A_85 : memref<32xi32, #tpu.memory_space<hbm>>) target(%arg9 : memref<32xi32, #tpu.memory_space<vmem>>) target_semaphore(%run_scoped3A : memref<!tpu.dma_semaphore, #tpu.memory_space<semaphore_mem>>)
      %dma_wait3A_86 = tpu.memref_slice %arg4[%add3A_64] : memref<4096xi32, #tpu.memory_space<hbm>> -> memref<32xi32, #tpu.memory_space<hbm>>
      %dma_wait3A_87 = tpu.memref_slice %arg4[%add3A_64] : memref<4096xi32, #tpu.memory_space<hbm>> -> memref<32xi32, #tpu.memory_space<hbm>>
      tpu.wait_dma2 semaphore(%run_scoped3A : memref<!tpu.dma_semaphore, #tpu.memory_space<semaphore_mem>>) src(%dma_wait3A_87 : memref<32xi32, #tpu.memory_space<hbm>>) dst(%arg9 : memref<32xi32, #tpu.memory_space<vmem>>)
      tpu.yield
    }) : () -> ()
    "tpu.region"() ({
      %run_scoped3A = tpu.sem_alloc : memref<!tpu.dma_semaphore, #tpu.memory_space<semaphore_mem>>
      %dma_start3A_84 = arith.constant 0 : i32
      %dma_start3A_85 = tpu.memref_slice %arg5[%add3A_64, %dma_start3A_84] : memref<4096x16xf32, #tpu.memory_space<hbm>> -> memref<32x16xf32, #tpu.memory_space<hbm>>
      %dma_start3A_86 = arith.constant 0 : i32
      %dma_start3A_87 = tpu.memref_slice %arg5[%add3A_64, %dma_start3A_86] : memref<4096x16xf32, #tpu.memory_space<hbm>> -> memref<32x16xf32, #tpu.memory_space<hbm>>
      tpu.enqueue_dma source(%dma_start3A_87 : memref<32x16xf32, #tpu.memory_space<hbm>>) target(%arg10 : memref<32x16xf32, #tpu.memory_space<vmem>>) target_semaphore(%run_scoped3A : memref<!tpu.dma_semaphore, #tpu.memory_space<semaphore_mem>>)
      %dma_wait3A_88 = arith.constant 0 : i32
      %dma_wait3A_89 = tpu.memref_slice %arg5[%add3A_64, %dma_wait3A_88] : memref<4096x16xf32, #tpu.memory_space<hbm>> -> memref<32x16xf32, #tpu.memory_space<hbm>>
      %dma_wait3A_90 = arith.constant 0 : i32
      %dma_wait3A_91 = tpu.memref_slice %arg5[%add3A_64, %dma_wait3A_90] : memref<4096x16xf32, #tpu.memory_space<hbm>> -> memref<32x16xf32, #tpu.memory_space<hbm>>
      tpu.wait_dma2 semaphore(%run_scoped3A : memref<!tpu.dma_semaphore, #tpu.memory_space<semaphore_mem>>) src(%dma_wait3A_91 : memref<32x16xf32, #tpu.memory_space<hbm>>) dst(%arg10 : memref<32x16xf32, #tpu.memory_space<vmem>>)
      tpu.yield
    }) : () -> ()
    "tpu.region"() ({
      %run_scoped3A = tpu.sem_alloc : memref<!tpu.dma_semaphore, #tpu.memory_space<semaphore_mem>>
      %dma_start3A_84 = arith.constant 0 : i32
      %dma_start3A_85 = tpu.memref_slice %arg6[%add3A_64, %dma_start3A_84] : memref<4096x16xf32, #tpu.memory_space<hbm>> -> memref<32x16xf32, #tpu.memory_space<hbm>>
      %dma_start3A_86 = arith.constant 0 : i32
      %dma_start3A_87 = tpu.memref_slice %arg6[%add3A_64, %dma_start3A_86] : memref<4096x16xf32, #tpu.memory_space<hbm>> -> memref<32x16xf32, #tpu.memory_space<hbm>>
      tpu.enqueue_dma source(%dma_start3A_87 : memref<32x16xf32, #tpu.memory_space<hbm>>) target(%arg11 : memref<32x16xf32, #tpu.memory_space<vmem>>) target_semaphore(%run_scoped3A : memref<!tpu.dma_semaphore, #tpu.memory_space<semaphore_mem>>)
      %dma_wait3A_88 = arith.constant 0 : i32
      %dma_wait3A_89 = tpu.memref_slice %arg6[%add3A_64, %dma_wait3A_88] : memref<4096x16xf32, #tpu.memory_space<hbm>> -> memref<32x16xf32, #tpu.memory_space<hbm>>
      %dma_wait3A_90 = arith.constant 0 : i32
      %dma_wait3A_91 = tpu.memref_slice %arg6[%add3A_64, %dma_wait3A_90] : memref<4096x16xf32, #tpu.memory_space<hbm>> -> memref<32x16xf32, #tpu.memory_space<hbm>>
      tpu.wait_dma2 semaphore(%run_scoped3A : memref<!tpu.dma_semaphore, #tpu.memory_space<semaphore_mem>>) src(%dma_wait3A_91 : memref<32x16xf32, #tpu.memory_space<hbm>>) dst(%arg11 : memref<32x16xf32, #tpu.memory_space<vmem>>)
      tpu.yield
    }) : () -> ()
    %dma_start3A_65 = arith.constant 0 : i32
    %dma_start3A_66 = arith.constant 0 : i32
    %dma_start3A_67 = tpu.memref_slice %arg2[%dma_start3A_65, %dma_start3A_66] : memref<10240x1024xf32, #tpu.memory_space<hbm>> -> memref<10240x1024xf32, #tpu.memory_space<hbm>>
    tpu.enqueue_indirect_dma source(%dma_start3A_67 : memref<10240x1024xf32, #tpu.memory_space<hbm>>) target(%arg12 : memref<32x1024xf32, #tpu.memory_space<vmem>>) offsets(%arg8 : memref<32xi32, #tpu.memory_space<vmem>>) semaphore(%arg15 : memref<!tpu.dma_semaphore, #tpu.memory_space<semaphore_mem>>)
    %dma_start3A_68 = arith.constant 0 : i32
    %dma_start3A_69 = arith.constant 0 : i32
    %dma_start3A_70 = tpu.memref_slice %arg2[%dma_start3A_68, %dma_start3A_69] : memref<10240x1024xf32, #tpu.memory_space<hbm>> -> memref<10240x1024xf32, #tpu.memory_space<hbm>>
    tpu.enqueue_indirect_dma source(%dma_start3A_70 : memref<10240x1024xf32, #tpu.memory_space<hbm>>) target(%arg13 : memref<32x1024xf32, #tpu.memory_space<vmem>>) offsets(%arg9 : memref<32xi32, #tpu.memory_space<vmem>>) semaphore(%arg15 : memref<!tpu.dma_semaphore, #tpu.memory_space<semaphore_mem>>)
    %dma_wait3A_71 = arith.constant 0 : i32
    %dma_wait3A_72 = arith.constant 0 : i32
    %dma_wait3A_73 = tpu.memref_slice %arg2[%dma_wait3A_71, %dma_wait3A_72] : memref<10240x1024xf32, #tpu.memory_space<hbm>> -> memref<10240x1024xf32, #tpu.memory_space<hbm>>
    tpu.wait_indirect_dma semaphore(%arg15 : memref<!tpu.dma_semaphore, #tpu.memory_space<semaphore_mem>>) src(%dma_wait3A_73 : memref<10240x1024xf32, #tpu.memory_space<hbm>>) dst(%arg12 : memref<32x1024xf32, #tpu.memory_space<vmem>>)
    %dma_wait3A_74 = arith.constant 0 : i32
    %dma_wait3A_75 = arith.constant 0 : i32
    %dma_wait3A_76 = tpu.memref_slice %arg2[%dma_wait3A_74, %dma_wait3A_75] : memref<10240x1024xf32, #tpu.memory_space<hbm>> -> memref<10240x1024xf32, #tpu.memory_space<hbm>>
    tpu.wait_indirect_dma semaphore(%arg15 : memref<!tpu.dma_semaphore, #tpu.memory_space<semaphore_mem>>) src(%dma_wait3A_76 : memref<10240x1024xf32, #tpu.memory_space<hbm>>) dst(%arg13 : memref<32x1024xf32, #tpu.memory_space<vmem>>)
    %scan3A_77 = arith.constant 0 : i32
    %scan3A_78 = arith.constant 0 : i32
    %scan3A_79 = arith.constant 32 : i32
    %scan3A_80 = arith.addi %scan3A_78, %scan3A_79 : i32
    %scan3A_81 = arith.constant 1 : i32
    %scan3A_82 = scf.for %scan3A_84 = %scan3A_78 to %scan3A_80 step %scan3A_81 iter_args(%scan3A_85 = %scan3A_77) -> (i32)  : i32 {
      %get3A = arith.index_cast %scan3A_84 : i32 to index
      %get3A_86 = arith.constant 0 : index
      %get3A_87 = tpu.vector_load %arg10[%get3A, %get3A_86] {strides = array<i32>} : memref<32x16xf32, #tpu.memory_space<vmem>>, vector<1x16xf32>,
      %get3A_88 = vector.shape_cast %get3A_87 : vector<1x16xf32> to vector<16xf32>
      %get3A_89 = arith.index_cast %scan3A_84 : i32 to index
      %get3A_90 = arith.constant 0 : index
      %get3A_91 = tpu.vector_load %arg11[%get3A_89, %get3A_90] {strides = array<i32>} : memref<32x16xf32, #tpu.memory_space<vmem>>, vector<1x16xf32>,
      %get3A_92 = vector.shape_cast %get3A_91 : vector<1x16xf32> to vector<16xf32>
      %scan3A_93 = arith.constant 0 : i32
      %scan3A_94 = arith.constant 0 : i32
      %scan3A_95 = arith.constant 64 : i32
      %scan3A_96 = arith.addi %scan3A_94, %scan3A_95 : i32
      %scan3A_97 = arith.constant 4 : i32
      %scan3A_98 = scf.for %scan3A_101 = %scan3A_94 to %scan3A_96 step %scan3A_97 iter_args(%scan3A_102 = %scan3A_93) -> (i32)  : i32 {
        %mul3A_103 = arith.constant 16 : i32
        %mul3A_104 = arith.muli %scan3A_101, %mul3A_103 : i32
        %get3A_105 = arith.index_cast %scan3A_84 : i32 to index
        %get3A_106 = arith.index_cast %mul3A_104 : i32 to index
        %get3A_107 = tpu.vector_load %arg12[%get3A_105, %get3A_106] {strides = array<i32>} : memref<32x1024xf32, #tpu.memory_space<vmem>>, vector<1x16xf32>,
        %get3A_108 = vector.shape_cast %get3A_107 : vector<1x16xf32> to vector<16xf32>
        %mul3A_109 = arith.mulf %get3A_88, %get3A_108 : vector<16xf32>
        %get3A_110 = arith.index_cast %scan3A_84 : i32 to index
        %get3A_111 = arith.index_cast %mul3A_104 : i32 to index
        %get3A_112 = tpu.vector_load %arg13[%get3A_110, %get3A_111] {strides = array<i32>} : memref<32x1024xf32, #tpu.memory_space<vmem>>, vector<1x16xf32>,
        %get3A_113 = vector.shape_cast %get3A_112 : vector<1x16xf32> to vector<16xf32>
        %mul3A_114 = arith.mulf %get3A_92, %get3A_113 : vector<16xf32>
        %add3A_115 = arith.addf %mul3A_109, %mul3A_114 : vector<16xf32>
        %swap3A = arith.index_cast %scan3A_84 : i32 to index
        %swap3A_116 = arith.index_cast %mul3A_104 : i32 to index
        %swap3A_117 = tpu.vector_load %arg14[%swap3A, %swap3A_116] {strides = array<i32>} : memref<32x1024xf32, #tpu.memory_space<vmem>>, vector<1x16xf32>,
        %swap3A_118 = vector.shape_cast %swap3A_117 : vector<1x16xf32> to vector<16xf32>
        %swap3A_119 = vector.shape_cast %add3A_115 : vector<16xf32> to vector<1x16xf32>
        tpu.vector_store %arg14[%swap3A, %swap3A_116], %swap3A_119 {strides = array<i32>} : memref<32x1024xf32, #tpu.memory_space<vmem>>, vector<1x16xf32>,
        %scan3A_120 = arith.constant 0 : i32
        %scan3A_121 = arith.constant 1 : i32
        %scan3A_122 = arith.addi %scan3A_101, %scan3A_121 : i32
        %mul3A_123 = arith.constant 16 : i32
        %mul3A_124 = arith.muli %scan3A_122, %mul3A_123 : i32
        %get3A_125 = arith.index_cast %scan3A_84 : i32 to index
        %get3A_126 = arith.index_cast %mul3A_124 : i32 to index
        %get3A_127 = tpu.vector_load %arg12[%get3A_125, %get3A_126] {strides = array<i32>} : memref<32x1024xf32, #tpu.memory_space<vmem>>, vector<1x16xf32>,
        %get3A_128 = vector.shape_cast %get3A_127 : vector<1x16xf32> to vector<16xf32>
        %mul3A_129 = arith.mulf %get3A_88, %get3A_128 : vector<16xf32>
        %get3A_130 = arith.index_cast %scan3A_84 : i32 to index
        %get3A_131 = arith.index_cast %mul3A_124 : i32 to index
        %get3A_132 = tpu.vector_load %arg13[%get3A_130, %get3A_131] {strides = array<i32>} : memref<32x1024xf32, #tpu.memory_space<vmem>>, vector<1x16xf32>,
        %get3A_133 = vector.shape_cast %get3A_132 : vector<1x16xf32> to vector<16xf32>
        %mul3A_134 = arith.mulf %get3A_92, %get3A_133 : vector<16xf32>
        %add3A_135 = arith.addf %mul3A_129, %mul3A_134 : vector<16xf32>
        %swap3A_136 = arith.index_cast %scan3A_84 : i32 to index
        %swap3A_137 = arith.index_cast %mul3A_124 : i32 to index
        %swap3A_138 = tpu.vector_load %arg14[%swap3A_136, %swap3A_137] {strides = array<i32>} : memref<32x1024xf32, #tpu.memory_space<vmem>>, vector<1x16xf32>,
        %swap3A_139 = vector.shape_cast %swap3A_138 : vector<1x16xf32> to vector<16xf32>
        %swap3A_140 = vector.shape_cast %add3A_135 : vector<16xf32> to vector<1x16xf32>
        tpu.vector_store %arg14[%swap3A_136, %swap3A_137], %swap3A_140 {strides = array<i32>} : memref<32x1024xf32, #tpu.memory_space<vmem>>, vector<1x16xf32>,
        %scan3A_141 = arith.constant 0 : i32
        %scan3A_142 = arith.constant 2 : i32
        %scan3A_143 = arith.addi %scan3A_101, %scan3A_142 : i32
        %mul3A_144 = arith.constant 16 : i32
        %mul3A_145 = arith.muli %scan3A_143, %mul3A_144 : i32
        %get3A_146 = arith.index_cast %scan3A_84 : i32 to index
        %get3A_147 = arith.index_cast %mul3A_145 : i32 to index
        %get3A_148 = tpu.vector_load %arg12[%get3A_146, %get3A_147] {strides = array<i32>} : memref<32x1024xf32, #tpu.memory_space<vmem>>, vector<1x16xf32>,
        %get3A_149 = vector.shape_cast %get3A_148 : vector<1x16xf32> to vector<16xf32>
        %mul3A_150 = arith.mulf %get3A_88, %get3A_149 : vector<16xf32>
        %get3A_151 = arith.index_cast %scan3A_84 : i32 to index
        %get3A_152 = arith.index_cast %mul3A_145 : i32 to index
        %get3A_153 = tpu.vector_load %arg13[%get3A_151, %get3A_152] {strides = array<i32>} : memref<32x1024xf32, #tpu.memory_space<vmem>>, vector<1x16xf32>,
        %get3A_154 = vector.shape_cast %get3A_153 : vector<1x16xf32> to vector<16xf32>
        %mul3A_155 = arith.mulf %get3A_92, %get3A_154 : vector<16xf32>
        %add3A_156 = arith.addf %mul3A_150, %mul3A_155 : vector<16xf32>
        %swap3A_157 = arith.index_cast %scan3A_84 : i32 to index
        %swap3A_158 = arith.index_cast %mul3A_145 : i32 to index
        %swap3A_159 = tpu.vector_load %arg14[%swap3A_157, %swap3A_158] {strides = array<i32>} : memref<32x1024xf32, #tpu.memory_space<vmem>>, vector<1x16xf32>,
        %swap3A_160 = vector.shape_cast %swap3A_159 : vector<1x16xf32> to vector<16xf32>
        %swap3A_161 = vector.shape_cast %add3A_156 : vector<16xf32> to vector<1x16xf32>
        tpu.vector_store %arg14[%swap3A_157, %swap3A_158], %swap3A_161 {strides = array<i32>} : memref<32x1024xf32, #tpu.memory_space<vmem>>, vector<1x16xf32>,
        %scan3A_162 = arith.constant 0 : i32
        %scan3A_163 = arith.constant 3 : i32
        %scan3A_164 = arith.addi %scan3A_101, %scan3A_163 : i32
        %mul3A_165 = arith.constant 16 : i32
        %mul3A_166 = arith.muli %scan3A_164, %mul3A_165 : i32
        %get3A_167 = arith.index_cast %scan3A_84 : i32 to index
        %get3A_168 = arith.index_cast %mul3A_166 : i32 to index
        %get3A_169 = tpu.vector_load %arg12[%get3A_167, %get3A_168] {strides = array<i32>} : memref<32x1024xf32, #tpu.memory_space<vmem>>, vector<1x16xf32>,
        %get3A_170 = vector.shape_cast %get3A_169 : vector<1x16xf32> to vector<16xf32>
        %mul3A_171 = arith.mulf %get3A_88, %get3A_170 : vector<16xf32>
        %get3A_172 = arith.index_cast %scan3A_84 : i32 to index
        %get3A_173 = arith.index_cast %mul3A_166 : i32 to index
        %get3A_174 = tpu.vector_load %arg13[%get3A_172, %get3A_173] {strides = array<i32>} : memref<32x1024xf32, #tpu.memory_space<vmem>>, vector<1x16xf32>,
        %get3A_175 = vector.shape_cast %get3A_174 : vector<1x16xf32> to vector<16xf32>
        %mul3A_176 = arith.mulf %get3A_92, %get3A_175 : vector<16xf32>
        %add3A_177 = arith.addf %mul3A_171, %mul3A_176 : vector<16xf32>
        %swap3A_178 = arith.index_cast %scan3A_84 : i32 to index
        %swap3A_179 = arith.index_cast %mul3A_166 : i32 to index
        %swap3A_180 = tpu.vector_load %arg14[%swap3A_178, %swap3A_179] {strides = array<i32>} : memref<32x1024xf32, #tpu.memory_space<vmem>>, vector<1x16xf32>,
        %swap3A_181 = vector.shape_cast %swap3A_180 : vector<1x16xf32> to vector<16xf32>
        %swap3A_182 = vector.shape_cast %add3A_177 : vector<16xf32> to vector<1x16xf32>
        tpu.vector_store %arg14[%swap3A_178, %swap3A_179], %swap3A_182 {strides = array<i32>} : memref<32x1024xf32, #tpu.memory_space<vmem>>, vector<1x16xf32>,
        %scan3A_183 = arith.constant 0 : i32
        scf.yield %scan3A_183 : i32
      }
      %scan3A_99 = arith.constant 64 : i32
      %scan3A_100 = arith.constant 0 : i32
      scf.yield %scan3A_100 : i32
    }
    %scan3A_83 = arith.constant 32 : i32
    "tpu.region"() ({
      %run_scoped3A = tpu.sem_alloc : memref<!tpu.dma_semaphore, #tpu.memory_space<semaphore_mem>>
      %dma_start3A_84 = arith.constant 0 : i32
      %dma_start3A_85 = tpu.memref_slice %arg7[%add3A_64, %dma_start3A_84] : memref<4096x1024xf32, #tpu.memory_space<hbm>> -> memref<32x1024xf32, #tpu.memory_space<hbm>>
      %dma_start3A_86 = arith.constant 0 : i32
      %dma_start3A_87 = tpu.memref_slice %arg7[%add3A_64, %dma_start3A_86] : memref<4096x1024xf32, #tpu.memory_space<hbm>> -> memref<32x1024xf32, #tpu.memory_space<hbm>>
      tpu.enqueue_dma source(%arg14 : memref<32x1024xf32, #tpu.memory_space<vmem>>) target(%dma_start3A_87 : memref<32x1024xf32, #tpu.memory_space<hbm>>) target_semaphore(%run_scoped3A : memref<!tpu.dma_semaphore, #tpu.memory_space<semaphore_mem>>)
      %dma_wait3A_88 = arith.constant 0 : i32
      %dma_wait3A_89 = tpu.memref_slice %arg7[%add3A_64, %dma_wait3A_88] : memref<4096x1024xf32, #tpu.memory_space<hbm>> -> memref<32x1024xf32, #tpu.memory_space<hbm>>
      %dma_wait3A_90 = arith.constant 0 : i32
      %dma_wait3A_91 = tpu.memref_slice %arg7[%add3A_64, %dma_wait3A_90] : memref<4096x1024xf32, #tpu.memory_space<hbm>> -> memref<32x1024xf32, #tpu.memory_space<hbm>>
      tpu.wait_dma2 semaphore(%run_scoped3A : memref<!tpu.dma_semaphore, #tpu.memory_space<semaphore_mem>>) src(%arg14 : memref<32x1024xf32, #tpu.memory_space<vmem>>) dst(%dma_wait3A_91 : memref<32x1024xf32, #tpu.memory_space<hbm>>)
      tpu.yield
    }) : () -> ()
    return
  }
}

#map = affine_map<(d0, d1) -> (0, 0)>
module attributes {stable_mosaic.version = 14 : i64} {
  func.func @_dispatch_body(%arg0: i32, %arg1: i32, %arg2: memref<4096x1024xf32, #tpu.memory_space<hbm>>, %arg3: memref<128x32xi32, #tpu.memory_space<hbm>>, %arg4: memref<128x32xi32, #tpu.memory_space<hbm>>, %arg5: memref<10240x1024xf32, #tpu.memory_space<hbm>>, %arg6: memref<4x32xi32, #tpu.memory_space<vmem>>, %arg7: memref<4x32xi32, #tpu.memory_space<vmem>>, %arg8: memref<2x32x1024xf32, #tpu.memory_space<vmem>>, %arg9: memref<!tpu.dma_semaphore, #tpu.memory_space<semaphore_mem>>, %arg10: memref<!tpu.dma_semaphore, #tpu.memory_space<semaphore_mem>>, %arg11: memref<!tpu.dma_semaphore, #tpu.memory_space<semaphore_mem>>, %arg12: memref<!tpu.dma_semaphore, #tpu.memory_space<semaphore_mem>>, %arg13: memref<!tpu.dma_semaphore, #tpu.memory_space<semaphore_mem>>, %arg14: memref<!tpu.dma_semaphore, #tpu.memory_space<semaphore_mem>>) attributes {dimension_semantics = [#tpu.dimension_semantics<core_parallel>, #tpu.dimension_semantics<subcore_parallel>], iteration_bounds = array<i64: 2, 16>, scalar_prefetch = 0 : i64, scratch_operands = 9 : i64, tpu.core_type = #tpu.core_type<sc_vector_subcore>, window_params = [{transform_indices = #map}, {transform_indices = #map}, {transform_indices = #map}, {transform_indices = #map}]} {
    %mul3A = arith.constant 2 : i32
    %mul3A_0 = arith.muli %arg1, %mul3A : i32
    %add3A = arith.addi %mul3A_0, %arg0 : i32
    %mul3A_1 = arith.constant 128 : i32
    %mul3A_2 = arith.muli %add3A, %mul3A_1 : i32
    %mul3A_3 = arith.constant 4 : i32
    %mul3A_4 = arith.muli %add3A, %mul3A_3 : i32
    "tpu.region"() ({
      %run_scoped3A = tpu.sem_alloc : memref<!tpu.dma_semaphore, #tpu.memory_space<semaphore_mem>>
      %dma_start3A_305 = arith.constant 0 : i32
      %dma_start3A_306 = tpu.memref_slice %arg3[%mul3A_4, %dma_start3A_305] : memref<128x32xi32, #tpu.memory_space<hbm>> -> memref<4x32xi32, #tpu.memory_space<hbm>>
      %dma_start3A_307 = arith.constant 0 : i32
      %dma_start3A_308 = tpu.memref_slice %arg3[%mul3A_4, %dma_start3A_307] : memref<128x32xi32, #tpu.memory_space<hbm>> -> memref<4x32xi32, #tpu.memory_space<hbm>>
      tpu.enqueue_dma source(%dma_start3A_308 : memref<4x32xi32, #tpu.memory_space<hbm>>) target(%arg6 : memref<4x32xi32, #tpu.memory_space<vmem>>) target_semaphore(%run_scoped3A : memref<!tpu.dma_semaphore, #tpu.memory_space<semaphore_mem>>)
      %dma_wait3A_309 = arith.constant 0 : i32
      %dma_wait3A_310 = tpu.memref_slice %arg3[%mul3A_4, %dma_wait3A_309] : memref<128x32xi32, #tpu.memory_space<hbm>> -> memref<4x32xi32, #tpu.memory_space<hbm>>
      %dma_wait3A_311 = arith.constant 0 : i32
      %dma_wait3A_312 = tpu.memref_slice %arg3[%mul3A_4, %dma_wait3A_311] : memref<128x32xi32, #tpu.memory_space<hbm>> -> memref<4x32xi32, #tpu.memory_space<hbm>>
      tpu.wait_dma2 semaphore(%run_scoped3A : memref<!tpu.dma_semaphore, #tpu.memory_space<semaphore_mem>>) src(%dma_wait3A_312 : memref<4x32xi32, #tpu.memory_space<hbm>>) dst(%arg6 : memref<4x32xi32, #tpu.memory_space<vmem>>)
      tpu.yield
    }) : () -> ()
    "tpu.region"() ({
      %run_scoped3A = tpu.sem_alloc : memref<!tpu.dma_semaphore, #tpu.memory_space<semaphore_mem>>
      %dma_start3A_305 = arith.constant 0 : i32
      %dma_start3A_306 = tpu.memref_slice %arg4[%mul3A_4, %dma_start3A_305] : memref<128x32xi32, #tpu.memory_space<hbm>> -> memref<4x32xi32, #tpu.memory_space<hbm>>
      %dma_start3A_307 = arith.constant 0 : i32
      %dma_start3A_308 = tpu.memref_slice %arg4[%mul3A_4, %dma_start3A_307] : memref<128x32xi32, #tpu.memory_space<hbm>> -> memref<4x32xi32, #tpu.memory_space<hbm>>
      tpu.enqueue_dma source(%dma_start3A_308 : memref<4x32xi32, #tpu.memory_space<hbm>>) target(%arg7 : memref<4x32xi32, #tpu.memory_space<vmem>>) target_semaphore(%run_scoped3A : memref<!tpu.dma_semaphore, #tpu.memory_space<semaphore_mem>>)
      %dma_wait3A_309 = arith.constant 0 : i32
      %dma_wait3A_310 = tpu.memref_slice %arg4[%mul3A_4, %dma_wait3A_309] : memref<128x32xi32, #tpu.memory_space<hbm>> -> memref<4x32xi32, #tpu.memory_space<hbm>>
      %dma_wait3A_311 = arith.constant 0 : i32
      %dma_wait3A_312 = tpu.memref_slice %arg4[%mul3A_4, %dma_wait3A_311] : memref<128x32xi32, #tpu.memory_space<hbm>> -> memref<4x32xi32, #tpu.memory_space<hbm>>
      tpu.wait_dma2 semaphore(%run_scoped3A : memref<!tpu.dma_semaphore, #tpu.memory_space<semaphore_mem>>) src(%dma_wait3A_312 : memref<4x32xi32, #tpu.memory_space<hbm>>) dst(%arg7 : memref<4x32xi32, #tpu.memory_space<vmem>>)
      tpu.yield
    }) : () -> ()
    %dma_start3A = arith.constant 0 : i32
    %dma_start3A_5 = arith.constant 0 : i32
    %dma_start3A_6 = arith.constant 0 : i32
    %dma_start3A_7 = tpu.memref_slice %arg8[%dma_start3A, %dma_start3A_5, %dma_start3A_6] : memref<2x32x1024xf32, #tpu.memory_space<vmem>> -> memref<1x32x1024xf32, #tpu.memory_space<vmem>>
    %dma_start3A_8 = tpu.memref_squeeze %dma_start3A_7 : memref<1x32x1024xf32, #tpu.memory_space<vmem>> -> memref<32x1024xf32, #tpu.memory_space<vmem>>
    %dma_start3A_9 = arith.constant 0 : i32
    %dma_start3A_10 = tpu.memref_slice %arg2[%mul3A_2, %dma_start3A_9] : memref<4096x1024xf32, #tpu.memory_space<hbm>> -> memref<32x1024xf32, #tpu.memory_space<hbm>>
    %dma_start3A_11 = arith.constant 0 : i32
    %dma_start3A_12 = arith.constant 0 : i32
    %dma_start3A_13 = tpu.memref_slice %arg8[%dma_start3A, %dma_start3A_11, %dma_start3A_12] : memref<2x32x1024xf32, #tpu.memory_space<vmem>> -> memref<1x32x1024xf32, #tpu.memory_space<vmem>>
    %dma_start3A_14 = tpu.memref_squeeze %dma_start3A_13 : memref<1x32x1024xf32, #tpu.memory_space<vmem>> -> memref<32x1024xf32, #tpu.memory_space<vmem>>
    %dma_start3A_15 = arith.constant 0 : i32
    %dma_start3A_16 = tpu.memref_slice %arg2[%mul3A_2, %dma_start3A_15] : memref<4096x1024xf32, #tpu.memory_space<hbm>> -> memref<32x1024xf32, #tpu.memory_space<hbm>>
    tpu.enqueue_dma source(%dma_start3A_16 : memref<32x1024xf32, #tpu.memory_space<hbm>>) target(%dma_start3A_14 : memref<32x1024xf32, #tpu.memory_space<vmem>>) target_semaphore(%arg9 : memref<!tpu.dma_semaphore, #tpu.memory_space<semaphore_mem>>)
    %dma_wait3A = arith.constant 0 : i32
    %dma_wait3A_17 = arith.constant 0 : i32
    %dma_wait3A_18 = arith.constant 0 : i32
    %dma_wait3A_19 = tpu.memref_slice %arg8[%dma_wait3A, %dma_wait3A_17, %dma_wait3A_18] : memref<2x32x1024xf32, #tpu.memory_space<vmem>> -> memref<1x32x1024xf32, #tpu.memory_space<vmem>>
    %dma_wait3A_20 = tpu.memref_squeeze %dma_wait3A_19 : memref<1x32x1024xf32, #tpu.memory_space<vmem>> -> memref<32x1024xf32, #tpu.memory_space<vmem>>
    %dma_wait3A_21 = arith.constant 0 : i32
    %dma_wait3A_22 = tpu.memref_slice %arg2[%mul3A_2, %dma_wait3A_21] : memref<4096x1024xf32, #tpu.memory_space<hbm>> -> memref<32x1024xf32, #tpu.memory_space<hbm>>
    %dma_wait3A_23 = arith.constant 0 : i32
    %dma_wait3A_24 = arith.constant 0 : i32
    %dma_wait3A_25 = tpu.memref_slice %arg8[%dma_wait3A, %dma_wait3A_23, %dma_wait3A_24] : memref<2x32x1024xf32, #tpu.memory_space<vmem>> -> memref<1x32x1024xf32, #tpu.memory_space<vmem>>
    %dma_wait3A_26 = tpu.memref_squeeze %dma_wait3A_25 : memref<1x32x1024xf32, #tpu.memory_space<vmem>> -> memref<32x1024xf32, #tpu.memory_space<vmem>>
    %dma_wait3A_27 = arith.constant 0 : i32
    %dma_wait3A_28 = tpu.memref_slice %arg2[%mul3A_2, %dma_wait3A_27] : memref<4096x1024xf32, #tpu.memory_space<hbm>> -> memref<32x1024xf32, #tpu.memory_space<hbm>>
    tpu.wait_dma2 semaphore(%arg9 : memref<!tpu.dma_semaphore, #tpu.memory_space<semaphore_mem>>) src(%dma_wait3A_28 : memref<32x1024xf32, #tpu.memory_space<hbm>>) dst(%dma_wait3A_26 : memref<32x1024xf32, #tpu.memory_space<vmem>>)
    %add3A_29 = arith.constant 32 : i32
    %add3A_30 = arith.addi %mul3A_2, %add3A_29 : i32
    %dma_start3A_31 = arith.constant 1 : i32
    %dma_start3A_32 = arith.constant 0 : i32
    %dma_start3A_33 = arith.constant 0 : i32
    %dma_start3A_34 = tpu.memref_slice %arg8[%dma_start3A_31, %dma_start3A_32, %dma_start3A_33] : memref<2x32x1024xf32, #tpu.memory_space<vmem>> -> memref<1x32x1024xf32, #tpu.memory_space<vmem>>
    %dma_start3A_35 = tpu.memref_squeeze %dma_start3A_34 : memref<1x32x1024xf32, #tpu.memory_space<vmem>> -> memref<32x1024xf32, #tpu.memory_space<vmem>>
    %dma_start3A_36 = arith.constant 0 : i32
    %dma_start3A_37 = tpu.memref_slice %arg2[%add3A_30, %dma_start3A_36] : memref<4096x1024xf32, #tpu.memory_space<hbm>> -> memref<32x1024xf32, #tpu.memory_space<hbm>>
    %dma_start3A_38 = arith.constant 0 : i32
    %dma_start3A_39 = arith.constant 0 : i32
    %dma_start3A_40 = tpu.memref_slice %arg8[%dma_start3A_31, %dma_start3A_38, %dma_start3A_39] : memref<2x32x1024xf32, #tpu.memory_space<vmem>> -> memref<1x32x1024xf32, #tpu.memory_space<vmem>>
    %dma_start3A_41 = tpu.memref_squeeze %dma_start3A_40 : memref<1x32x1024xf32, #tpu.memory_space<vmem>> -> memref<32x1024xf32, #tpu.memory_space<vmem>>
    %dma_start3A_42 = arith.constant 0 : i32
    %dma_start3A_43 = tpu.memref_slice %arg2[%add3A_30, %dma_start3A_42] : memref<4096x1024xf32, #tpu.memory_space<hbm>> -> memref<32x1024xf32, #tpu.memory_space<hbm>>
    tpu.enqueue_dma source(%dma_start3A_43 : memref<32x1024xf32, #tpu.memory_space<hbm>>) target(%dma_start3A_41 : memref<32x1024xf32, #tpu.memory_space<vmem>>) target_semaphore(%arg10 : memref<!tpu.dma_semaphore, #tpu.memory_space<semaphore_mem>>)
    %dma_start3A_44 = arith.constant 0 : i32
    %dma_start3A_45 = arith.constant 0 : i32
    %dma_start3A_46 = arith.constant 0 : i32
    %dma_start3A_47 = arith.constant 0 : i32
    %dma_start3A_48 = tpu.memref_slice %arg8[%dma_start3A_44, %dma_start3A_46, %dma_start3A_47] : memref<2x32x1024xf32, #tpu.memory_space<vmem>> -> memref<1x32x1024xf32, #tpu.memory_space<vmem>>
    %dma_start3A_49 = tpu.memref_squeeze %dma_start3A_48 : memref<1x32x1024xf32, #tpu.memory_space<vmem>> -> memref<32x1024xf32, #tpu.memory_space<vmem>>
    %dma_start3A_50 = arith.constant 0 : i32
    %dma_start3A_51 = tpu.memref_slice %arg6[%dma_start3A_45, %dma_start3A_50] : memref<4x32xi32, #tpu.memory_space<vmem>> -> memref<1x32xi32, #tpu.memory_space<vmem>>
    %dma_start3A_52 = tpu.memref_squeeze %dma_start3A_51 : memref<1x32xi32, #tpu.memory_space<vmem>> -> memref<32xi32, #tpu.memory_space<vmem>>
    %dma_start3A_53 = arith.constant 0 : i32
    %dma_start3A_54 = arith.constant 0 : i32
    %dma_start3A_55 = tpu.memref_slice %arg5[%dma_start3A_53, %dma_start3A_54] : memref<10240x1024xf32, #tpu.memory_space<hbm>> -> memref<10240x1024xf32, #tpu.memory_space<hbm>>
    tpu.enqueue_indirect_dma source(%dma_start3A_49 : memref<32x1024xf32, #tpu.memory_space<vmem>>) target(%dma_start3A_55 : memref<10240x1024xf32, #tpu.memory_space<hbm>>) offsets(%dma_start3A_52 : memref<32xi32, #tpu.memory_space<vmem>>) semaphore(%arg11 : memref<!tpu.dma_semaphore, #tpu.memory_space<semaphore_mem>>)
    %dma_start3A_56 = arith.constant 0 : i32
    %dma_start3A_57 = arith.constant 0 : i32
    %dma_start3A_58 = arith.constant 0 : i32
    %dma_start3A_59 = arith.constant 0 : i32
    %dma_start3A_60 = tpu.memref_slice %arg8[%dma_start3A_56, %dma_start3A_58, %dma_start3A_59] : memref<2x32x1024xf32, #tpu.memory_space<vmem>> -> memref<1x32x1024xf32, #tpu.memory_space<vmem>>
    %dma_start3A_61 = tpu.memref_squeeze %dma_start3A_60 : memref<1x32x1024xf32, #tpu.memory_space<vmem>> -> memref<32x1024xf32, #tpu.memory_space<vmem>>
    %dma_start3A_62 = arith.constant 0 : i32
    %dma_start3A_63 = tpu.memref_slice %arg7[%dma_start3A_57, %dma_start3A_62] : memref<4x32xi32, #tpu.memory_space<vmem>> -> memref<1x32xi32, #tpu.memory_space<vmem>>
    %dma_start3A_64 = tpu.memref_squeeze %dma_start3A_63 : memref<1x32xi32, #tpu.memory_space<vmem>> -> memref<32xi32, #tpu.memory_space<vmem>>
    %dma_start3A_65 = arith.constant 0 : i32
    %dma_start3A_66 = arith.constant 0 : i32
    %dma_start3A_67 = tpu.memref_slice %arg5[%dma_start3A_65, %dma_start3A_66] : memref<10240x1024xf32, #tpu.memory_space<hbm>> -> memref<10240x1024xf32, #tpu.memory_space<hbm>>
    tpu.enqueue_indirect_dma source(%dma_start3A_61 : memref<32x1024xf32, #tpu.memory_space<vmem>>) target(%dma_start3A_67 : memref<10240x1024xf32, #tpu.memory_space<hbm>>) offsets(%dma_start3A_64 : memref<32xi32, #tpu.memory_space<vmem>>) semaphore(%arg12 : memref<!tpu.dma_semaphore, #tpu.memory_space<semaphore_mem>>)
    %dma_wait3A_68 = arith.constant 1 : i32
    %dma_wait3A_69 = arith.constant 0 : i32
    %dma_wait3A_70 = arith.constant 0 : i32
    %dma_wait3A_71 = tpu.memref_slice %arg8[%dma_wait3A_68, %dma_wait3A_69, %dma_wait3A_70] : memref<2x32x1024xf32, #tpu.memory_space<vmem>> -> memref<1x32x1024xf32, #tpu.memory_space<vmem>>
    %dma_wait3A_72 = tpu.memref_squeeze %dma_wait3A_71 : memref<1x32x1024xf32, #tpu.memory_space<vmem>> -> memref<32x1024xf32, #tpu.memory_space<vmem>>
    %dma_wait3A_73 = arith.constant 0 : i32
    %dma_wait3A_74 = tpu.memref_slice %arg2[%add3A_30, %dma_wait3A_73] : memref<4096x1024xf32, #tpu.memory_space<hbm>> -> memref<32x1024xf32, #tpu.memory_space<hbm>>
    %dma_wait3A_75 = arith.constant 0 : i32
    %dma_wait3A_76 = arith.constant 0 : i32
    %dma_wait3A_77 = tpu.memref_slice %arg8[%dma_wait3A_68, %dma_wait3A_75, %dma_wait3A_76] : memref<2x32x1024xf32, #tpu.memory_space<vmem>> -> memref<1x32x1024xf32, #tpu.memory_space<vmem>>
    %dma_wait3A_78 = tpu.memref_squeeze %dma_wait3A_77 : memref<1x32x1024xf32, #tpu.memory_space<vmem>> -> memref<32x1024xf32, #tpu.memory_space<vmem>>
    %dma_wait3A_79 = arith.constant 0 : i32
    %dma_wait3A_80 = tpu.memref_slice %arg2[%add3A_30, %dma_wait3A_79] : memref<4096x1024xf32, #tpu.memory_space<hbm>> -> memref<32x1024xf32, #tpu.memory_space<hbm>>
    tpu.wait_dma2 semaphore(%arg10 : memref<!tpu.dma_semaphore, #tpu.memory_space<semaphore_mem>>) src(%dma_wait3A_80 : memref<32x1024xf32, #tpu.memory_space<hbm>>) dst(%dma_wait3A_78 : memref<32x1024xf32, #tpu.memory_space<vmem>>)
    %dma_wait3A_81 = arith.constant 0 : i32
    %dma_wait3A_82 = arith.constant 0 : i32
    %dma_wait3A_83 = arith.constant 0 : i32
    %dma_wait3A_84 = arith.constant 0 : i32
    %dma_wait3A_85 = tpu.memref_slice %arg8[%dma_wait3A_81, %dma_wait3A_83, %dma_wait3A_84] : memref<2x32x1024xf32, #tpu.memory_space<vmem>> -> memref<1x32x1024xf32, #tpu.memory_space<vmem>>
    %dma_wait3A_86 = tpu.memref_squeeze %dma_wait3A_85 : memref<1x32x1024xf32, #tpu.memory_space<vmem>> -> memref<32x1024xf32, #tpu.memory_space<vmem>>
    %dma_wait3A_87 = arith.constant 0 : i32
    %dma_wait3A_88 = tpu.memref_slice %arg6[%dma_wait3A_82, %dma_wait3A_87] : memref<4x32xi32, #tpu.memory_space<vmem>> -> memref<1x32xi32, #tpu.memory_space<vmem>>
    %dma_wait3A_89 = tpu.memref_squeeze %dma_wait3A_88 : memref<1x32xi32, #tpu.memory_space<vmem>> -> memref<32xi32, #tpu.memory_space<vmem>>
    %dma_wait3A_90 = arith.constant 0 : i32
    %dma_wait3A_91 = arith.constant 0 : i32
    %dma_wait3A_92 = tpu.memref_slice %arg5[%dma_wait3A_90, %dma_wait3A_91] : memref<10240x1024xf32, #tpu.memory_space<hbm>> -> memref<10240x1024xf32, #tpu.memory_space<hbm>>
    tpu.wait_indirect_dma semaphore(%arg11 : memref<!tpu.dma_semaphore, #tpu.memory_space<semaphore_mem>>) src(%dma_wait3A_86 : memref<32x1024xf32, #tpu.memory_space<vmem>>) dst(%dma_wait3A_92 : memref<10240x1024xf32, #tpu.memory_space<hbm>>)
    %dma_wait3A_93 = arith.constant 0 : i32
    %dma_wait3A_94 = arith.constant 0 : i32
    %dma_wait3A_95 = arith.constant 0 : i32
    %dma_wait3A_96 = arith.constant 0 : i32
    %dma_wait3A_97 = tpu.memref_slice %arg8[%dma_wait3A_93, %dma_wait3A_95, %dma_wait3A_96] : memref<2x32x1024xf32, #tpu.memory_space<vmem>> -> memref<1x32x1024xf32, #tpu.memory_space<vmem>>
    %dma_wait3A_98 = tpu.memref_squeeze %dma_wait3A_97 : memref<1x32x1024xf32, #tpu.memory_space<vmem>> -> memref<32x1024xf32, #tpu.memory_space<vmem>>
    %dma_wait3A_99 = arith.constant 0 : i32
    %dma_wait3A_100 = tpu.memref_slice %arg7[%dma_wait3A_94, %dma_wait3A_99] : memref<4x32xi32, #tpu.memory_space<vmem>> -> memref<1x32xi32, #tpu.memory_space<vmem>>
    %dma_wait3A_101 = tpu.memref_squeeze %dma_wait3A_100 : memref<1x32xi32, #tpu.memory_space<vmem>> -> memref<32xi32, #tpu.memory_space<vmem>>
    %dma_wait3A_102 = arith.constant 0 : i32
    %dma_wait3A_103 = arith.constant 0 : i32
    %dma_wait3A_104 = tpu.memref_slice %arg5[%dma_wait3A_102, %dma_wait3A_103] : memref<10240x1024xf32, #tpu.memory_space<hbm>> -> memref<10240x1024xf32, #tpu.memory_space<hbm>>
    tpu.wait_indirect_dma semaphore(%arg12 : memref<!tpu.dma_semaphore, #tpu.memory_space<semaphore_mem>>) src(%dma_wait3A_98 : memref<32x1024xf32, #tpu.memory_space<vmem>>) dst(%dma_wait3A_104 : memref<10240x1024xf32, #tpu.memory_space<hbm>>)
    %add3A_105 = arith.constant 64 : i32
    %add3A_106 = arith.addi %mul3A_2, %add3A_105 : i32
    %dma_start3A_107 = arith.constant 0 : i32
    %dma_start3A_108 = arith.constant 0 : i32
    %dma_start3A_109 = arith.constant 0 : i32
    %dma_start3A_110 = tpu.memref_slice %arg8[%dma_start3A_107, %dma_start3A_108, %dma_start3A_109] : memref<2x32x1024xf32, #tpu.memory_space<vmem>> -> memref<1x32x1024xf32, #tpu.memory_space<vmem>>
    %dma_start3A_111 = tpu.memref_squeeze %dma_start3A_110 : memref<1x32x1024xf32, #tpu.memory_space<vmem>> -> memref<32x1024xf32, #tpu.memory_space<vmem>>
    %dma_start3A_112 = arith.constant 0 : i32
    %dma_start3A_113 = tpu.memref_slice %arg2[%add3A_106, %dma_start3A_112] : memref<4096x1024xf32, #tpu.memory_space<hbm>> -> memref<32x1024xf32, #tpu.memory_space<hbm>>
    %dma_start3A_114 = arith.constant 0 : i32
    %dma_start3A_115 = arith.constant 0 : i32
    %dma_start3A_116 = tpu.memref_slice %arg8[%dma_start3A_107, %dma_start3A_114, %dma_start3A_115] : memref<2x32x1024xf32, #tpu.memory_space<vmem>> -> memref<1x32x1024xf32, #tpu.memory_space<vmem>>
    %dma_start3A_117 = tpu.memref_squeeze %dma_start3A_116 : memref<1x32x1024xf32, #tpu.memory_space<vmem>> -> memref<32x1024xf32, #tpu.memory_space<vmem>>
    %dma_start3A_118 = arith.constant 0 : i32
    %dma_start3A_119 = tpu.memref_slice %arg2[%add3A_106, %dma_start3A_118] : memref<4096x1024xf32, #tpu.memory_space<hbm>> -> memref<32x1024xf32, #tpu.memory_space<hbm>>
    tpu.enqueue_dma source(%dma_start3A_119 : memref<32x1024xf32, #tpu.memory_space<hbm>>) target(%dma_start3A_117 : memref<32x1024xf32, #tpu.memory_space<vmem>>) target_semaphore(%arg9 : memref<!tpu.dma_semaphore, #tpu.memory_space<semaphore_mem>>)
    %dma_start3A_120 = arith.constant 1 : i32
    %dma_start3A_121 = arith.constant 1 : i32
    %dma_start3A_122 = arith.constant 0 : i32
    %dma_start3A_123 = arith.constant 0 : i32
    %dma_start3A_124 = tpu.memref_slice %arg8[%dma_start3A_120, %dma_start3A_122, %dma_start3A_123] : memref<2x32x1024xf32, #tpu.memory_space<vmem>> -> memref<1x32x1024xf32, #tpu.memory_space<vmem>>
    %dma_start3A_125 = tpu.memref_squeeze %dma_start3A_124 : memref<1x32x1024xf32, #tpu.memory_space<vmem>> -> memref<32x1024xf32, #tpu.memory_space<vmem>>
    %dma_start3A_126 = arith.constant 0 : i32
    %dma_start3A_127 = tpu.memref_slice %arg6[%dma_start3A_121, %dma_start3A_126] : memref<4x32xi32, #tpu.memory_space<vmem>> -> memref<1x32xi32, #tpu.memory_space<vmem>>
    %dma_start3A_128 = tpu.memref_squeeze %dma_start3A_127 : memref<1x32xi32, #tpu.memory_space<vmem>> -> memref<32xi32, #tpu.memory_space<vmem>>
    %dma_start3A_129 = arith.constant 0 : i32
    %dma_start3A_130 = arith.constant 0 : i32
    %dma_start3A_131 = tpu.memref_slice %arg5[%dma_start3A_129, %dma_start3A_130] : memref<10240x1024xf32, #tpu.memory_space<hbm>> -> memref<10240x1024xf32, #tpu.memory_space<hbm>>
    tpu.enqueue_indirect_dma source(%dma_start3A_125 : memref<32x1024xf32, #tpu.memory_space<vmem>>) target(%dma_start3A_131 : memref<10240x1024xf32, #tpu.memory_space<hbm>>) offsets(%dma_start3A_128 : memref<32xi32, #tpu.memory_space<vmem>>) semaphore(%arg13 : memref<!tpu.dma_semaphore, #tpu.memory_space<semaphore_mem>>)
    %dma_start3A_132 = arith.constant 1 : i32
    %dma_start3A_133 = arith.constant 1 : i32
    %dma_start3A_134 = arith.constant 0 : i32
    %dma_start3A_135 = arith.constant 0 : i32
    %dma_start3A_136 = tpu.memref_slice %arg8[%dma_start3A_132, %dma_start3A_134, %dma_start3A_135] : memref<2x32x1024xf32, #tpu.memory_space<vmem>> -> memref<1x32x1024xf32, #tpu.memory_space<vmem>>
    %dma_start3A_137 = tpu.memref_squeeze %dma_start3A_136 : memref<1x32x1024xf32, #tpu.memory_space<vmem>> -> memref<32x1024xf32, #tpu.memory_space<vmem>>
    %dma_start3A_138 = arith.constant 0 : i32
    %dma_start3A_139 = tpu.memref_slice %arg7[%dma_start3A_133, %dma_start3A_138] : memref<4x32xi32, #tpu.memory_space<vmem>> -> memref<1x32xi32, #tpu.memory_space<vmem>>
    %dma_start3A_140 = tpu.memref_squeeze %dma_start3A_139 : memref<1x32xi32, #tpu.memory_space<vmem>> -> memref<32xi32, #tpu.memory_space<vmem>>
    %dma_start3A_141 = arith.constant 0 : i32
    %dma_start3A_142 = arith.constant 0 : i32
    %dma_start3A_143 = tpu.memref_slice %arg5[%dma_start3A_141, %dma_start3A_142] : memref<10240x1024xf32, #tpu.memory_space<hbm>> -> memref<10240x1024xf32, #tpu.memory_space<hbm>>
    tpu.enqueue_indirect_dma source(%dma_start3A_137 : memref<32x1024xf32, #tpu.memory_space<vmem>>) target(%dma_start3A_143 : memref<10240x1024xf32, #tpu.memory_space<hbm>>) offsets(%dma_start3A_140 : memref<32xi32, #tpu.memory_space<vmem>>) semaphore(%arg14 : memref<!tpu.dma_semaphore, #tpu.memory_space<semaphore_mem>>)
    %dma_wait3A_144 = arith.constant 0 : i32
    %dma_wait3A_145 = arith.constant 0 : i32
    %dma_wait3A_146 = arith.constant 0 : i32
    %dma_wait3A_147 = tpu.memref_slice %arg8[%dma_wait3A_144, %dma_wait3A_145, %dma_wait3A_146] : memref<2x32x1024xf32, #tpu.memory_space<vmem>> -> memref<1x32x1024xf32, #tpu.memory_space<vmem>>
    %dma_wait3A_148 = tpu.memref_squeeze %dma_wait3A_147 : memref<1x32x1024xf32, #tpu.memory_space<vmem>> -> memref<32x1024xf32, #tpu.memory_space<vmem>>
    %dma_wait3A_149 = arith.constant 0 : i32
    %dma_wait3A_150 = tpu.memref_slice %arg2[%add3A_106, %dma_wait3A_149] : memref<4096x1024xf32, #tpu.memory_space<hbm>> -> memref<32x1024xf32, #tpu.memory_space<hbm>>
    %dma_wait3A_151 = arith.constant 0 : i32
    %dma_wait3A_152 = arith.constant 0 : i32
    %dma_wait3A_153 = tpu.memref_slice %arg8[%dma_wait3A_144, %dma_wait3A_151, %dma_wait3A_152] : memref<2x32x1024xf32, #tpu.memory_space<vmem>> -> memref<1x32x1024xf32, #tpu.memory_space<vmem>>
    %dma_wait3A_154 = tpu.memref_squeeze %dma_wait3A_153 : memref<1x32x1024xf32, #tpu.memory_space<vmem>> -> memref<32x1024xf32, #tpu.memory_space<vmem>>
    %dma_wait3A_155 = arith.constant 0 : i32
    %dma_wait3A_156 = tpu.memref_slice %arg2[%add3A_106, %dma_wait3A_155] : memref<4096x1024xf32, #tpu.memory_space<hbm>> -> memref<32x1024xf32, #tpu.memory_space<hbm>>
    tpu.wait_dma2 semaphore(%arg9 : memref<!tpu.dma_semaphore, #tpu.memory_space<semaphore_mem>>) src(%dma_wait3A_156 : memref<32x1024xf32, #tpu.memory_space<hbm>>) dst(%dma_wait3A_154 : memref<32x1024xf32, #tpu.memory_space<vmem>>)
    %dma_wait3A_157 = arith.constant 1 : i32
    %dma_wait3A_158 = arith.constant 1 : i32
    %dma_wait3A_159 = arith.constant 0 : i32
    %dma_wait3A_160 = arith.constant 0 : i32
    %dma_wait3A_161 = tpu.memref_slice %arg8[%dma_wait3A_157, %dma_wait3A_159, %dma_wait3A_160] : memref<2x32x1024xf32, #tpu.memory_space<vmem>> -> memref<1x32x1024xf32, #tpu.memory_space<vmem>>
    %dma_wait3A_162 = tpu.memref_squeeze %dma_wait3A_161 : memref<1x32x1024xf32, #tpu.memory_space<vmem>> -> memref<32x1024xf32, #tpu.memory_space<vmem>>
    %dma_wait3A_163 = arith.constant 0 : i32
    %dma_wait3A_164 = tpu.memref_slice %arg6[%dma_wait3A_158, %dma_wait3A_163] : memref<4x32xi32, #tpu.memory_space<vmem>> -> memref<1x32xi32, #tpu.memory_space<vmem>>
    %dma_wait3A_165 = tpu.memref_squeeze %dma_wait3A_164 : memref<1x32xi32, #tpu.memory_space<vmem>> -> memref<32xi32, #tpu.memory_space<vmem>>
    %dma_wait3A_166 = arith.constant 0 : i32
    %dma_wait3A_167 = arith.constant 0 : i32
    %dma_wait3A_168 = tpu.memref_slice %arg5[%dma_wait3A_166, %dma_wait3A_167] : memref<10240x1024xf32, #tpu.memory_space<hbm>> -> memref<10240x1024xf32, #tpu.memory_space<hbm>>
    tpu.wait_indirect_dma semaphore(%arg13 : memref<!tpu.dma_semaphore, #tpu.memory_space<semaphore_mem>>) src(%dma_wait3A_162 : memref<32x1024xf32, #tpu.memory_space<vmem>>) dst(%dma_wait3A_168 : memref<10240x1024xf32, #tpu.memory_space<hbm>>)
    %dma_wait3A_169 = arith.constant 1 : i32
    %dma_wait3A_170 = arith.constant 1 : i32
    %dma_wait3A_171 = arith.constant 0 : i32
    %dma_wait3A_172 = arith.constant 0 : i32
    %dma_wait3A_173 = tpu.memref_slice %arg8[%dma_wait3A_169, %dma_wait3A_171, %dma_wait3A_172] : memref<2x32x1024xf32, #tpu.memory_space<vmem>> -> memref<1x32x1024xf32, #tpu.memory_space<vmem>>
    %dma_wait3A_174 = tpu.memref_squeeze %dma_wait3A_173 : memref<1x32x1024xf32, #tpu.memory_space<vmem>> -> memref<32x1024xf32, #tpu.memory_space<vmem>>
    %dma_wait3A_175 = arith.constant 0 : i32
    %dma_wait3A_176 = tpu.memref_slice %arg7[%dma_wait3A_170, %dma_wait3A_175] : memref<4x32xi32, #tpu.memory_space<vmem>> -> memref<1x32xi32, #tpu.memory_space<vmem>>
    %dma_wait3A_177 = tpu.memref_squeeze %dma_wait3A_176 : memref<1x32xi32, #tpu.memory_space<vmem>> -> memref<32xi32, #tpu.memory_space<vmem>>
    %dma_wait3A_178 = arith.constant 0 : i32
    %dma_wait3A_179 = arith.constant 0 : i32
    %dma_wait3A_180 = tpu.memref_slice %arg5[%dma_wait3A_178, %dma_wait3A_179] : memref<10240x1024xf32, #tpu.memory_space<hbm>> -> memref<10240x1024xf32, #tpu.memory_space<hbm>>
    tpu.wait_indirect_dma semaphore(%arg14 : memref<!tpu.dma_semaphore, #tpu.memory_space<semaphore_mem>>) src(%dma_wait3A_174 : memref<32x1024xf32, #tpu.memory_space<vmem>>) dst(%dma_wait3A_180 : memref<10240x1024xf32, #tpu.memory_space<hbm>>)
    %add3A_181 = arith.constant 96 : i32
    %add3A_182 = arith.addi %mul3A_2, %add3A_181 : i32
    %dma_start3A_183 = arith.constant 1 : i32
    %dma_start3A_184 = arith.constant 0 : i32
    %dma_start3A_185 = arith.constant 0 : i32
    %dma_start3A_186 = tpu.memref_slice %arg8[%dma_start3A_183, %dma_start3A_184, %dma_start3A_185] : memref<2x32x1024xf32, #tpu.memory_space<vmem>> -> memref<1x32x1024xf32, #tpu.memory_space<vmem>>
    %dma_start3A_187 = tpu.memref_squeeze %dma_start3A_186 : memref<1x32x1024xf32, #tpu.memory_space<vmem>> -> memref<32x1024xf32, #tpu.memory_space<vmem>>
    %dma_start3A_188 = arith.constant 0 : i32
    %dma_start3A_189 = tpu.memref_slice %arg2[%add3A_182, %dma_start3A_188] : memref<4096x1024xf32, #tpu.memory_space<hbm>> -> memref<32x1024xf32, #tpu.memory_space<hbm>>
    %dma_start3A_190 = arith.constant 0 : i32
    %dma_start3A_191 = arith.constant 0 : i32
    %dma_start3A_192 = tpu.memref_slice %arg8[%dma_start3A_183, %dma_start3A_190, %dma_start3A_191] : memref<2x32x1024xf32, #tpu.memory_space<vmem>> -> memref<1x32x1024xf32, #tpu.memory_space<vmem>>
    %dma_start3A_193 = tpu.memref_squeeze %dma_start3A_192 : memref<1x32x1024xf32, #tpu.memory_space<vmem>> -> memref<32x1024xf32, #tpu.memory_space<vmem>>
    %dma_start3A_194 = arith.constant 0 : i32
    %dma_start3A_195 = tpu.memref_slice %arg2[%add3A_182, %dma_start3A_194] : memref<4096x1024xf32, #tpu.memory_space<hbm>> -> memref<32x1024xf32, #tpu.memory_space<hbm>>
    tpu.enqueue_dma source(%dma_start3A_195 : memref<32x1024xf32, #tpu.memory_space<hbm>>) target(%dma_start3A_193 : memref<32x1024xf32, #tpu.memory_space<vmem>>) target_semaphore(%arg10 : memref<!tpu.dma_semaphore, #tpu.memory_space<semaphore_mem>>)
    %dma_start3A_196 = arith.constant 0 : i32
    %dma_start3A_197 = arith.constant 2 : i32
    %dma_start3A_198 = arith.constant 0 : i32
    %dma_start3A_199 = arith.constant 0 : i32
    %dma_start3A_200 = tpu.memref_slice %arg8[%dma_start3A_196, %dma_start3A_198, %dma_start3A_199] : memref<2x32x1024xf32, #tpu.memory_space<vmem>> -> memref<1x32x1024xf32, #tpu.memory_space<vmem>>
    %dma_start3A_201 = tpu.memref_squeeze %dma_start3A_200 : memref<1x32x1024xf32, #tpu.memory_space<vmem>> -> memref<32x1024xf32, #tpu.memory_space<vmem>>
    %dma_start3A_202 = arith.constant 0 : i32
    %dma_start3A_203 = tpu.memref_slice %arg6[%dma_start3A_197, %dma_start3A_202] : memref<4x32xi32, #tpu.memory_space<vmem>> -> memref<1x32xi32, #tpu.memory_space<vmem>>
    %dma_start3A_204 = tpu.memref_squeeze %dma_start3A_203 : memref<1x32xi32, #tpu.memory_space<vmem>> -> memref<32xi32, #tpu.memory_space<vmem>>
    %dma_start3A_205 = arith.constant 0 : i32
    %dma_start3A_206 = arith.constant 0 : i32
    %dma_start3A_207 = tpu.memref_slice %arg5[%dma_start3A_205, %dma_start3A_206] : memref<10240x1024xf32, #tpu.memory_space<hbm>> -> memref<10240x1024xf32, #tpu.memory_space<hbm>>
    tpu.enqueue_indirect_dma source(%dma_start3A_201 : memref<32x1024xf32, #tpu.memory_space<vmem>>) target(%dma_start3A_207 : memref<10240x1024xf32, #tpu.memory_space<hbm>>) offsets(%dma_start3A_204 : memref<32xi32, #tpu.memory_space<vmem>>) semaphore(%arg11 : memref<!tpu.dma_semaphore, #tpu.memory_space<semaphore_mem>>)
    %dma_start3A_208 = arith.constant 0 : i32
    %dma_start3A_209 = arith.constant 2 : i32
    %dma_start3A_210 = arith.constant 0 : i32
    %dma_start3A_211 = arith.constant 0 : i32
    %dma_start3A_212 = tpu.memref_slice %arg8[%dma_start3A_208, %dma_start3A_210, %dma_start3A_211] : memref<2x32x1024xf32, #tpu.memory_space<vmem>> -> memref<1x32x1024xf32, #tpu.memory_space<vmem>>
    %dma_start3A_213 = tpu.memref_squeeze %dma_start3A_212 : memref<1x32x1024xf32, #tpu.memory_space<vmem>> -> memref<32x1024xf32, #tpu.memory_space<vmem>>
    %dma_start3A_214 = arith.constant 0 : i32
    %dma_start3A_215 = tpu.memref_slice %arg7[%dma_start3A_209, %dma_start3A_214] : memref<4x32xi32, #tpu.memory_space<vmem>> -> memref<1x32xi32, #tpu.memory_space<vmem>>
    %dma_start3A_216 = tpu.memref_squeeze %dma_start3A_215 : memref<1x32xi32, #tpu.memory_space<vmem>> -> memref<32xi32, #tpu.memory_space<vmem>>
    %dma_start3A_217 = arith.constant 0 : i32
    %dma_start3A_218 = arith.constant 0 : i32
    %dma_start3A_219 = tpu.memref_slice %arg5[%dma_start3A_217, %dma_start3A_218] : memref<10240x1024xf32, #tpu.memory_space<hbm>> -> memref<10240x1024xf32, #tpu.memory_space<hbm>>
    tpu.enqueue_indirect_dma source(%dma_start3A_213 : memref<32x1024xf32, #tpu.memory_space<vmem>>) target(%dma_start3A_219 : memref<10240x1024xf32, #tpu.memory_space<hbm>>) offsets(%dma_start3A_216 : memref<32xi32, #tpu.memory_space<vmem>>) semaphore(%arg12 : memref<!tpu.dma_semaphore, #tpu.memory_space<semaphore_mem>>)
    %dma_wait3A_220 = arith.constant 1 : i32
    %dma_wait3A_221 = arith.constant 0 : i32
    %dma_wait3A_222 = arith.constant 0 : i32
    %dma_wait3A_223 = tpu.memref_slice %arg8[%dma_wait3A_220, %dma_wait3A_221, %dma_wait3A_222] : memref<2x32x1024xf32, #tpu.memory_space<vmem>> -> memref<1x32x1024xf32, #tpu.memory_space<vmem>>
    %dma_wait3A_224 = tpu.memref_squeeze %dma_wait3A_223 : memref<1x32x1024xf32, #tpu.memory_space<vmem>> -> memref<32x1024xf32, #tpu.memory_space<vmem>>
    %dma_wait3A_225 = arith.constant 0 : i32
    %dma_wait3A_226 = tpu.memref_slice %arg2[%add3A_182, %dma_wait3A_225] : memref<4096x1024xf32, #tpu.memory_space<hbm>> -> memref<32x1024xf32, #tpu.memory_space<hbm>>
    %dma_wait3A_227 = arith.constant 0 : i32
    %dma_wait3A_228 = arith.constant 0 : i32
    %dma_wait3A_229 = tpu.memref_slice %arg8[%dma_wait3A_220, %dma_wait3A_227, %dma_wait3A_228] : memref<2x32x1024xf32, #tpu.memory_space<vmem>> -> memref<1x32x1024xf32, #tpu.memory_space<vmem>>
    %dma_wait3A_230 = tpu.memref_squeeze %dma_wait3A_229 : memref<1x32x1024xf32, #tpu.memory_space<vmem>> -> memref<32x1024xf32, #tpu.memory_space<vmem>>
    %dma_wait3A_231 = arith.constant 0 : i32
    %dma_wait3A_232 = tpu.memref_slice %arg2[%add3A_182, %dma_wait3A_231] : memref<4096x1024xf32, #tpu.memory_space<hbm>> -> memref<32x1024xf32, #tpu.memory_space<hbm>>
    tpu.wait_dma2 semaphore(%arg10 : memref<!tpu.dma_semaphore, #tpu.memory_space<semaphore_mem>>) src(%dma_wait3A_232 : memref<32x1024xf32, #tpu.memory_space<hbm>>) dst(%dma_wait3A_230 : memref<32x1024xf32, #tpu.memory_space<vmem>>)
    %dma_start3A_233 = arith.constant 1 : i32
    %dma_start3A_234 = arith.constant 3 : i32
    %dma_start3A_235 = arith.constant 0 : i32
    %dma_start3A_236 = arith.constant 0 : i32
    %dma_start3A_237 = tpu.memref_slice %arg8[%dma_start3A_233, %dma_start3A_235, %dma_start3A_236] : memref<2x32x1024xf32, #tpu.memory_space<vmem>> -> memref<1x32x1024xf32, #tpu.memory_space<vmem>>
    %dma_start3A_238 = tpu.memref_squeeze %dma_start3A_237 : memref<1x32x1024xf32, #tpu.memory_space<vmem>> -> memref<32x1024xf32, #tpu.memory_space<vmem>>
    %dma_start3A_239 = arith.constant 0 : i32
    %dma_start3A_240 = tpu.memref_slice %arg6[%dma_start3A_234, %dma_start3A_239] : memref<4x32xi32, #tpu.memory_space<vmem>> -> memref<1x32xi32, #tpu.memory_space<vmem>>
    %dma_start3A_241 = tpu.memref_squeeze %dma_start3A_240 : memref<1x32xi32, #tpu.memory_space<vmem>> -> memref<32xi32, #tpu.memory_space<vmem>>
    %dma_start3A_242 = arith.constant 0 : i32
    %dma_start3A_243 = arith.constant 0 : i32
    %dma_start3A_244 = tpu.memref_slice %arg5[%dma_start3A_242, %dma_start3A_243] : memref<10240x1024xf32, #tpu.memory_space<hbm>> -> memref<10240x1024xf32, #tpu.memory_space<hbm>>
    tpu.enqueue_indirect_dma source(%dma_start3A_238 : memref<32x1024xf32, #tpu.memory_space<vmem>>) target(%dma_start3A_244 : memref<10240x1024xf32, #tpu.memory_space<hbm>>) offsets(%dma_start3A_241 : memref<32xi32, #tpu.memory_space<vmem>>) semaphore(%arg13 : memref<!tpu.dma_semaphore, #tpu.memory_space<semaphore_mem>>)
    %dma_start3A_245 = arith.constant 1 : i32
    %dma_start3A_246 = arith.constant 3 : i32
    %dma_start3A_247 = arith.constant 0 : i32
    %dma_start3A_248 = arith.constant 0 : i32
    %dma_start3A_249 = tpu.memref_slice %arg8[%dma_start3A_245, %dma_start3A_247, %dma_start3A_248] : memref<2x32x1024xf32, #tpu.memory_space<vmem>> -> memref<1x32x1024xf32, #tpu.memory_space<vmem>>
    %dma_start3A_250 = tpu.memref_squeeze %dma_start3A_249 : memref<1x32x1024xf32, #tpu.memory_space<vmem>> -> memref<32x1024xf32, #tpu.memory_space<vmem>>
    %dma_start3A_251 = arith.constant 0 : i32
    %dma_start3A_252 = tpu.memref_slice %arg7[%dma_start3A_246, %dma_start3A_251] : memref<4x32xi32, #tpu.memory_space<vmem>> -> memref<1x32xi32, #tpu.memory_space<vmem>>
    %dma_start3A_253 = tpu.memref_squeeze %dma_start3A_252 : memref<1x32xi32, #tpu.memory_space<vmem>> -> memref<32xi32, #tpu.memory_space<vmem>>
    %dma_start3A_254 = arith.constant 0 : i32
    %dma_start3A_255 = arith.constant 0 : i32
    %dma_start3A_256 = tpu.memref_slice %arg5[%dma_start3A_254, %dma_start3A_255] : memref<10240x1024xf32, #tpu.memory_space<hbm>> -> memref<10240x1024xf32, #tpu.memory_space<hbm>>
    tpu.enqueue_indirect_dma source(%dma_start3A_250 : memref<32x1024xf32, #tpu.memory_space<vmem>>) target(%dma_start3A_256 : memref<10240x1024xf32, #tpu.memory_space<hbm>>) offsets(%dma_start3A_253 : memref<32xi32, #tpu.memory_space<vmem>>) semaphore(%arg14 : memref<!tpu.dma_semaphore, #tpu.memory_space<semaphore_mem>>)
    %dma_wait3A_257 = arith.constant 0 : i32
    %dma_wait3A_258 = arith.constant 2 : i32
    %dma_wait3A_259 = arith.constant 0 : i32
    %dma_wait3A_260 = arith.constant 0 : i32
    %dma_wait3A_261 = tpu.memref_slice %arg8[%dma_wait3A_257, %dma_wait3A_259, %dma_wait3A_260] : memref<2x32x1024xf32, #tpu.memory_space<vmem>> -> memref<1x32x1024xf32, #tpu.memory_space<vmem>>
    %dma_wait3A_262 = tpu.memref_squeeze %dma_wait3A_261 : memref<1x32x1024xf32, #tpu.memory_space<vmem>> -> memref<32x1024xf32, #tpu.memory_space<vmem>>
    %dma_wait3A_263 = arith.constant 0 : i32
    %dma_wait3A_264 = tpu.memref_slice %arg6[%dma_wait3A_258, %dma_wait3A_263] : memref<4x32xi32, #tpu.memory_space<vmem>> -> memref<1x32xi32, #tpu.memory_space<vmem>>
    %dma_wait3A_265 = tpu.memref_squeeze %dma_wait3A_264 : memref<1x32xi32, #tpu.memory_space<vmem>> -> memref<32xi32, #tpu.memory_space<vmem>>
    %dma_wait3A_266 = arith.constant 0 : i32
    %dma_wait3A_267 = arith.constant 0 : i32
    %dma_wait3A_268 = tpu.memref_slice %arg5[%dma_wait3A_266, %dma_wait3A_267] : memref<10240x1024xf32, #tpu.memory_space<hbm>> -> memref<10240x1024xf32, #tpu.memory_space<hbm>>
    tpu.wait_indirect_dma semaphore(%arg11 : memref<!tpu.dma_semaphore, #tpu.memory_space<semaphore_mem>>) src(%dma_wait3A_262 : memref<32x1024xf32, #tpu.memory_space<vmem>>) dst(%dma_wait3A_268 : memref<10240x1024xf32, #tpu.memory_space<hbm>>)
    %dma_wait3A_269 = arith.constant 0 : i32
    %dma_wait3A_270 = arith.constant 2 : i32
    %dma_wait3A_271 = arith.constant 0 : i32
    %dma_wait3A_272 = arith.constant 0 : i32
    %dma_wait3A_273 = tpu.memref_slice %arg8[%dma_wait3A_269, %dma_wait3A_271, %dma_wait3A_272] : memref<2x32x1024xf32, #tpu.memory_space<vmem>> -> memref<1x32x1024xf32, #tpu.memory_space<vmem>>
    %dma_wait3A_274 = tpu.memref_squeeze %dma_wait3A_273 : memref<1x32x1024xf32, #tpu.memory_space<vmem>> -> memref<32x1024xf32, #tpu.memory_space<vmem>>
    %dma_wait3A_275 = arith.constant 0 : i32
    %dma_wait3A_276 = tpu.memref_slice %arg7[%dma_wait3A_270, %dma_wait3A_275] : memref<4x32xi32, #tpu.memory_space<vmem>> -> memref<1x32xi32, #tpu.memory_space<vmem>>
    %dma_wait3A_277 = tpu.memref_squeeze %dma_wait3A_276 : memref<1x32xi32, #tpu.memory_space<vmem>> -> memref<32xi32, #tpu.memory_space<vmem>>
    %dma_wait3A_278 = arith.constant 0 : i32
    %dma_wait3A_279 = arith.constant 0 : i32
    %dma_wait3A_280 = tpu.memref_slice %arg5[%dma_wait3A_278, %dma_wait3A_279] : memref<10240x1024xf32, #tpu.memory_space<hbm>> -> memref<10240x1024xf32, #tpu.memory_space<hbm>>
    tpu.wait_indirect_dma semaphore(%arg12 : memref<!tpu.dma_semaphore, #tpu.memory_space<semaphore_mem>>) src(%dma_wait3A_274 : memref<32x1024xf32, #tpu.memory_space<vmem>>) dst(%dma_wait3A_280 : memref<10240x1024xf32, #tpu.memory_space<hbm>>)
    %dma_wait3A_281 = arith.constant 1 : i32
    %dma_wait3A_282 = arith.constant 3 : i32
    %dma_wait3A_283 = arith.constant 0 : i32
    %dma_wait3A_284 = arith.constant 0 : i32
    %dma_wait3A_285 = tpu.memref_slice %arg8[%dma_wait3A_281, %dma_wait3A_283, %dma_wait3A_284] : memref<2x32x1024xf32, #tpu.memory_space<vmem>> -> memref<1x32x1024xf32, #tpu.memory_space<vmem>>
    %dma_wait3A_286 = tpu.memref_squeeze %dma_wait3A_285 : memref<1x32x1024xf32, #tpu.memory_space<vmem>> -> memref<32x1024xf32, #tpu.memory_space<vmem>>
    %dma_wait3A_287 = arith.constant 0 : i32
    %dma_wait3A_288 = tpu.memref_slice %arg6[%dma_wait3A_282, %dma_wait3A_287] : memref<4x32xi32, #tpu.memory_space<vmem>> -> memref<1x32xi32, #tpu.memory_space<vmem>>
    %dma_wait3A_289 = tpu.memref_squeeze %dma_wait3A_288 : memref<1x32xi32, #tpu.memory_space<vmem>> -> memref<32xi32, #tpu.memory_space<vmem>>
    %dma_wait3A_290 = arith.constant 0 : i32
    %dma_wait3A_291 = arith.constant 0 : i32
    %dma_wait3A_292 = tpu.memref_slice %arg5[%dma_wait3A_290, %dma_wait3A_291] : memref<10240x1024xf32, #tpu.memory_space<hbm>> -> memref<10240x1024xf32, #tpu.memory_space<hbm>>
    tpu.wait_indirect_dma semaphore(%arg13 : memref<!tpu.dma_semaphore, #tpu.memory_space<semaphore_mem>>) src(%dma_wait3A_286 : memref<32x1024xf32, #tpu.memory_space<vmem>>) dst(%dma_wait3A_292 : memref<10240x1024xf32, #tpu.memory_space<hbm>>)
    %dma_wait3A_293 = arith.constant 1 : i32
    %dma_wait3A_294 = arith.constant 3 : i32
    %dma_wait3A_295 = arith.constant 0 : i32
    %dma_wait3A_296 = arith.constant 0 : i32
    %dma_wait3A_297 = tpu.memref_slice %arg8[%dma_wait3A_293, %dma_wait3A_295, %dma_wait3A_296] : memref<2x32x1024xf32, #tpu.memory_space<vmem>> -> memref<1x32x1024xf32, #tpu.memory_space<vmem>>
    %dma_wait3A_298 = tpu.memref_squeeze %dma_wait3A_297 : memref<1x32x1024xf32, #tpu.memory_space<vmem>> -> memref<32x1024xf32, #tpu.memory_space<vmem>>
    %dma_wait3A_299 = arith.constant 0 : i32
    %dma_wait3A_300 = tpu.memref_slice %arg7[%dma_wait3A_294, %dma_wait3A_299] : memref<4x32xi32, #tpu.memory_space<vmem>> -> memref<1x32xi32, #tpu.memory_space<vmem>>
    %dma_wait3A_301 = tpu.memref_squeeze %dma_wait3A_300 : memref<1x32xi32, #tpu.memory_space<vmem>> -> memref<32xi32, #tpu.memory_space<vmem>>
    %dma_wait3A_302 = arith.constant 0 : i32
    %dma_wait3A_303 = arith.constant 0 : i32
    %dma_wait3A_304 = tpu.memref_slice %arg5[%dma_wait3A_302, %dma_wait3A_303] : memref<10240x1024xf32, #tpu.memory_space<hbm>> -> memref<10240x1024xf32, #tpu.memory_space<hbm>>
    tpu.wait_indirect_dma semaphore(%arg14 : memref<!tpu.dma_semaphore, #tpu.memory_space<semaphore_mem>>) src(%dma_wait3A_298 : memref<32x1024xf32, #tpu.memory_space<vmem>>) dst(%dma_wait3A_304 : memref<10240x1024xf32, #tpu.memory_space<hbm>>)
    return
  }
}

module attributes {stable_mosaic.version = 14 : i64} {
  func.func @_gate_body(%arg0: i32, %arg1: memref<512x1024xf32, #tpu.memory_space<vmem>>, %arg2: memref<8x1024xf32, #tpu.memory_space<vmem>>, %arg3: memref<512x2xi32, #tpu.memory_space<vmem>>, %arg4: memref<512x2xf32, #tpu.memory_space<vmem>>) attributes {dimension_semantics = [#tpu.dimension_semantics<arbitrary>], iteration_bounds = array<i64: 8>, scalar_prefetch = 0 : i64, scratch_operands = 0 : i64, tpu.core_type = #tpu.core_type<tc>, window_params = [{transform_indices = @transform_0, window_bounds = array<i64: 512, 1024>}, {pipeline_mode = #tpu.pipeline_mode<synchronous>, transform_indices = @transform_1, window_bounds = array<i64: 8, 1024>}, {transform_indices = @transform_2, window_bounds = array<i64: 512, 2>}, {transform_indices = @transform_3, window_bounds = array<i64: 512, 2>}]} {
    %get3A = arith.constant 0 : index
    %get3A_0 = arith.constant 0 : index
    %get3A_1 = vector.load %arg1[%get3A, %get3A_0] : memref<512x1024xf32, #tpu.memory_space<vmem>>, vector<512x1024xf32>
    %get3A_2 = arith.constant 0 : index
    %get3A_3 = arith.constant 0 : index
    %get3A_4 = vector.load %arg2[%get3A_2, %get3A_3] : memref<8x1024xf32, #tpu.memory_space<vmem>>, vector<8x1024xf32>
    %dot_general3A = arith.constant dense<0.000000e+00> : vector<512x8xf32>
    %dot_general3A_5 = tpu.matmul %get3A_1, %get3A_4, %dot_general3A {dimension_numbers = #tpu.dot_dimension_numbers<[1], [1], [0], [0], [0, 0, 1, 0], [], []>, transpose_lhs_hint = false} : vector<512x1024xf32>, vector<8x1024xf32>, vector<512x8xf32> -> vector<512x8xf32>
    %iota3A = tpu.iota {dimensions = array<i32: 1>} : vector<512x8xi32>
    %reduce_max3A = arith.constant dense<0xFF800000> : vector<512xf32>
    %reduce_max3A_6 = vector.multi_reduction <maximumf>, %dot_general3A_5, %reduce_max3A [1] : vector<512x8xf32> to vector<512xf32>
    %broadcast_in_dim3A = vector.shape_cast %reduce_max3A_6 : vector<512xf32> to vector<512x1xf32>
    %eq3A = vector.broadcast %broadcast_in_dim3A : vector<512x1xf32> to vector<512x8xf32>
    %eq3A_7 = arith.cmpf oeq, %dot_general3A_5, %eq3A : vector<512x8xf32>
    %jit3A = arith.constant 8 : i32
    %broadcast_in_dim3A_8 = vector.broadcast %jit3A : i32 to vector<512x8xi32>
    %select_n3A = arith.select %eq3A_7, %iota3A, %broadcast_in_dim3A_8 : vector<512x8xi1>, vector<512x8xi32>
    %reduce_min3A = arith.constant dense<2147483647> : vector<512xi32>
    %reduce_min3A_9 = vector.multi_reduction <minsi>, %select_n3A, %reduce_min3A [1] : vector<512x8xi32> to vector<512xi32>
    %broadcast_in_dim3A_10 = vector.shape_cast %reduce_min3A_9 : vector<512xi32> to vector<512x1xi32>
    %eq3A_11 = vector.broadcast %broadcast_in_dim3A_10 : vector<512x1xi32> to vector<512x8xi32>
    %eq3A_12 = arith.cmpi eq, %iota3A, %eq3A_11 : vector<512x8xi32>
    %jit3A_13 = arith.constant 0xFF800000 : f32
    %broadcast_in_dim3A_14 = vector.broadcast %jit3A_13 : f32 to vector<512x8xf32>
    %select_n3A_15 = arith.select %eq3A_12, %broadcast_in_dim3A_14, %dot_general3A_5 : vector<512x8xi1>, vector<512x8xf32>
    %reduce_max3A_16 = arith.constant dense<0xFF800000> : vector<512xf32>
    %reduce_max3A_17 = vector.multi_reduction <maximumf>, %select_n3A_15, %reduce_max3A_16 [1] : vector<512x8xf32> to vector<512xf32>
    %broadcast_in_dim3A_18 = vector.shape_cast %reduce_max3A_17 : vector<512xf32> to vector<512x1xf32>
    %eq3A_19 = vector.broadcast %broadcast_in_dim3A_18 : vector<512x1xf32> to vector<512x8xf32>
    %eq3A_20 = arith.cmpf oeq, %select_n3A_15, %eq3A_19 : vector<512x8xf32>
    %jit3A_21 = arith.constant 8 : i32
    %broadcast_in_dim3A_22 = vector.broadcast %jit3A_21 : i32 to vector<512x8xi32>
    %select_n3A_23 = arith.select %eq3A_20, %iota3A, %broadcast_in_dim3A_22 : vector<512x8xi1>, vector<512x8xi32>
    %reduce_min3A_24 = arith.constant dense<2147483647> : vector<512xi32>
    %reduce_min3A_25 = vector.multi_reduction <minsi>, %select_n3A_23, %reduce_min3A_24 [1] : vector<512x8xi32> to vector<512xi32>
    %broadcast_in_dim3A_26 = vector.shape_cast %reduce_min3A_25 : vector<512xi32> to vector<512x1xi32>
    %concatenate3A = tpu.concatenate %broadcast_in_dim3A_10, %broadcast_in_dim3A_26 in 1 : vector<512x1xi32>, vector<512x1xi32> -> vector<512x2xi32>
    %swap3A = arith.constant 0 : index
    %swap3A_27 = arith.constant 0 : index
    %swap3A_28 = vector.load %arg3[%swap3A, %swap3A_27] : memref<512x2xi32, #tpu.memory_space<vmem>>, vector<512x2xi32>
    tpu.vector_store %arg3[%swap3A, %swap3A_27], %concatenate3A {strides = array<i32>} : memref<512x2xi32, #tpu.memory_space<vmem>>, vector<512x2xi32>,
    %sub3A = arith.subf %broadcast_in_dim3A_18, %broadcast_in_dim3A : vector<512x1xf32>
    %exp3A = math.exp %sub3A : vector<512x1xf32>
    %add3A = arith.constant 1.000000e+00 : f32
    %add3A_29 = vector.broadcast %add3A : f32 to vector<512x1xf32>
    %add3A_30 = arith.addf %add3A_29, %exp3A : vector<512x1xf32>
    %div3A = arith.constant 1.000000e+00 : f32
    %div3A_31 = vector.broadcast %div3A : f32 to vector<512x1xf32>
    %div3A_32 = arith.divf %div3A_31, %add3A_30 : vector<512x1xf32>
    %mul3A = arith.mulf %div3A_32, %exp3A : vector<512x1xf32>
    %concatenate3A_33 = tpu.concatenate %div3A_32, %mul3A in 1 : vector<512x1xf32>, vector<512x1xf32> -> vector<512x2xf32>
    %swap3A_34 = arith.constant 0 : index
    %swap3A_35 = arith.constant 0 : index
    %swap3A_36 = vector.load %arg4[%swap3A_34, %swap3A_35] : memref<512x2xf32, #tpu.memory_space<vmem>>, vector<512x2xf32>
    tpu.vector_store %arg4[%swap3A_34, %swap3A_35], %concatenate3A_33 {strides = array<i32>} : memref<512x2xf32, #tpu.memory_space<vmem>>, vector<512x2xf32>,
    return
  }
  func.func @transform_0(%arg0: i32) -> (i32, i32) {
    %c0_i32 = arith.constant 0 : i32
    %c0_i32_0 = arith.constant 0 : i32
    return %arg0, %c0_i32 : i32, i32
  }
  func.func @transform_1(%arg0: i32) -> (i32, i32) {
    %c0_i32 = arith.constant 0 : i32
    %c0_i32_0 = arith.constant 0 : i32
    %c0_i32_1 = arith.constant 0 : i32
    return %c0_i32, %c0_i32_0 : i32, i32
  }
  func.func @transform_2(%arg0: i32) -> (i32, i32) {
    %c0_i32 = arith.constant 0 : i32
    %c0_i32_0 = arith.constant 0 : i32
    return %arg0, %c0_i32 : i32, i32
  }
  func.func @transform_3(%arg0: i32) -> (i32, i32) {
    %c0_i32 = arith.constant 0 : i32
    %c0_i32_0 = arith.constant 0 : i32
    return %arg0, %c0_i32 : i32, i32
  }
}

module attributes {stable_mosaic.version = 14 : i64} {
  func.func @_ffn1_body(%arg0: i32, %arg1: memref<40xi32, #tpu.memory_space<smem>>, %arg2: memref<40xi32, #tpu.memory_space<smem>>, %arg3: memref<40xi32, #tpu.memory_space<smem>>, %arg4: memref<40xi32, #tpu.memory_space<smem>>, %arg5: memref<40xi32, #tpu.memory_space<smem>>, %arg6: memref<40xi32, #tpu.memory_space<smem>>, %arg7: memref<256x1024xf32, #tpu.memory_space<vmem>>, %arg8: memref<1x1x4096xf32, #tpu.memory_space<vmem>>, %arg9: memref<8x4096x1024xf32, #tpu.memory_space<any>>, %arg10: memref<256x4096xbf16, #tpu.memory_space<vmem>>, %arg11: memref<4096x1024xf32, #tpu.memory_space<vmem>>, %arg12: memref<4096x1024xf32, #tpu.memory_space<vmem>>, %arg13: memref<4096x1024xf32, #tpu.memory_space<vmem>>, %arg14: memref<!tpu.dma_semaphore, #tpu.memory_space<semaphore_mem>>, %arg15: memref<!tpu.dma_semaphore, #tpu.memory_space<semaphore_mem>>, %arg16: memref<!tpu.dma_semaphore, #tpu.memory_space<semaphore_mem>>) attributes {dimension_semantics = [#tpu.dimension_semantics<arbitrary>], iteration_bounds = array<i64: 40>, scalar_prefetch = 6 : i64, scratch_operands = 6 : i64, tpu.core_type = #tpu.core_type<tc>, window_params = [{transform_indices = @transform_0, window_bounds = array<i64: 256, 1024>}, {transform_indices = @transform_1, window_bounds = array<i64: 1, 1, 4096>}, {}, {transform_indices = @transform_3, window_bounds = array<i64: 256, 4096>}]} {
    %eq3A = arith.constant 0 : i32
    %eq3A_0 = arith.cmpi eq, %arg0, %eq3A : i32
    %convert_element_type3A = arith.extui %eq3A_0 : i1 to i32
    %cond3A = arith.constant 0 : i32
    %cond3A_1 = arith.cmpi ne, %convert_element_type3A, %cond3A : i32
    scf.if %cond3A_1 {
      %get3A_35 = arith.constant 0 : index
      %get3A_36 = memref.load %arg1[%get3A_35] : memref<40xi32, #tpu.memory_space<smem>>
      %get3A_37 = arith.constant 0 : index
      %get3A_38 = memref.load %arg3[%get3A_37] : memref<40xi32, #tpu.memory_space<smem>>
      %eq3A_39 = arith.constant 0 : i32
      %eq3A_40 = arith.cmpi eq, %get3A_38, %eq3A_39 : i32
      %convert_element_type3A_41 = arith.extui %eq3A_40 : i1 to i32
      %cond3A_42 = arith.constant 0 : i32
      %cond3A_43 = arith.cmpi ne, %convert_element_type3A_41, %cond3A_42 : i32
      scf.if %cond3A_43 {
        %dma_start3A = arith.constant 0 : i32
        %dma_start3A_61 = arith.constant 0 : i32
        %dma_start3A_62 = tpu.memref_slice %arg9[%get3A_36, %dma_start3A, %dma_start3A_61] : memref<8x4096x1024xf32, #tpu.memory_space<any>> -> memref<1x4096x1024xf32, #tpu.memory_space<any>>
        %dma_start3A_63 = tpu.memref_squeeze %dma_start3A_62 : memref<1x4096x1024xf32, #tpu.memory_space<any>> -> memref<4096x1024xf32, #tpu.memory_space<any>>
        tpu.enqueue_dma source(%dma_start3A_63 : memref<4096x1024xf32, #tpu.memory_space<any>>) target(%arg11 : memref<4096x1024xf32, #tpu.memory_space<vmem>>) target_semaphore(%arg14 : memref<!tpu.dma_semaphore, #tpu.memory_space<semaphore_mem>>)
      } else {
      }
      %eq3A_44 = arith.constant 1 : i32
      %eq3A_45 = arith.cmpi eq, %get3A_38, %eq3A_44 : i32
      %convert_element_type3A_46 = arith.extui %eq3A_45 : i1 to i32
      %cond3A_47 = arith.constant 0 : i32
      %cond3A_48 = arith.cmpi ne, %convert_element_type3A_46, %cond3A_47 : i32
      scf.if %cond3A_48 {
        %dma_start3A = arith.constant 0 : i32
        %dma_start3A_61 = arith.constant 0 : i32
        %dma_start3A_62 = tpu.memref_slice %arg9[%get3A_36, %dma_start3A, %dma_start3A_61] : memref<8x4096x1024xf32, #tpu.memory_space<any>> -> memref<1x4096x1024xf32, #tpu.memory_space<any>>
        %dma_start3A_63 = tpu.memref_squeeze %dma_start3A_62 : memref<1x4096x1024xf32, #tpu.memory_space<any>> -> memref<4096x1024xf32, #tpu.memory_space<any>>
        tpu.enqueue_dma source(%dma_start3A_63 : memref<4096x1024xf32, #tpu.memory_space<any>>) target(%arg12 : memref<4096x1024xf32, #tpu.memory_space<vmem>>) target_semaphore(%arg15 : memref<!tpu.dma_semaphore, #tpu.memory_space<semaphore_mem>>)
      } else {
      }
      %eq3A_49 = arith.constant 2 : i32
      %eq3A_50 = arith.cmpi eq, %get3A_38, %eq3A_49 : i32
      %convert_element_type3A_51 = arith.extui %eq3A_50 : i1 to i32
      %cond3A_52 = arith.constant 0 : i32
      %cond3A_53 = arith.cmpi ne, %convert_element_type3A_51, %cond3A_52 : i32
      scf.if %cond3A_53 {
        %dma_start3A = arith.constant 0 : i32
        %dma_start3A_61 = arith.constant 0 : i32
        %dma_start3A_62 = tpu.memref_slice %arg9[%get3A_36, %dma_start3A, %dma_start3A_61] : memref<8x4096x1024xf32, #tpu.memory_space<any>> -> memref<1x4096x1024xf32, #tpu.memory_space<any>>
        %dma_start3A_63 = tpu.memref_squeeze %dma_start3A_62 : memref<1x4096x1024xf32, #tpu.memory_space<any>> -> memref<4096x1024xf32, #tpu.memory_space<any>>
        tpu.enqueue_dma source(%dma_start3A_63 : memref<4096x1024xf32, #tpu.memory_space<any>>) target(%arg13 : memref<4096x1024xf32, #tpu.memory_space<vmem>>) target_semaphore(%arg16 : memref<!tpu.dma_semaphore, #tpu.memory_space<semaphore_mem>>)
      } else {
      }
      %get3A_54 = arith.constant 1 : index
      %get3A_55 = memref.load %arg2[%get3A_54] : memref<40xi32, #tpu.memory_space<smem>>
      %eq3A_56 = arith.constant 1 : i32
      %eq3A_57 = arith.cmpi eq, %get3A_55, %eq3A_56 : i32
      %convert_element_type3A_58 = arith.extui %eq3A_57 : i1 to i32
      %cond3A_59 = arith.constant 0 : i32
      %cond3A_60 = arith.cmpi ne, %convert_element_type3A_58, %cond3A_59 : i32
      scf.if %cond3A_60 {
        %get3A_61 = arith.constant 1 : index
        %get3A_62 = memref.load %arg1[%get3A_61] : memref<40xi32, #tpu.memory_space<smem>>
        %get3A_63 = arith.constant 1 : index
        %get3A_64 = memref.load %arg3[%get3A_63] : memref<40xi32, #tpu.memory_space<smem>>
        %eq3A_65 = arith.constant 0 : i32
        %eq3A_66 = arith.cmpi eq, %get3A_64, %eq3A_65 : i32
        %convert_element_type3A_67 = arith.extui %eq3A_66 : i1 to i32
        %cond3A_68 = arith.constant 0 : i32
        %cond3A_69 = arith.cmpi ne, %convert_element_type3A_67, %cond3A_68 : i32
        scf.if %cond3A_69 {
          %dma_start3A = arith.constant 0 : i32
          %dma_start3A_80 = arith.constant 0 : i32
          %dma_start3A_81 = tpu.memref_slice %arg9[%get3A_62, %dma_start3A, %dma_start3A_80] : memref<8x4096x1024xf32, #tpu.memory_space<any>> -> memref<1x4096x1024xf32, #tpu.memory_space<any>>
          %dma_start3A_82 = tpu.memref_squeeze %dma_start3A_81 : memref<1x4096x1024xf32, #tpu.memory_space<any>> -> memref<4096x1024xf32, #tpu.memory_space<any>>
          tpu.enqueue_dma source(%dma_start3A_82 : memref<4096x1024xf32, #tpu.memory_space<any>>) target(%arg11 : memref<4096x1024xf32, #tpu.memory_space<vmem>>) target_semaphore(%arg14 : memref<!tpu.dma_semaphore, #tpu.memory_space<semaphore_mem>>)
        } else {
        }
        %eq3A_70 = arith.constant 1 : i32
        %eq3A_71 = arith.cmpi eq, %get3A_64, %eq3A_70 : i32
        %convert_element_type3A_72 = arith.extui %eq3A_71 : i1 to i32
        %cond3A_73 = arith.constant 0 : i32
        %cond3A_74 = arith.cmpi ne, %convert_element_type3A_72, %cond3A_73 : i32
        scf.if %cond3A_74 {
          %dma_start3A = arith.constant 0 : i32
          %dma_start3A_80 = arith.constant 0 : i32
          %dma_start3A_81 = tpu.memref_slice %arg9[%get3A_62, %dma_start3A, %dma_start3A_80] : memref<8x4096x1024xf32, #tpu.memory_space<any>> -> memref<1x4096x1024xf32, #tpu.memory_space<any>>
          %dma_start3A_82 = tpu.memref_squeeze %dma_start3A_81 : memref<1x4096x1024xf32, #tpu.memory_space<any>> -> memref<4096x1024xf32, #tpu.memory_space<any>>
          tpu.enqueue_dma source(%dma_start3A_82 : memref<4096x1024xf32, #tpu.memory_space<any>>) target(%arg12 : memref<4096x1024xf32, #tpu.memory_space<vmem>>) target_semaphore(%arg15 : memref<!tpu.dma_semaphore, #tpu.memory_space<semaphore_mem>>)
        } else {
        }
        %eq3A_75 = arith.constant 2 : i32
        %eq3A_76 = arith.cmpi eq, %get3A_64, %eq3A_75 : i32
        %convert_element_type3A_77 = arith.extui %eq3A_76 : i1 to i32
        %cond3A_78 = arith.constant 0 : i32
        %cond3A_79 = arith.cmpi ne, %convert_element_type3A_77, %cond3A_78 : i32
        scf.if %cond3A_79 {
          %dma_start3A = arith.constant 0 : i32
          %dma_start3A_80 = arith.constant 0 : i32
          %dma_start3A_81 = tpu.memref_slice %arg9[%get3A_62, %dma_start3A, %dma_start3A_80] : memref<8x4096x1024xf32, #tpu.memory_space<any>> -> memref<1x4096x1024xf32, #tpu.memory_space<any>>
          %dma_start3A_82 = tpu.memref_squeeze %dma_start3A_81 : memref<1x4096x1024xf32, #tpu.memory_space<any>> -> memref<4096x1024xf32, #tpu.memory_space<any>>
          tpu.enqueue_dma source(%dma_start3A_82 : memref<4096x1024xf32, #tpu.memory_space<any>>) target(%arg13 : memref<4096x1024xf32, #tpu.memory_space<vmem>>) target_semaphore(%arg16 : memref<!tpu.dma_semaphore, #tpu.memory_space<semaphore_mem>>)
        } else {
        }
      } else {
      }
    } else {
    }
    %get3A = arith.index_cast %arg0 : i32 to index
    %get3A_2 = memref.load %arg4[%get3A] : memref<40xi32, #tpu.memory_space<smem>>
    %eq3A_3 = arith.constant 1 : i32
    %eq3A_4 = arith.cmpi eq, %get3A_2, %eq3A_3 : i32
    %convert_element_type3A_5 = arith.extui %eq3A_4 : i1 to i32
    %cond3A_6 = arith.constant 0 : i32
    %cond3A_7 = arith.cmpi ne, %convert_element_type3A_5, %cond3A_6 : i32
    scf.if %cond3A_7 {
      %get3A_35 = arith.index_cast %arg0 : i32 to index
      %get3A_36 = memref.load %arg5[%get3A_35] : memref<40xi32, #tpu.memory_space<smem>>
      %get3A_37 = arith.index_cast %arg0 : i32 to index
      %get3A_38 = memref.load %arg6[%get3A_37] : memref<40xi32, #tpu.memory_space<smem>>
      %eq3A_39 = arith.constant 0 : i32
      %eq3A_40 = arith.cmpi eq, %get3A_38, %eq3A_39 : i32
      %convert_element_type3A_41 = arith.extui %eq3A_40 : i1 to i32
      %cond3A_42 = arith.constant 0 : i32
      %cond3A_43 = arith.cmpi ne, %convert_element_type3A_41, %cond3A_42 : i32
      scf.if %cond3A_43 {
        %dma_start3A = arith.constant 0 : i32
        %dma_start3A_54 = arith.constant 0 : i32
        %dma_start3A_55 = tpu.memref_slice %arg9[%get3A_36, %dma_start3A, %dma_start3A_54] : memref<8x4096x1024xf32, #tpu.memory_space<any>> -> memref<1x4096x1024xf32, #tpu.memory_space<any>>
        %dma_start3A_56 = tpu.memref_squeeze %dma_start3A_55 : memref<1x4096x1024xf32, #tpu.memory_space<any>> -> memref<4096x1024xf32, #tpu.memory_space<any>>
        tpu.enqueue_dma source(%dma_start3A_56 : memref<4096x1024xf32, #tpu.memory_space<any>>) target(%arg11 : memref<4096x1024xf32, #tpu.memory_space<vmem>>) target_semaphore(%arg14 : memref<!tpu.dma_semaphore, #tpu.memory_space<semaphore_mem>>)
      } else {
      }
      %eq3A_44 = arith.constant 1 : i32
      %eq3A_45 = arith.cmpi eq, %get3A_38, %eq3A_44 : i32
      %convert_element_type3A_46 = arith.extui %eq3A_45 : i1 to i32
      %cond3A_47 = arith.constant 0 : i32
      %cond3A_48 = arith.cmpi ne, %convert_element_type3A_46, %cond3A_47 : i32
      scf.if %cond3A_48 {
        %dma_start3A = arith.constant 0 : i32
        %dma_start3A_54 = arith.constant 0 : i32
        %dma_start3A_55 = tpu.memref_slice %arg9[%get3A_36, %dma_start3A, %dma_start3A_54] : memref<8x4096x1024xf32, #tpu.memory_space<any>> -> memref<1x4096x1024xf32, #tpu.memory_space<any>>
        %dma_start3A_56 = tpu.memref_squeeze %dma_start3A_55 : memref<1x4096x1024xf32, #tpu.memory_space<any>> -> memref<4096x1024xf32, #tpu.memory_space<any>>
        tpu.enqueue_dma source(%dma_start3A_56 : memref<4096x1024xf32, #tpu.memory_space<any>>) target(%arg12 : memref<4096x1024xf32, #tpu.memory_space<vmem>>) target_semaphore(%arg15 : memref<!tpu.dma_semaphore, #tpu.memory_space<semaphore_mem>>)
      } else {
      }
      %eq3A_49 = arith.constant 2 : i32
      %eq3A_50 = arith.cmpi eq, %get3A_38, %eq3A_49 : i32
      %convert_element_type3A_51 = arith.extui %eq3A_50 : i1 to i32
      %cond3A_52 = arith.constant 0 : i32
      %cond3A_53 = arith.cmpi ne, %convert_element_type3A_51, %cond3A_52 : i32
      scf.if %cond3A_53 {
        %dma_start3A = arith.constant 0 : i32
        %dma_start3A_54 = arith.constant 0 : i32
        %dma_start3A_55 = tpu.memref_slice %arg9[%get3A_36, %dma_start3A, %dma_start3A_54] : memref<8x4096x1024xf32, #tpu.memory_space<any>> -> memref<1x4096x1024xf32, #tpu.memory_space<any>>
        %dma_start3A_56 = tpu.memref_squeeze %dma_start3A_55 : memref<1x4096x1024xf32, #tpu.memory_space<any>> -> memref<4096x1024xf32, #tpu.memory_space<any>>
        tpu.enqueue_dma source(%dma_start3A_56 : memref<4096x1024xf32, #tpu.memory_space<any>>) target(%arg13 : memref<4096x1024xf32, #tpu.memory_space<vmem>>) target_semaphore(%arg16 : memref<!tpu.dma_semaphore, #tpu.memory_space<semaphore_mem>>)
      } else {
      }
    } else {
    }
    %get3A_8 = arith.index_cast %arg0 : i32 to index
    %get3A_9 = memref.load %arg2[%get3A_8] : memref<40xi32, #tpu.memory_space<smem>>
    %eq3A_10 = arith.constant 1 : i32
    %eq3A_11 = arith.cmpi eq, %get3A_9, %eq3A_10 : i32
    %convert_element_type3A_12 = arith.extui %eq3A_11 : i1 to i32
    %cond3A_13 = arith.constant 0 : i32
    %cond3A_14 = arith.cmpi ne, %convert_element_type3A_12, %cond3A_13 : i32
    scf.if %cond3A_14 {
      %get3A_35 = arith.index_cast %arg0 : i32 to index
      %get3A_36 = memref.load %arg1[%get3A_35] : memref<40xi32, #tpu.memory_space<smem>>
      %get3A_37 = arith.index_cast %arg0 : i32 to index
      %get3A_38 = memref.load %arg3[%get3A_37] : memref<40xi32, #tpu.memory_space<smem>>
      %eq3A_39 = arith.constant 0 : i32
      %eq3A_40 = arith.cmpi eq, %get3A_38, %eq3A_39 : i32
      %convert_element_type3A_41 = arith.extui %eq3A_40 : i1 to i32
      %cond3A_42 = arith.constant 0 : i32
      %cond3A_43 = arith.cmpi ne, %convert_element_type3A_41, %cond3A_42 : i32
      scf.if %cond3A_43 {
        %dma_wait3A = arith.constant 0 : i32
        %dma_wait3A_54 = arith.constant 0 : i32
        %dma_wait3A_55 = tpu.memref_slice %arg9[%get3A_36, %dma_wait3A, %dma_wait3A_54] : memref<8x4096x1024xf32, #tpu.memory_space<any>> -> memref<1x4096x1024xf32, #tpu.memory_space<any>>
        %dma_wait3A_56 = tpu.memref_squeeze %dma_wait3A_55 : memref<1x4096x1024xf32, #tpu.memory_space<any>> -> memref<4096x1024xf32, #tpu.memory_space<any>>
        tpu.wait_dma2 semaphore(%arg14 : memref<!tpu.dma_semaphore, #tpu.memory_space<semaphore_mem>>) src(%dma_wait3A_56 : memref<4096x1024xf32, #tpu.memory_space<any>>) dst(%arg11 : memref<4096x1024xf32, #tpu.memory_space<vmem>>)
      } else {
      }
      %eq3A_44 = arith.constant 1 : i32
      %eq3A_45 = arith.cmpi eq, %get3A_38, %eq3A_44 : i32
      %convert_element_type3A_46 = arith.extui %eq3A_45 : i1 to i32
      %cond3A_47 = arith.constant 0 : i32
      %cond3A_48 = arith.cmpi ne, %convert_element_type3A_46, %cond3A_47 : i32
      scf.if %cond3A_48 {
        %dma_wait3A = arith.constant 0 : i32
        %dma_wait3A_54 = arith.constant 0 : i32
        %dma_wait3A_55 = tpu.memref_slice %arg9[%get3A_36, %dma_wait3A, %dma_wait3A_54] : memref<8x4096x1024xf32, #tpu.memory_space<any>> -> memref<1x4096x1024xf32, #tpu.memory_space<any>>
        %dma_wait3A_56 = tpu.memref_squeeze %dma_wait3A_55 : memref<1x4096x1024xf32, #tpu.memory_space<any>> -> memref<4096x1024xf32, #tpu.memory_space<any>>
        tpu.wait_dma2 semaphore(%arg15 : memref<!tpu.dma_semaphore, #tpu.memory_space<semaphore_mem>>) src(%dma_wait3A_56 : memref<4096x1024xf32, #tpu.memory_space<any>>) dst(%arg12 : memref<4096x1024xf32, #tpu.memory_space<vmem>>)
      } else {
      }
      %eq3A_49 = arith.constant 2 : i32
      %eq3A_50 = arith.cmpi eq, %get3A_38, %eq3A_49 : i32
      %convert_element_type3A_51 = arith.extui %eq3A_50 : i1 to i32
      %cond3A_52 = arith.constant 0 : i32
      %cond3A_53 = arith.cmpi ne, %convert_element_type3A_51, %cond3A_52 : i32
      scf.if %cond3A_53 {
        %dma_wait3A = arith.constant 0 : i32
        %dma_wait3A_54 = arith.constant 0 : i32
        %dma_wait3A_55 = tpu.memref_slice %arg9[%get3A_36, %dma_wait3A, %dma_wait3A_54] : memref<8x4096x1024xf32, #tpu.memory_space<any>> -> memref<1x4096x1024xf32, #tpu.memory_space<any>>
        %dma_wait3A_56 = tpu.memref_squeeze %dma_wait3A_55 : memref<1x4096x1024xf32, #tpu.memory_space<any>> -> memref<4096x1024xf32, #tpu.memory_space<any>>
        tpu.wait_dma2 semaphore(%arg16 : memref<!tpu.dma_semaphore, #tpu.memory_space<semaphore_mem>>) src(%dma_wait3A_56 : memref<4096x1024xf32, #tpu.memory_space<any>>) dst(%arg13 : memref<4096x1024xf32, #tpu.memory_space<vmem>>)
      } else {
      }
    } else {
    }
    %get3A_15 = arith.index_cast %arg0 : i32 to index
    %get3A_16 = memref.load %arg3[%get3A_15] : memref<40xi32, #tpu.memory_space<smem>>
    %get3A_17 = arith.constant 0 : index
    %get3A_18 = arith.constant 0 : index
    %get3A_19 = vector.load %arg7[%get3A_17, %get3A_18] : memref<256x1024xf32, #tpu.memory_space<vmem>>, vector<256x1024xf32>
    %eq3A_20 = arith.constant 0 : i32
    %eq3A_21 = arith.cmpi eq, %get3A_16, %eq3A_20 : i32
    %convert_element_type3A_22 = arith.extui %eq3A_21 : i1 to i32
    %cond3A_23 = arith.constant 0 : i32
    %cond3A_24 = arith.cmpi ne, %convert_element_type3A_22, %cond3A_23 : i32
    scf.if %cond3A_24 {
      %get3A_35 = arith.constant 0 : index
      %get3A_36 = arith.constant 0 : index
      %get3A_37 = vector.load %arg11[%get3A_35, %get3A_36] : memref<4096x1024xf32, #tpu.memory_space<vmem>>, vector<4096x1024xf32>
      %dot_general3A = arith.constant dense<0.000000e+00> : vector<256x4096xf32>
      %dot_general3A_38 = tpu.matmul %get3A_19, %get3A_37, %dot_general3A {dimension_numbers = #tpu.dot_dimension_numbers<[1], [1], [0], [0], [0, 0, 1, 0], [], []>, transpose_lhs_hint = false} : vector<256x1024xf32>, vector<4096x1024xf32>, vector<256x4096xf32> -> vector<256x4096xf32>
      %get3A_39 = arith.constant 0 : index
      %get3A_40 = arith.constant 0 : index
      %get3A_41 = arith.constant 0 : index
      %get3A_42 = vector.load %arg8[%get3A_39, %get3A_40, %get3A_41] : memref<1x1x4096xf32, #tpu.memory_space<vmem>>, vector<1x1x4096xf32>
      %get3A_43 = vector.shape_cast %get3A_42 : vector<1x1x4096xf32> to vector<1x4096xf32>
      %add3A = vector.broadcast %get3A_43 : vector<1x4096xf32> to vector<256x4096xf32>
      %add3A_44 = arith.addf %dot_general3A_38, %add3A : vector<256x4096xf32>
      %max3A = arith.constant 0.000000e+00 : f32
      %max3A_45 = vector.broadcast %max3A : f32 to vector<256x4096xf32>
      %max3A_46 = arith.maximumf %add3A_44, %max3A_45 : vector<256x4096xf32>
      %convert_element_type3A_47 = arith.truncf %max3A_46 : vector<256x4096xf32> to vector<256x4096xbf16>
      %swap3A = arith.constant 0 : index
      %swap3A_48 = arith.constant 0 : index
      %swap3A_49 = vector.load %arg10[%swap3A, %swap3A_48] : memref<256x4096xbf16, #tpu.memory_space<vmem>>, vector<256x4096xbf16>
      tpu.vector_store %arg10[%swap3A, %swap3A_48], %convert_element_type3A_47 {strides = array<i32>} : memref<256x4096xbf16, #tpu.memory_space<vmem>>, vector<256x4096xbf16>,
    } else {
    }
    %eq3A_25 = arith.constant 1 : i32
    %eq3A_26 = arith.cmpi eq, %get3A_16, %eq3A_25 : i32
    %convert_element_type3A_27 = arith.extui %eq3A_26 : i1 to i32
    %cond3A_28 = arith.constant 0 : i32
    %cond3A_29 = arith.cmpi ne, %convert_element_type3A_27, %cond3A_28 : i32
    scf.if %cond3A_29 {
      %get3A_35 = arith.constant 0 : index
      %get3A_36 = arith.constant 0 : index
      %get3A_37 = vector.load %arg12[%get3A_35, %get3A_36] : memref<4096x1024xf32, #tpu.memory_space<vmem>>, vector<4096x1024xf32>
      %dot_general3A = arith.constant dense<0.000000e+00> : vector<256x4096xf32>
      %dot_general3A_38 = tpu.matmul %get3A_19, %get3A_37, %dot_general3A {dimension_numbers = #tpu.dot_dimension_numbers<[1], [1], [0], [0], [0, 0, 1, 0], [], []>, transpose_lhs_hint = false} : vector<256x1024xf32>, vector<4096x1024xf32>, vector<256x4096xf32> -> vector<256x4096xf32>
      %get3A_39 = arith.constant 0 : index
      %get3A_40 = arith.constant 0 : index
      %get3A_41 = arith.constant 0 : index
      %get3A_42 = vector.load %arg8[%get3A_39, %get3A_40, %get3A_41] : memref<1x1x4096xf32, #tpu.memory_space<vmem>>, vector<1x1x4096xf32>
      %get3A_43 = vector.shape_cast %get3A_42 : vector<1x1x4096xf32> to vector<1x4096xf32>
      %add3A = vector.broadcast %get3A_43 : vector<1x4096xf32> to vector<256x4096xf32>
      %add3A_44 = arith.addf %dot_general3A_38, %add3A : vector<256x4096xf32>
      %max3A = arith.constant 0.000000e+00 : f32
      %max3A_45 = vector.broadcast %max3A : f32 to vector<256x4096xf32>
      %max3A_46 = arith.maximumf %add3A_44, %max3A_45 : vector<256x4096xf32>
      %convert_element_type3A_47 = arith.truncf %max3A_46 : vector<256x4096xf32> to vector<256x4096xbf16>
      %swap3A = arith.constant 0 : index
      %swap3A_48 = arith.constant 0 : index
      %swap3A_49 = vector.load %arg10[%swap3A, %swap3A_48] : memref<256x4096xbf16, #tpu.memory_space<vmem>>, vector<256x4096xbf16>
      tpu.vector_store %arg10[%swap3A, %swap3A_48], %convert_element_type3A_47 {strides = array<i32>} : memref<256x4096xbf16, #tpu.memory_space<vmem>>, vector<256x4096xbf16>,
    } else {
    }
    %eq3A_30 = arith.constant 2 : i32
    %eq3A_31 = arith.cmpi eq, %get3A_16, %eq3A_30 : i32
    %convert_element_type3A_32 = arith.extui %eq3A_31 : i1 to i32
    %cond3A_33 = arith.constant 0 : i32
    %cond3A_34 = arith.cmpi ne, %convert_element_type3A_32, %cond3A_33 : i32
    scf.if %cond3A_34 {
      %get3A_35 = arith.constant 0 : index
      %get3A_36 = arith.constant 0 : index
      %get3A_37 = vector.load %arg13[%get3A_35, %get3A_36] : memref<4096x1024xf32, #tpu.memory_space<vmem>>, vector<4096x1024xf32>
      %dot_general3A = arith.constant dense<0.000000e+00> : vector<256x4096xf32>
      %dot_general3A_38 = tpu.matmul %get3A_19, %get3A_37, %dot_general3A {dimension_numbers = #tpu.dot_dimension_numbers<[1], [1], [0], [0], [0, 0, 1, 0], [], []>, transpose_lhs_hint = false} : vector<256x1024xf32>, vector<4096x1024xf32>, vector<256x4096xf32> -> vector<256x4096xf32>
      %get3A_39 = arith.constant 0 : index
      %get3A_40 = arith.constant 0 : index
      %get3A_41 = arith.constant 0 : index
      %get3A_42 = vector.load %arg8[%get3A_39, %get3A_40, %get3A_41] : memref<1x1x4096xf32, #tpu.memory_space<vmem>>, vector<1x1x4096xf32>
      %get3A_43 = vector.shape_cast %get3A_42 : vector<1x1x4096xf32> to vector<1x4096xf32>
      %add3A = vector.broadcast %get3A_43 : vector<1x4096xf32> to vector<256x4096xf32>
      %add3A_44 = arith.addf %dot_general3A_38, %add3A : vector<256x4096xf32>
      %max3A = arith.constant 0.000000e+00 : f32
      %max3A_45 = vector.broadcast %max3A : f32 to vector<256x4096xf32>
      %max3A_46 = arith.maximumf %add3A_44, %max3A_45 : vector<256x4096xf32>
      %convert_element_type3A_47 = arith.truncf %max3A_46 : vector<256x4096xf32> to vector<256x4096xbf16>
      %swap3A = arith.constant 0 : index
      %swap3A_48 = arith.constant 0 : index
      %swap3A_49 = vector.load %arg10[%swap3A, %swap3A_48] : memref<256x4096xbf16, #tpu.memory_space<vmem>>, vector<256x4096xbf16>
      tpu.vector_store %arg10[%swap3A, %swap3A_48], %convert_element_type3A_47 {strides = array<i32>} : memref<256x4096xbf16, #tpu.memory_space<vmem>>, vector<256x4096xbf16>,
    } else {
    }
    return
  }
  func.func @transform_0(%arg0: i32, %arg1: memref<40xi32, #tpu.memory_space<smem>>, %arg2: memref<40xi32, #tpu.memory_space<smem>>, %arg3: memref<40xi32, #tpu.memory_space<smem>>, %arg4: memref<40xi32, #tpu.memory_space<smem>>, %arg5: memref<40xi32, #tpu.memory_space<smem>>, %arg6: memref<40xi32, #tpu.memory_space<smem>>) -> (i32, i32) {
    %c0_i32 = arith.constant 0 : i32
    %c0_i32_0 = arith.constant 0 : i32
    return %arg0, %c0_i32 : i32, i32
  }
  func.func @transform_1(%arg0: i32, %arg1: memref<40xi32, #tpu.memory_space<smem>>, %arg2: memref<40xi32, #tpu.memory_space<smem>>, %arg3: memref<40xi32, #tpu.memory_space<smem>>, %arg4: memref<40xi32, #tpu.memory_space<smem>>, %arg5: memref<40xi32, #tpu.memory_space<smem>>, %arg6: memref<40xi32, #tpu.memory_space<smem>>) -> (i32, i32, i32) {
    %get3A = arith.index_cast %arg0 : i32 to index
    %get3A_0 = memref.load %arg1[%get3A] : memref<40xi32, #tpu.memory_space<smem>>
    %c0_i32 = arith.constant 0 : i32
    %c0_i32_1 = arith.constant 0 : i32
    %c0_i32_2 = arith.constant 0 : i32
    return %get3A_0, %c0_i32, %c0_i32_1 : i32, i32, i32
  }
  func.func @transform_3(%arg0: i32, %arg1: memref<40xi32, #tpu.memory_space<smem>>, %arg2: memref<40xi32, #tpu.memory_space<smem>>, %arg3: memref<40xi32, #tpu.memory_space<smem>>, %arg4: memref<40xi32, #tpu.memory_space<smem>>, %arg5: memref<40xi32, #tpu.memory_space<smem>>, %arg6: memref<40xi32, #tpu.memory_space<smem>>) -> (i32, i32) {
    %c0_i32 = arith.constant 0 : i32
    %c0_i32_0 = arith.constant 0 : i32
    return %arg0, %c0_i32 : i32, i32
  }
}

module attributes {stable_mosaic.version = 14 : i64} {
  func.func @_ffn2_body(%arg0: i32, %arg1: memref<40xi32, #tpu.memory_space<smem>>, %arg2: memref<40xi32, #tpu.memory_space<smem>>, %arg3: memref<40xi32, #tpu.memory_space<smem>>, %arg4: memref<40xi32, #tpu.memory_space<smem>>, %arg5: memref<40xi32, #tpu.memory_space<smem>>, %arg6: memref<40xi32, #tpu.memory_space<smem>>, %arg7: memref<256x4096xbf16, #tpu.memory_space<vmem>>, %arg8: memref<1x1x1024xf32, #tpu.memory_space<vmem>>, %arg9: memref<8x1024x4096xf32, #tpu.memory_space<any>>, %arg10: memref<256x1024xf32, #tpu.memory_space<vmem>>, %arg11: memref<1024x4096xf32, #tpu.memory_space<vmem>>, %arg12: memref<1024x4096xf32, #tpu.memory_space<vmem>>, %arg13: memref<1024x4096xf32, #tpu.memory_space<vmem>>, %arg14: memref<!tpu.dma_semaphore, #tpu.memory_space<semaphore_mem>>, %arg15: memref<!tpu.dma_semaphore, #tpu.memory_space<semaphore_mem>>, %arg16: memref<!tpu.dma_semaphore, #tpu.memory_space<semaphore_mem>>) attributes {dimension_semantics = [#tpu.dimension_semantics<arbitrary>], iteration_bounds = array<i64: 40>, scalar_prefetch = 6 : i64, scratch_operands = 6 : i64, tpu.core_type = #tpu.core_type<tc>, window_params = [{transform_indices = @transform_0, window_bounds = array<i64: 256, 4096>}, {transform_indices = @transform_1, window_bounds = array<i64: 1, 1, 1024>}, {}, {transform_indices = @transform_3, window_bounds = array<i64: 256, 1024>}]} {
    %eq3A = arith.constant 0 : i32
    %eq3A_0 = arith.cmpi eq, %arg0, %eq3A : i32
    %convert_element_type3A = arith.extui %eq3A_0 : i1 to i32
    %cond3A = arith.constant 0 : i32
    %cond3A_1 = arith.cmpi ne, %convert_element_type3A, %cond3A : i32
    scf.if %cond3A_1 {
      %get3A_35 = arith.constant 0 : index
      %get3A_36 = memref.load %arg1[%get3A_35] : memref<40xi32, #tpu.memory_space<smem>>
      %get3A_37 = arith.constant 0 : index
      %get3A_38 = memref.load %arg3[%get3A_37] : memref<40xi32, #tpu.memory_space<smem>>
      %eq3A_39 = arith.constant 0 : i32
      %eq3A_40 = arith.cmpi eq, %get3A_38, %eq3A_39 : i32
      %convert_element_type3A_41 = arith.extui %eq3A_40 : i1 to i32
      %cond3A_42 = arith.constant 0 : i32
      %cond3A_43 = arith.cmpi ne, %convert_element_type3A_41, %cond3A_42 : i32
      scf.if %cond3A_43 {
        %dma_start3A = arith.constant 0 : i32
        %dma_start3A_61 = arith.constant 0 : i32
        %dma_start3A_62 = tpu.memref_slice %arg9[%get3A_36, %dma_start3A, %dma_start3A_61] : memref<8x1024x4096xf32, #tpu.memory_space<any>> -> memref<1x1024x4096xf32, #tpu.memory_space<any>>
        %dma_start3A_63 = tpu.memref_squeeze %dma_start3A_62 : memref<1x1024x4096xf32, #tpu.memory_space<any>> -> memref<1024x4096xf32, #tpu.memory_space<any>>
        tpu.enqueue_dma source(%dma_start3A_63 : memref<1024x4096xf32, #tpu.memory_space<any>>) target(%arg11 : memref<1024x4096xf32, #tpu.memory_space<vmem>>) target_semaphore(%arg14 : memref<!tpu.dma_semaphore, #tpu.memory_space<semaphore_mem>>)
      } else {
      }
      %eq3A_44 = arith.constant 1 : i32
      %eq3A_45 = arith.cmpi eq, %get3A_38, %eq3A_44 : i32
      %convert_element_type3A_46 = arith.extui %eq3A_45 : i1 to i32
      %cond3A_47 = arith.constant 0 : i32
      %cond3A_48 = arith.cmpi ne, %convert_element_type3A_46, %cond3A_47 : i32
      scf.if %cond3A_48 {
        %dma_start3A = arith.constant 0 : i32
        %dma_start3A_61 = arith.constant 0 : i32
        %dma_start3A_62 = tpu.memref_slice %arg9[%get3A_36, %dma_start3A, %dma_start3A_61] : memref<8x1024x4096xf32, #tpu.memory_space<any>> -> memref<1x1024x4096xf32, #tpu.memory_space<any>>
        %dma_start3A_63 = tpu.memref_squeeze %dma_start3A_62 : memref<1x1024x4096xf32, #tpu.memory_space<any>> -> memref<1024x4096xf32, #tpu.memory_space<any>>
        tpu.enqueue_dma source(%dma_start3A_63 : memref<1024x4096xf32, #tpu.memory_space<any>>) target(%arg12 : memref<1024x4096xf32, #tpu.memory_space<vmem>>) target_semaphore(%arg15 : memref<!tpu.dma_semaphore, #tpu.memory_space<semaphore_mem>>)
      } else {
      }
      %eq3A_49 = arith.constant 2 : i32
      %eq3A_50 = arith.cmpi eq, %get3A_38, %eq3A_49 : i32
      %convert_element_type3A_51 = arith.extui %eq3A_50 : i1 to i32
      %cond3A_52 = arith.constant 0 : i32
      %cond3A_53 = arith.cmpi ne, %convert_element_type3A_51, %cond3A_52 : i32
      scf.if %cond3A_53 {
        %dma_start3A = arith.constant 0 : i32
        %dma_start3A_61 = arith.constant 0 : i32
        %dma_start3A_62 = tpu.memref_slice %arg9[%get3A_36, %dma_start3A, %dma_start3A_61] : memref<8x1024x4096xf32, #tpu.memory_space<any>> -> memref<1x1024x4096xf32, #tpu.memory_space<any>>
        %dma_start3A_63 = tpu.memref_squeeze %dma_start3A_62 : memref<1x1024x4096xf32, #tpu.memory_space<any>> -> memref<1024x4096xf32, #tpu.memory_space<any>>
        tpu.enqueue_dma source(%dma_start3A_63 : memref<1024x4096xf32, #tpu.memory_space<any>>) target(%arg13 : memref<1024x4096xf32, #tpu.memory_space<vmem>>) target_semaphore(%arg16 : memref<!tpu.dma_semaphore, #tpu.memory_space<semaphore_mem>>)
      } else {
      }
      %get3A_54 = arith.constant 1 : index
      %get3A_55 = memref.load %arg2[%get3A_54] : memref<40xi32, #tpu.memory_space<smem>>
      %eq3A_56 = arith.constant 1 : i32
      %eq3A_57 = arith.cmpi eq, %get3A_55, %eq3A_56 : i32
      %convert_element_type3A_58 = arith.extui %eq3A_57 : i1 to i32
      %cond3A_59 = arith.constant 0 : i32
      %cond3A_60 = arith.cmpi ne, %convert_element_type3A_58, %cond3A_59 : i32
      scf.if %cond3A_60 {
        %get3A_61 = arith.constant 1 : index
        %get3A_62 = memref.load %arg1[%get3A_61] : memref<40xi32, #tpu.memory_space<smem>>
        %get3A_63 = arith.constant 1 : index
        %get3A_64 = memref.load %arg3[%get3A_63] : memref<40xi32, #tpu.memory_space<smem>>
        %eq3A_65 = arith.constant 0 : i32
        %eq3A_66 = arith.cmpi eq, %get3A_64, %eq3A_65 : i32
        %convert_element_type3A_67 = arith.extui %eq3A_66 : i1 to i32
        %cond3A_68 = arith.constant 0 : i32
        %cond3A_69 = arith.cmpi ne, %convert_element_type3A_67, %cond3A_68 : i32
        scf.if %cond3A_69 {
          %dma_start3A = arith.constant 0 : i32
          %dma_start3A_80 = arith.constant 0 : i32
          %dma_start3A_81 = tpu.memref_slice %arg9[%get3A_62, %dma_start3A, %dma_start3A_80] : memref<8x1024x4096xf32, #tpu.memory_space<any>> -> memref<1x1024x4096xf32, #tpu.memory_space<any>>
          %dma_start3A_82 = tpu.memref_squeeze %dma_start3A_81 : memref<1x1024x4096xf32, #tpu.memory_space<any>> -> memref<1024x4096xf32, #tpu.memory_space<any>>
          tpu.enqueue_dma source(%dma_start3A_82 : memref<1024x4096xf32, #tpu.memory_space<any>>) target(%arg11 : memref<1024x4096xf32, #tpu.memory_space<vmem>>) target_semaphore(%arg14 : memref<!tpu.dma_semaphore, #tpu.memory_space<semaphore_mem>>)
        } else {
        }
        %eq3A_70 = arith.constant 1 : i32
        %eq3A_71 = arith.cmpi eq, %get3A_64, %eq3A_70 : i32
        %convert_element_type3A_72 = arith.extui %eq3A_71 : i1 to i32
        %cond3A_73 = arith.constant 0 : i32
        %cond3A_74 = arith.cmpi ne, %convert_element_type3A_72, %cond3A_73 : i32
        scf.if %cond3A_74 {
          %dma_start3A = arith.constant 0 : i32
          %dma_start3A_80 = arith.constant 0 : i32
          %dma_start3A_81 = tpu.memref_slice %arg9[%get3A_62, %dma_start3A, %dma_start3A_80] : memref<8x1024x4096xf32, #tpu.memory_space<any>> -> memref<1x1024x4096xf32, #tpu.memory_space<any>>
          %dma_start3A_82 = tpu.memref_squeeze %dma_start3A_81 : memref<1x1024x4096xf32, #tpu.memory_space<any>> -> memref<1024x4096xf32, #tpu.memory_space<any>>
          tpu.enqueue_dma source(%dma_start3A_82 : memref<1024x4096xf32, #tpu.memory_space<any>>) target(%arg12 : memref<1024x4096xf32, #tpu.memory_space<vmem>>) target_semaphore(%arg15 : memref<!tpu.dma_semaphore, #tpu.memory_space<semaphore_mem>>)
        } else {
        }
        %eq3A_75 = arith.constant 2 : i32
        %eq3A_76 = arith.cmpi eq, %get3A_64, %eq3A_75 : i32
        %convert_element_type3A_77 = arith.extui %eq3A_76 : i1 to i32
        %cond3A_78 = arith.constant 0 : i32
        %cond3A_79 = arith.cmpi ne, %convert_element_type3A_77, %cond3A_78 : i32
        scf.if %cond3A_79 {
          %dma_start3A = arith.constant 0 : i32
          %dma_start3A_80 = arith.constant 0 : i32
          %dma_start3A_81 = tpu.memref_slice %arg9[%get3A_62, %dma_start3A, %dma_start3A_80] : memref<8x1024x4096xf32, #tpu.memory_space<any>> -> memref<1x1024x4096xf32, #tpu.memory_space<any>>
          %dma_start3A_82 = tpu.memref_squeeze %dma_start3A_81 : memref<1x1024x4096xf32, #tpu.memory_space<any>> -> memref<1024x4096xf32, #tpu.memory_space<any>>
          tpu.enqueue_dma source(%dma_start3A_82 : memref<1024x4096xf32, #tpu.memory_space<any>>) target(%arg13 : memref<1024x4096xf32, #tpu.memory_space<vmem>>) target_semaphore(%arg16 : memref<!tpu.dma_semaphore, #tpu.memory_space<semaphore_mem>>)
        } else {
        }
      } else {
      }
    } else {
    }
    %get3A = arith.index_cast %arg0 : i32 to index
    %get3A_2 = memref.load %arg4[%get3A] : memref<40xi32, #tpu.memory_space<smem>>
    %eq3A_3 = arith.constant 1 : i32
    %eq3A_4 = arith.cmpi eq, %get3A_2, %eq3A_3 : i32
    %convert_element_type3A_5 = arith.extui %eq3A_4 : i1 to i32
    %cond3A_6 = arith.constant 0 : i32
    %cond3A_7 = arith.cmpi ne, %convert_element_type3A_5, %cond3A_6 : i32
    scf.if %cond3A_7 {
      %get3A_35 = arith.index_cast %arg0 : i32 to index
      %get3A_36 = memref.load %arg5[%get3A_35] : memref<40xi32, #tpu.memory_space<smem>>
      %get3A_37 = arith.index_cast %arg0 : i32 to index
      %get3A_38 = memref.load %arg6[%get3A_37] : memref<40xi32, #tpu.memory_space<smem>>
      %eq3A_39 = arith.constant 0 : i32
      %eq3A_40 = arith.cmpi eq, %get3A_38, %eq3A_39 : i32
      %convert_element_type3A_41 = arith.extui %eq3A_40 : i1 to i32
      %cond3A_42 = arith.constant 0 : i32
      %cond3A_43 = arith.cmpi ne, %convert_element_type3A_41, %cond3A_42 : i32
      scf.if %cond3A_43 {
        %dma_start3A = arith.constant 0 : i32
        %dma_start3A_54 = arith.constant 0 : i32
        %dma_start3A_55 = tpu.memref_slice %arg9[%get3A_36, %dma_start3A, %dma_start3A_54] : memref<8x1024x4096xf32, #tpu.memory_space<any>> -> memref<1x1024x4096xf32, #tpu.memory_space<any>>
        %dma_start3A_56 = tpu.memref_squeeze %dma_start3A_55 : memref<1x1024x4096xf32, #tpu.memory_space<any>> -> memref<1024x4096xf32, #tpu.memory_space<any>>
        tpu.enqueue_dma source(%dma_start3A_56 : memref<1024x4096xf32, #tpu.memory_space<any>>) target(%arg11 : memref<1024x4096xf32, #tpu.memory_space<vmem>>) target_semaphore(%arg14 : memref<!tpu.dma_semaphore, #tpu.memory_space<semaphore_mem>>)
      } else {
      }
      %eq3A_44 = arith.constant 1 : i32
      %eq3A_45 = arith.cmpi eq, %get3A_38, %eq3A_44 : i32
      %convert_element_type3A_46 = arith.extui %eq3A_45 : i1 to i32
      %cond3A_47 = arith.constant 0 : i32
      %cond3A_48 = arith.cmpi ne, %convert_element_type3A_46, %cond3A_47 : i32
      scf.if %cond3A_48 {
        %dma_start3A = arith.constant 0 : i32
        %dma_start3A_54 = arith.constant 0 : i32
        %dma_start3A_55 = tpu.memref_slice %arg9[%get3A_36, %dma_start3A, %dma_start3A_54] : memref<8x1024x4096xf32, #tpu.memory_space<any>> -> memref<1x1024x4096xf32, #tpu.memory_space<any>>
        %dma_start3A_56 = tpu.memref_squeeze %dma_start3A_55 : memref<1x1024x4096xf32, #tpu.memory_space<any>> -> memref<1024x4096xf32, #tpu.memory_space<any>>
        tpu.enqueue_dma source(%dma_start3A_56 : memref<1024x4096xf32, #tpu.memory_space<any>>) target(%arg12 : memref<1024x4096xf32, #tpu.memory_space<vmem>>) target_semaphore(%arg15 : memref<!tpu.dma_semaphore, #tpu.memory_space<semaphore_mem>>)
      } else {
      }
      %eq3A_49 = arith.constant 2 : i32
      %eq3A_50 = arith.cmpi eq, %get3A_38, %eq3A_49 : i32
      %convert_element_type3A_51 = arith.extui %eq3A_50 : i1 to i32
      %cond3A_52 = arith.constant 0 : i32
      %cond3A_53 = arith.cmpi ne, %convert_element_type3A_51, %cond3A_52 : i32
      scf.if %cond3A_53 {
        %dma_start3A = arith.constant 0 : i32
        %dma_start3A_54 = arith.constant 0 : i32
        %dma_start3A_55 = tpu.memref_slice %arg9[%get3A_36, %dma_start3A, %dma_start3A_54] : memref<8x1024x4096xf32, #tpu.memory_space<any>> -> memref<1x1024x4096xf32, #tpu.memory_space<any>>
        %dma_start3A_56 = tpu.memref_squeeze %dma_start3A_55 : memref<1x1024x4096xf32, #tpu.memory_space<any>> -> memref<1024x4096xf32, #tpu.memory_space<any>>
        tpu.enqueue_dma source(%dma_start3A_56 : memref<1024x4096xf32, #tpu.memory_space<any>>) target(%arg13 : memref<1024x4096xf32, #tpu.memory_space<vmem>>) target_semaphore(%arg16 : memref<!tpu.dma_semaphore, #tpu.memory_space<semaphore_mem>>)
      } else {
      }
    } else {
    }
    %get3A_8 = arith.index_cast %arg0 : i32 to index
    %get3A_9 = memref.load %arg2[%get3A_8] : memref<40xi32, #tpu.memory_space<smem>>
    %eq3A_10 = arith.constant 1 : i32
    %eq3A_11 = arith.cmpi eq, %get3A_9, %eq3A_10 : i32
    %convert_element_type3A_12 = arith.extui %eq3A_11 : i1 to i32
    %cond3A_13 = arith.constant 0 : i32
    %cond3A_14 = arith.cmpi ne, %convert_element_type3A_12, %cond3A_13 : i32
    scf.if %cond3A_14 {
      %get3A_35 = arith.index_cast %arg0 : i32 to index
      %get3A_36 = memref.load %arg1[%get3A_35] : memref<40xi32, #tpu.memory_space<smem>>
      %get3A_37 = arith.index_cast %arg0 : i32 to index
      %get3A_38 = memref.load %arg3[%get3A_37] : memref<40xi32, #tpu.memory_space<smem>>
      %eq3A_39 = arith.constant 0 : i32
      %eq3A_40 = arith.cmpi eq, %get3A_38, %eq3A_39 : i32
      %convert_element_type3A_41 = arith.extui %eq3A_40 : i1 to i32
      %cond3A_42 = arith.constant 0 : i32
      %cond3A_43 = arith.cmpi ne, %convert_element_type3A_41, %cond3A_42 : i32
      scf.if %cond3A_43 {
        %dma_wait3A = arith.constant 0 : i32
        %dma_wait3A_54 = arith.constant 0 : i32
        %dma_wait3A_55 = tpu.memref_slice %arg9[%get3A_36, %dma_wait3A, %dma_wait3A_54] : memref<8x1024x4096xf32, #tpu.memory_space<any>> -> memref<1x1024x4096xf32, #tpu.memory_space<any>>
        %dma_wait3A_56 = tpu.memref_squeeze %dma_wait3A_55 : memref<1x1024x4096xf32, #tpu.memory_space<any>> -> memref<1024x4096xf32, #tpu.memory_space<any>>
        tpu.wait_dma2 semaphore(%arg14 : memref<!tpu.dma_semaphore, #tpu.memory_space<semaphore_mem>>) src(%dma_wait3A_56 : memref<1024x4096xf32, #tpu.memory_space<any>>) dst(%arg11 : memref<1024x4096xf32, #tpu.memory_space<vmem>>)
      } else {
      }
      %eq3A_44 = arith.constant 1 : i32
      %eq3A_45 = arith.cmpi eq, %get3A_38, %eq3A_44 : i32
      %convert_element_type3A_46 = arith.extui %eq3A_45 : i1 to i32
      %cond3A_47 = arith.constant 0 : i32
      %cond3A_48 = arith.cmpi ne, %convert_element_type3A_46, %cond3A_47 : i32
      scf.if %cond3A_48 {
        %dma_wait3A = arith.constant 0 : i32
        %dma_wait3A_54 = arith.constant 0 : i32
        %dma_wait3A_55 = tpu.memref_slice %arg9[%get3A_36, %dma_wait3A, %dma_wait3A_54] : memref<8x1024x4096xf32, #tpu.memory_space<any>> -> memref<1x1024x4096xf32, #tpu.memory_space<any>>
        %dma_wait3A_56 = tpu.memref_squeeze %dma_wait3A_55 : memref<1x1024x4096xf32, #tpu.memory_space<any>> -> memref<1024x4096xf32, #tpu.memory_space<any>>
        tpu.wait_dma2 semaphore(%arg15 : memref<!tpu.dma_semaphore, #tpu.memory_space<semaphore_mem>>) src(%dma_wait3A_56 : memref<1024x4096xf32, #tpu.memory_space<any>>) dst(%arg12 : memref<1024x4096xf32, #tpu.memory_space<vmem>>)
      } else {
      }
      %eq3A_49 = arith.constant 2 : i32
      %eq3A_50 = arith.cmpi eq, %get3A_38, %eq3A_49 : i32
      %convert_element_type3A_51 = arith.extui %eq3A_50 : i1 to i32
      %cond3A_52 = arith.constant 0 : i32
      %cond3A_53 = arith.cmpi ne, %convert_element_type3A_51, %cond3A_52 : i32
      scf.if %cond3A_53 {
        %dma_wait3A = arith.constant 0 : i32
        %dma_wait3A_54 = arith.constant 0 : i32
        %dma_wait3A_55 = tpu.memref_slice %arg9[%get3A_36, %dma_wait3A, %dma_wait3A_54] : memref<8x1024x4096xf32, #tpu.memory_space<any>> -> memref<1x1024x4096xf32, #tpu.memory_space<any>>
        %dma_wait3A_56 = tpu.memref_squeeze %dma_wait3A_55 : memref<1x1024x4096xf32, #tpu.memory_space<any>> -> memref<1024x4096xf32, #tpu.memory_space<any>>
        tpu.wait_dma2 semaphore(%arg16 : memref<!tpu.dma_semaphore, #tpu.memory_space<semaphore_mem>>) src(%dma_wait3A_56 : memref<1024x4096xf32, #tpu.memory_space<any>>) dst(%arg13 : memref<1024x4096xf32, #tpu.memory_space<vmem>>)
      } else {
      }
    } else {
    }
    %get3A_15 = arith.index_cast %arg0 : i32 to index
    %get3A_16 = memref.load %arg3[%get3A_15] : memref<40xi32, #tpu.memory_space<smem>>
    %get3A_17 = arith.constant 0 : index
    %get3A_18 = arith.constant 0 : index
    %get3A_19 = vector.load %arg7[%get3A_17, %get3A_18] : memref<256x4096xbf16, #tpu.memory_space<vmem>>, vector<256x4096xbf16>
    %eq3A_20 = arith.constant 0 : i32
    %eq3A_21 = arith.cmpi eq, %get3A_16, %eq3A_20 : i32
    %convert_element_type3A_22 = arith.extui %eq3A_21 : i1 to i32
    %cond3A_23 = arith.constant 0 : i32
    %cond3A_24 = arith.cmpi ne, %convert_element_type3A_22, %cond3A_23 : i32
    scf.if %cond3A_24 {
      %get3A_35 = arith.constant 0 : index
      %get3A_36 = arith.constant 0 : index
      %get3A_37 = vector.load %arg11[%get3A_35, %get3A_36] : memref<1024x4096xf32, #tpu.memory_space<vmem>>, vector<1024x4096xf32>
      %dot_general3A = arith.constant dense<0.000000e+00> : vector<256x1024xf32>
      %dot_general3A_38 = tpu.matmul %get3A_19, %get3A_37, %dot_general3A {dimension_numbers = #tpu.dot_dimension_numbers<[1], [1], [0], [0], [0, 0, 1, 0], [], []>, transpose_lhs_hint = false} : vector<256x4096xbf16>, vector<1024x4096xf32>, vector<256x1024xf32> -> vector<256x1024xf32>
      %get3A_39 = arith.constant 0 : index
      %get3A_40 = arith.constant 0 : index
      %get3A_41 = arith.constant 0 : index
      %get3A_42 = vector.load %arg8[%get3A_39, %get3A_40, %get3A_41] : memref<1x1x1024xf32, #tpu.memory_space<vmem>>, vector<1x1x1024xf32>
      %get3A_43 = vector.shape_cast %get3A_42 : vector<1x1x1024xf32> to vector<1x1024xf32>
      %add3A = vector.broadcast %get3A_43 : vector<1x1024xf32> to vector<256x1024xf32>
      %add3A_44 = arith.addf %dot_general3A_38, %add3A : vector<256x1024xf32>
      %swap3A = arith.constant 0 : index
      %swap3A_45 = arith.constant 0 : index
      %swap3A_46 = vector.load %arg10[%swap3A, %swap3A_45] : memref<256x1024xf32, #tpu.memory_space<vmem>>, vector<256x1024xf32>
      tpu.vector_store %arg10[%swap3A, %swap3A_45], %add3A_44 {strides = array<i32>} : memref<256x1024xf32, #tpu.memory_space<vmem>>, vector<256x1024xf32>,
    } else {
    }
    %eq3A_25 = arith.constant 1 : i32
    %eq3A_26 = arith.cmpi eq, %get3A_16, %eq3A_25 : i32
    %convert_element_type3A_27 = arith.extui %eq3A_26 : i1 to i32
    %cond3A_28 = arith.constant 0 : i32
    %cond3A_29 = arith.cmpi ne, %convert_element_type3A_27, %cond3A_28 : i32
    scf.if %cond3A_29 {
      %get3A_35 = arith.constant 0 : index
      %get3A_36 = arith.constant 0 : index
      %get3A_37 = vector.load %arg12[%get3A_35, %get3A_36] : memref<1024x4096xf32, #tpu.memory_space<vmem>>, vector<1024x4096xf32>
      %dot_general3A = arith.constant dense<0.000000e+00> : vector<256x1024xf32>
      %dot_general3A_38 = tpu.matmul %get3A_19, %get3A_37, %dot_general3A {dimension_numbers = #tpu.dot_dimension_numbers<[1], [1], [0], [0], [0, 0, 1, 0], [], []>, transpose_lhs_hint = false} : vector<256x4096xbf16>, vector<1024x4096xf32>, vector<256x1024xf32> -> vector<256x1024xf32>
      %get3A_39 = arith.constant 0 : index
      %get3A_40 = arith.constant 0 : index
      %get3A_41 = arith.constant 0 : index
      %get3A_42 = vector.load %arg8[%get3A_39, %get3A_40, %get3A_41] : memref<1x1x1024xf32, #tpu.memory_space<vmem>>, vector<1x1x1024xf32>
      %get3A_43 = vector.shape_cast %get3A_42 : vector<1x1x1024xf32> to vector<1x1024xf32>
      %add3A = vector.broadcast %get3A_43 : vector<1x1024xf32> to vector<256x1024xf32>
      %add3A_44 = arith.addf %dot_general3A_38, %add3A : vector<256x1024xf32>
      %swap3A = arith.constant 0 : index
      %swap3A_45 = arith.constant 0 : index
      %swap3A_46 = vector.load %arg10[%swap3A, %swap3A_45] : memref<256x1024xf32, #tpu.memory_space<vmem>>, vector<256x1024xf32>
      tpu.vector_store %arg10[%swap3A, %swap3A_45], %add3A_44 {strides = array<i32>} : memref<256x1024xf32, #tpu.memory_space<vmem>>, vector<256x1024xf32>,
    } else {
    }
    %eq3A_30 = arith.constant 2 : i32
    %eq3A_31 = arith.cmpi eq, %get3A_16, %eq3A_30 : i32
    %convert_element_type3A_32 = arith.extui %eq3A_31 : i1 to i32
    %cond3A_33 = arith.constant 0 : i32
    %cond3A_34 = arith.cmpi ne, %convert_element_type3A_32, %cond3A_33 : i32
    scf.if %cond3A_34 {
      %get3A_35 = arith.constant 0 : index
      %get3A_36 = arith.constant 0 : index
      %get3A_37 = vector.load %arg13[%get3A_35, %get3A_36] : memref<1024x4096xf32, #tpu.memory_space<vmem>>, vector<1024x4096xf32>
      %dot_general3A = arith.constant dense<0.000000e+00> : vector<256x1024xf32>
      %dot_general3A_38 = tpu.matmul %get3A_19, %get3A_37, %dot_general3A {dimension_numbers = #tpu.dot_dimension_numbers<[1], [1], [0], [0], [0, 0, 1, 0], [], []>, transpose_lhs_hint = false} : vector<256x4096xbf16>, vector<1024x4096xf32>, vector<256x1024xf32> -> vector<256x1024xf32>
      %get3A_39 = arith.constant 0 : index
      %get3A_40 = arith.constant 0 : index
      %get3A_41 = arith.constant 0 : index
      %get3A_42 = vector.load %arg8[%get3A_39, %get3A_40, %get3A_41] : memref<1x1x1024xf32, #tpu.memory_space<vmem>>, vector<1x1x1024xf32>
      %get3A_43 = vector.shape_cast %get3A_42 : vector<1x1x1024xf32> to vector<1x1024xf32>
      %add3A = vector.broadcast %get3A_43 : vector<1x1024xf32> to vector<256x1024xf32>
      %add3A_44 = arith.addf %dot_general3A_38, %add3A : vector<256x1024xf32>
      %swap3A = arith.constant 0 : index
      %swap3A_45 = arith.constant 0 : index
      %swap3A_46 = vector.load %arg10[%swap3A, %swap3A_45] : memref<256x1024xf32, #tpu.memory_space<vmem>>, vector<256x1024xf32>
      tpu.vector_store %arg10[%swap3A, %swap3A_45], %add3A_44 {strides = array<i32>} : memref<256x1024xf32, #tpu.memory_space<vmem>>, vector<256x1024xf32>,
    } else {
    }
    return
  }
  func.func @transform_0(%arg0: i32, %arg1: memref<40xi32, #tpu.memory_space<smem>>, %arg2: memref<40xi32, #tpu.memory_space<smem>>, %arg3: memref<40xi32, #tpu.memory_space<smem>>, %arg4: memref<40xi32, #tpu.memory_space<smem>>, %arg5: memref<40xi32, #tpu.memory_space<smem>>, %arg6: memref<40xi32, #tpu.memory_space<smem>>) -> (i32, i32) {
    %c0_i32 = arith.constant 0 : i32
    %c0_i32_0 = arith.constant 0 : i32
    return %arg0, %c0_i32 : i32, i32
  }
  func.func @transform_1(%arg0: i32, %arg1: memref<40xi32, #tpu.memory_space<smem>>, %arg2: memref<40xi32, #tpu.memory_space<smem>>, %arg3: memref<40xi32, #tpu.memory_space<smem>>, %arg4: memref<40xi32, #tpu.memory_space<smem>>, %arg5: memref<40xi32, #tpu.memory_space<smem>>, %arg6: memref<40xi32, #tpu.memory_space<smem>>) -> (i32, i32, i32) {
    %get3A = arith.index_cast %arg0 : i32 to index
    %get3A_0 = memref.load %arg1[%get3A] : memref<40xi32, #tpu.memory_space<smem>>
    %c0_i32 = arith.constant 0 : i32
    %c0_i32_1 = arith.constant 0 : i32
    %c0_i32_2 = arith.constant 0 : i32
    return %get3A_0, %c0_i32, %c0_i32_1 : i32, i32, i32
  }
  func.func @transform_3(%arg0: i32, %arg1: memref<40xi32, #tpu.memory_space<smem>>, %arg2: memref<40xi32, #tpu.memory_space<smem>>, %arg3: memref<40xi32, #tpu.memory_space<smem>>, %arg4: memref<40xi32, #tpu.memory_space<smem>>, %arg5: memref<40xi32, #tpu.memory_space<smem>>, %arg6: memref<40xi32, #tpu.memory_space<smem>>) -> (i32, i32) {
    %c0_i32 = arith.constant 0 : i32
    %c0_i32_0 = arith.constant 0 : i32
    return %arg0, %c0_i32 : i32, i32
  }
}

</mosaic_0001>

<sc_bundles>
// kernel: kernel.10.cloned.1.call-start
scs
__scs_entry_jumppad:
0x0: {  	(pc) =	sbr.rel $0x88, $3  }
0x1: {  	(tag) =	ssettag $0x0;
	lr =	simm.s32 $0x1  }
0x2: {  	[smem:$0x3F9B] =	sst lr;
	_ =	strace $0xD0000000  }
0x3: {  	_ = 	snop  }
0x4: {  	_ = 	snop  }
0x5: {  	_ = 	snop  }
0x6: {  	_ = 	snop  }
0x7: {  	_ = 	snop  }
__scs_overlays_trampoline_lowered:
0x8: {  	[smem:$0x3FAA] =	sst s0  }
0x9: {  	[smem:$0x3FAB] =	sst s1  }
0xa: {  	[smem:$0x3FAC] =	sst s2  }
0xb: {  	[smem:$0x3FAD] =	sst s3  }
0xc: {  	[smem:$0x3FAE] =	sst s4  }
0xd: {  	[smem:$0x3FAF] =	sst s5  }
0xe: {  	[smem:$0x3FB0] =	sst s6  }
0xf: {  	[smem:$0x3FB1] =	sst s7  }
0x10: {  	[smem:$0x3FB2] =	sst s8  }
0x11: {  	[smem:$0x3FB3] =	sst s9;
	s0 =	simm.s32 @!p0 $0x0  }
0x12: {  	s1 =	sld [smem:$0x3F99];
	s0 =	simm.s32 @p0 $0x1  }
0x13: {  	[smem:$0x3FB4] =	sst s0;
	s0 =	simm.s32 @!p1 $0x0  }
0x14: {  	s2 =	sld [smem:$0x3F98];
	s0 =	simm.s32 @p1 $0x1  }
0x15: {  	[smem:$0x3FB5] =	sst s0;
	s0 =	simm.s32 @!p2 $0x0  }
0x16: {  	s3 =	sld [smem:$0x3FDB];
	s0 =	simm.s32 @p2 $0x1  }
0x17: {  	s4 =	simm.s32 $0x1BF5;
	[smem:$0x3FB7] =	sst s0  }
0x18: {  	s0 =	sld [smem:$0x3F9A];
	_ =	swait.ge [sflag:s4], $0x0  }
0x19: {  	s7 =	sld [smem:$0x3F9B]  }
0x1a: {  	s8 =	sadd.s32 $0xFFFFE003, lr  }
0x1b: {  	s9 =	sadd.s32 $0xFFFFFEF7, lr;
	s5 =	simm.s32 $0xFFFFFFFF;
	p2 =	slt.u32 s8, $0xFFFFF086  }
0x1c: {  	p1 =	slt.u32 s9, $0xF7A;
	s5 =	simm.s32 @!p2 $0x0  }
0x1d: {  	s5 =	simm.s32 @p1 $0x1;
	p0 =	seq.s32 s7, s2  }
0x1e: {  	s7 =	smul.u32 @!p0 $0xF7A, s2;
	p2 =	seq.s32 @!p0 s5, $0x0  }
0x1f: {  	s9 =	smul.u32 $0xF7A, s1;
	s8 =	simm.s32 @!p0 $0x1BF5;
	p2 =	por !p2, p0  }
0x20: {  	[sflag:s8] =	ssyncset.s32 @!p0 $0xFFFFF086;
	s6 =	sadd.s32 @!p0 s3, s7;
	s7 =	simm.s32 @!p0 $0x108  }
0x21: {  	s3 =	sadd.s32 s3, s9;
	s6 =	sadd.s32 @!p0 $0x88, s6;
	s7 =	simm.s32 @p2 $0x1082  }
0x22: {  	[simem:s7], [sflag:s8] =	dma.local @!p0 [hbm:s6], $0xF7A  }
0x23: {  	s9 =	sor.u32 $0xD0000000, s2;
	s6 =	simm.s32 $0x108;
	_ =	swait.ge @!p0 [sflag:s8], $0x0  }
0x24: {  	s3 =	sadd.s32 $0x88, s3;
	s6 =	simm.s32 @!p1 $0x1082;
	[sflag:s4] =	ssyncset.s32 $0xFFFFF086  }
0x25: {  	[simem:s6], [sflag:s4] =	dma.local [hbm:s3], $0xF7A  }
0x26: {  	[smem:$0x3F9B] =	sst s1;
	(tag) =	ssettag s2;
	_ =	strace s9  }
0x27: {  	s1 =	sld [smem:$0x3FAB]  }
0x28: {  	s2 =	sld [smem:$0x3FAC]  }
0x29: {  	s4 =	sld [smem:$0x3FAE]  }
0x2a: {  	p0 =	seq.s32 s5, $0x0;
	s5 =	sld [smem:$0x3FAF]  }
0x2b: {  	s6 =	sld [smem:$0x3FB0]  }
0x2c: {  	s7 =	sld [smem:$0x3FB1]  }
0x2d: {  	s3 =	simm.s32 $0x108;
	s8 =	sld [smem:$0x3FB2]  }
0x2e: {  	s3 =	simm.s32 @!p0 $0x1082;
	s9 =	sld [smem:$0x3FB3]  }
0x2f: {  	lr =	sadd.s32 s0, s3;
	s0 =	sld [smem:$0x3FAA]  }
0x30: {  	s3 =	sld [smem:$0x3FAD]  }
0x31: {  	[smem:$0x3FB6] =	sst s10  }
0x32: {  	s10 =	sld [smem:$0x3FB4];
	_ =	sdelay $0x3  }
0x33: {  	p0 =	seq.s32 s10, $0x1;
	s10 =	sld [smem:$0x3FB6];
	_ =	sdelay $0x3  }
0x34: {  	[smem:$0x3FB6] =	sst s10  }
0x35: {  	s10 =	sld [smem:$0x3FB5];
	_ =	sdelay $0x3  }
0x36: {  	p1 =	seq.s32 s10, $0x1;
	s10 =	sld [smem:$0x3FB6];
	_ =	sdelay $0x3  }
0x37: {  	[smem:$0x3FB6] =	sst s10  }
0x38: {  	s10 =	sld [smem:$0x3FB7]  }
0x39: {  	_ = 	snop;
	(pc) =	sbr.ind lr, $3  }
0x3a: {  	_ = 	snop  }
0x3b: {  	_ = 	snop  }
0x3c: {  	p2 =	seq.s32 s10, $0x1;
	s10 =	sld [smem:$0x3FB6]  }
0x3d: {  	_ =	shalt  }
0x3e: {  	_ =	shalt  }
0x3f: {  	_ =	shalt  }
0x40: {  	_ =	shalt  }
0x41: {  	_ =	shalt  }
0x42: {  	_ =	shalt  }
0x43: {  	_ =	shalt  }
0x44: {  	_ =	shalt  }
0x45: {  	_ =	shalt  }
0x46: {  	_ =	shalt  }
0x47: {  	_ =	shalt  }
0x48: {  	_ =	shalt  }
0x49: {  	_ =	shalt  }
0x4a: {  	_ =	shalt  }
0x4b: {  	_ =	shalt  }
0x4c: {  	_ =	shalt  }
0x4d: {  	_ =	shalt  }
0x4e: {  	_ =	shalt  }
0x4f: {  	_ =	shalt  }
0x50: {  	_ =	shalt  }
0x51: {  	_ =	shalt  }
0x52: {  	_ =	shalt  }
0x53: {  	_ =	shalt  }
0x54: {  	_ =	shalt  }
0x55: {  	_ =	shalt  }
0x56: {  	_ =	shalt  }
0x57: {  	_ =	shalt  }
0x58: {  	_ =	shalt  }
0x59: {  	_ =	shalt  }
0x5a: {  	_ =	shalt  }
0x5b: {  	_ =	shalt  }
0x5c: {  	_ =	shalt  }
0x5d: {  	_ =	shalt  }
0x5e: {  	_ =	shalt  }
0x5f: {  	_ =	shalt  }
0x60: {  	_ =	shalt  }
0x61: {  	_ =	shalt  }
0x62: {  	_ =	shalt  }
0x63: {  	_ =	shalt  }
0x64: {  	_ =	shalt  }
0x65: {  	_ =	shalt  }
0x66: {  	_ =	shalt  }
0x67: {  	_ =	shalt  }
0x68: {  	_ =	shalt  }
0x69: {  	_ =	shalt  }
0x6a: {  	_ =	shalt  }
0x6b: {  	_ =	shalt  }
0x6c: {  	_ =	shalt  }
0x6d: {  	_ =	shalt  }
0x6e: {  	_ =	shalt  }
0x6f: {  	_ =	shalt  }
0x70: {  	_ =	shalt  }
0x71: {  	_ =	shalt  }
0x72: {  	_ =	shalt  }
0x73: {  	_ =	shalt  }
0x74: {  	_ =	shalt  }
0x75: {  	_ =	shalt  }
0x76: {  	_ =	shalt  }
0x77: {  	_ =	shalt  }
0x78: {  	_ =	shalt  }
0x79: {  	_ =	shalt  }
0x7a: {  	_ =	shalt  }
0x7b: {  	_ =	shalt  }
0x7c: {  	_ =	shalt  }
0x7d: {  	_ =	shalt  }
0x7e: {  	_ =	shalt  }
0x7f: {  	_ =	shalt  }
0x80: {  	_ =	shalt  }
0x81: {  	_ =	shalt  }
0x82: {  	_ =	shalt  }
0x83: {  	_ =	shalt  }
0x84: {  	_ =	shalt  }
0x85: {  	_ =	shalt  }
0x86: {  	_ =	shalt  }
0x87: {  	_ =	shalt  }
.Lfunc_end0:
.L_simem_size_0:
called_computation.1_lowered:
.L_overlay_start_0:
0x88: {  	s2 =	sld [smem:$0x3FD9]  }
0x89: {  	s3 =	sld [smem:$0x3FFE];
	_ =	sdelay $0x1  }
0x8a: {  	s1 =	srdreg.scid  }
0x8b: {  	s0 =	sand.u32 $0x1, s1  }
0x8c: {  	s14 =	sshll.u32 s0, $0xA;
	s2 =	sadd.s32 s3, s2  }
0x8d: {  	s2 =	sadd.s32 s2, s14  }
0x8e: {  	[smem:$0x3FC2] =	sst s2  }
0x8f: {  	_ = 	snop  }
0x90: {  	s2 =	sld [smem:$0x3FD0];
	_ =	sdelay $0x2  }
0x91: {  	s15 =	simm.s32 $0xA;
	s4 =	simm.s32 $0x10  }
0x92: {  	[smem:s4], [sflag:s15] =	dma.local [hbm:s2], $0x1  }
0x93: {  	_ =	swait.eq [sflag:s15], $0x1  }
0x94: {  	[sflag:s15] =	ssyncset.done $0x0  }
0x95: {  	[sflag:s15] =	ssyncadd.s32 $0xFFFFFFFF  }
0x96: {  	s16 =	sld [smem:$0x10];
	(tm) =	ssettm $0x1  }
0x97: {  	s17 =	sld [smem:$0x3FFB];
	_ =	sdelay $0x3  }
0x98: {  	_ =	strace s17  }
0x99: {  	s3 =	sld [smem:$0x3FFC];
	_ =	sdelay $0x3  }
0x9a: {  	_ =	strace s3  }
0x9b: {  	s3 =	sld [smem:$0x3FFD];
	_ =	sdelay $0x3  }
0x9c: {  	_ =	strace s3  }
0x9d: {  	_ =	strace $0x8FFFFFFF  }
0x9e: {  	s18 =	sld [smem:$0x3FDB];
	_ =	sdelay $0x1  }
0x9f: {  	s19 =	simm.s32 $_scs_section_size  }
0xa0: {  	s5 =	simm.s32 $_size__tile_overlayer_lowered;
	s6 =	simm.s32 $_tile_overlayer_lowered  }
0xa1: {  	s22 =	simm.s32 $0x1BFF;
	s21 =	sshll.u32 s6, $0x1;
	s3 =	sadd.s32 s19, s18  }
0xa2: {  	s7 =	simm.s32 $0x0;
	s20 =	sshll.u32 s5, $0x1;
	s5 =	sadd.s32 s21, s3  }
0xa3: {  	[timem:s7], [sflag:s22] =	dma.local [hbm:s5], s20  }
0xa4: {  	_ =	swait.ge [sflag:s22], s20  }
0xa5: {  	s4 =	ssub.s32 $0x0, s20;
	[sflag:s22] =	ssyncset.done $0x0  }
0xa6: {  	[sflag:s22] =	ssyncadd.s32 s4;
	_ =	sdelay $0x1  }
0xa7: {  	s23 =	simm.s32 $0x1B8B  }
0xa8: {  	_ =	swait.ge [sflag:s23], $0x1  }
0xa9: {  	[sflag:s23] =	ssyncset.done $0x0  }
0xaa: {  	s25 =	simm.s32 $0x1B8E;
	s24 =	sld [smem:$0x3FFE];
	[sflag:s23] =	ssyncadd.s32 $0xFFFFFFFF  }
0xab: {  	s26 =	simm.s32 $execute0_lowered;
	[smem:$0x3FD2] =	sst s25  }
0xac: {  	s5 =	sshll.u32 s26, $0x1;
	_ =	strace $0x80000049;
	[dreg:$0x1] =	wrdreg $0xFFFFFFFF  }
0xad: {  	s28 =	simm.s32 $_size_execute0_lowered;
	s3 =	sadd.s32 s3, s5;
	[dreg:$0x0] =	wrdreg $0x0  }
0xae: {  	s5 =	sshll.u32 s28, $0x1;
	[dreg:$0x2] =	wrdreg s3  }
0xaf: {  	[dreg:$0x3] =	wrdreg s5  }
0xb0: {  	[dreg:$0x4] =	wrdreg $0xC0  }
0xb1: {  	_ =	task [dreg:s7], $0x5FFFF  }
0xb2: {  	[dreg:$0x1] =	wrdreg $0xFFFFFFFF  }
0xb3: {  	[dreg:$0x0] =	wrdreg $0x60  }
0xb4: {  	[dreg:$0x2] =	wrdreg s24  }
0xb5: {  	[dreg:$0x3] =	wrdreg s16  }
0xb6: {  	[dreg:$0x4] =	wrdreg $0x9  }
0xb7: {  	_ =	task.clear_ibuf [dreg:s7], $0x5FFFF;
	_ =	strace $0x90000049  }
0xb8: {  	s29 =	simm.s32 $0x9;
	_ =	strace $0x8000004B  }
0xb9: {  	_ =	swait.ge [sflag:s29], $0x1  }
0xba: {  	[sflag:s29] =	ssyncadd.s32 $0xFFFFFFFF  }
0xbb: {  	_ =	strace $0x9000004B  }
0xbc: {  	_ =	sfence  }
0xbd: {  	s30 =	sld [smem:$0x0];
	_ =	sdelay $0x2  }
0xbe: {  	s31 =	sshll.u32 s1, $0xD;
	s1 =	sshrl.u32 s1, $0x2  }
0xbf: {  	s3 =	sand.u32 $0x4000, s31;
	s1 =	sadd.s32 s1, s30  }
0xc0: {  	s0 =	sor.u32 s3, s0;
	s1 =	sshll.u32 s1, $0x11  }
0xc1: {  	s0 =	sor.u32 s1, s0  }
0xc2: {  	s0 =	sadd.s32 $0x8F2B, s0  }
0xc3: {  	[sflag:s0] =	ssyncadd.remote.s32 $0x1  }
0xc4: {  	_ =	sfence.sel $0xFFFF  }
0xc5: {  	[dreg:$0x0] =	wrdreg $0xFFFFFFFF;
	(pc) =	sbr.abs _section_cstart, $3  }
0xc6: {  	[dreg:$0x1] =	wrdreg $0xFFFFFFFF  }
0xc7: {  	_ =	task.clear_ibuf [dreg:s7], $0x2FFFF;
	_ =	strace $0x9FFFFFFF  }
0xc8: {  	(tm) =	ssettm $0x7FFFFFFF  }
0xc9: {  	_ =	shalt  }
tec
execute0_lowered:
.L_overlay_start_1:
0x0: {  	(tag) =	ssettag $0x1  }
0x1: {  	s0 =	rddreg [dreg:$0x0]  }
0x2: {  	s2 =	rddreg [dreg:$0x1]  }
0x3: {  	s1 =	simm.s32 $0x0;
	s3 =	srdreg.scid;
	s6 =	stileid.u32  }
0x4: {  	s29 =	simm.s32 $0x2;
	s28 =	simm.s32 $0xC900;
	s30 =	simm.s32 $0xD100  }
0x5: {  	[smem:$0x7FF] =	sst s1;
	s4 =	sadd.s32 $0x10200, s0;
	s3 =	sand.u32 $0x1, s3  }
0x6: {  	s5 =	sadd.s32 $0x10000, s0;
	s6 =	sshll.u32 s6, $0x8;
	s7 =	sshll.u32 s3, $0x7  }
0x7: {  	s8 =	sadd.s32 $0x150400, s0;
	s3 =	ssub.s32 $0x2, s3;
	s6 =	sor.u32 s7, s6  }
0x8: {  	s7 =	sadd.s32 $0x160400, s0;
	s9 =	sshrl.u32 s3, $0x1;
	s10 =	sshrl.u32 s6, $0x3  }
0x9: {  	s3 =	ssub.s32 s3, s9;
	s9 =	sor.u32 $0x20, s6;
	s15 =	sadd.s32 s4, s10  }
0xa: {  	s16 =	sshll.u32 s6, $0x4;
	s10 =	sadd.s32 s5, s10;
	[dreg:$0x3] =	wrdreg s15  }
0xb: {  	s20 =	sor.u32 $0x40, s6;
	s12 =	sadd.s32 s8, s16;
	[dreg:$0x4] =	wrdreg s10  }
0xc: {  	s11 =	sshrl.u32 s9, $0x3;
	[dreg:$0x5] =	wrdreg s12;
	s10 =	sadd.s32 s7, s16  }
0xd: {  	s13 =	sor.u32 $0x60, s6;
	s17 =	sadd.s32 s4, s11;
	[dreg:$0x6] =	wrdreg s10  }
0xe: {  	s19 =	sshll.u32 s9, $0x4;
	s18 =	sadd.s32 s5, s11;
	[dreg:$0x7] =	wrdreg s17  }
0xf: {  	s22 =	sshrl.u32 s20, $0x3;
	s21 =	sadd.s32 s8, s19;
	[dreg:$0x8] =	wrdreg s18  }
0x10: {  	s24 =	sshll.u32 s20, $0x4;
	s23 =	sadd.s32 s4, s22;
	[dreg:$0x9] =	wrdreg s21  }
0x11: {  	s26 =	sshrl.u32 s13, $0x3;
	s25 =	sadd.s32 s8, s24;
	[dreg:$0xb] =	wrdreg s23  }
0x12: {  	s31 =	simm.s32 $0xD900;
	s4 =	sadd.s32 s4, s26;
	[dreg:$0xd] =	wrdreg s25  }
0x13: {  	s14 =	sshll.u32 s13, $0x4;
	s15 =	sadd.s32 s7, s24;
	[dreg:$0xe] =	wrdreg s4  }
0x14: {  	s16 =	sadd.s32 s8, s14;
	s24 =	sadd.s32 $0x10500, s0;
	[dreg:$0x10] =	wrdreg s15  }
0x15: {  	s8 =	simm.s32 $0x1;
	s10 =	sadd.s32 s7, s19;
	[dreg:$0x11] =	wrdreg s16  }
0x16: {  	s4 =	sadd.s32 s7, s14;
	s17 =	sshll.u32 s6, $0x7;
	s18 =	sshll.u32 s9, $0x7  }
0x17: {  	s19 =	sshll.u32 s20, $0x7;
	s21 =	sshll.u32 s13, $0x7;
	s23 =	sadd.s32 $0x10400, s0  }
0x18: {  	s25 =	sadd.s32 $0x10600, s0;
	s13 =	simm.s32 $0xE100;
	s6 =	simm.s32 $0x11100  }
0x19: {  	s7 =	simm.s32 $0x11900;
	s9 =	simm.s32 $0x12100;
	[dreg:$0xa] =	wrdreg s10  }
0x1a: {  	s10 =	sadd.s32 s5, s22;
	[dreg:$0x12] =	wrdreg s4;
	s4 =	sadd.s32 s2, s17  }
0x1b: {  	s20 =	sadd.s32 s2, s19;
	[dreg:$0xc] =	wrdreg s10;
	s10 =	sadd.s32 s5, s26  }
0x1c: {  	s22 =	smax.u32 s3, $0x1;
	s3 =	simm.s32 $0xF900;
	[dreg:$0xf] =	wrdreg s10  }
0x1d: {  	s26 =	sadd.s32 $0x10700, s0;
	_ =	strace $0x8000004A;
	[dreg:$0x13] =	wrdreg s4  }
0x1e: {  	s0 =	simm.s32 $0xE900;
	s5 =	simm.s32 $0x10900;
	[dreg:$0x15] =	wrdreg s20  }
0x1f: {  	v2 =	vlaneseq.u32;
	s10 =	simm.s32 $0x0;
	s4 =	sadd.s32 s2, s18;
	[dreg:$0x17] =	wrdreg s22  }
0x20: {  	vm0 =	vmmov $0xffff;
	v1 =	vshrl.u32 v2, $0x3;
	s2 =	sadd.s32 s2, s21;
	s22 =	simm.s32 $0xC100;
	[dreg:$0x14] =	wrdreg s4  }
0x21: {  	v0 =	vand.u32 $0x7, v2;
	v2 =	vor.u32 $0x8, v2;
	v1 =	vmul.u32 $0x8, v1;
	[dreg:$0x16] =	wrdreg s2;
	s2 =	simm.s32 $0xF100;
	s4 =	simm.s32 $0x10100  }
.LBB2_1:
0x22: {  	s11 =	rddreg [dreg:$0x3]  }
0x23: {  	[tilespmem:s1], [sflag:$0x2] =	stream.linear.gather [hbm4b:s11+s1], $0x20, $0x38;
	[tilespmem:$0x1A100] =	vst v63  }
0x24: {  	_ =	swait.ge [sflag:s29], $0x20  }
0x25: {  	[sflag:s29] =	ssyncset.done $0x0  }
0x26: {  	s12 =	simm.s32 $0x80;
	s15 =	rddreg [dreg:$0x4];
	[sflag:s29] =	ssyncadd.s32 $0xFFFFFFE0  }
0x27: {  	[tilespmem:s12], [sflag:$0x2] =	stream.linear.gather [hbm4b:s15+s1], $0x20, $0x38;
	[tilespmem:$0x1A100] =	vst v63  }
0x28: {  	_ =	swait.ge [sflag:s29], $0x20  }
0x29: {  	[sflag:s29] =	ssyncset.done $0x0  }
0x2a: {  	s17 =	simm.s32 $0x100;
	s16 =	rddreg [dreg:$0x5];
	[sflag:s29] =	ssyncadd.s32 $0xFFFFFFE0  }
0x2b: {  	[tilespmem:s17], [sflag:$0x2] =	stream.linear.gather [hbm4b:s16+s1], $0x1000, $0x38;
	[tilespmem:$0x1A100] =	vst v63  }
0x2c: {  	_ =	swait.ge [sflag:s29], $0x1000  }
0x2d: {  	[sflag:s29] =	ssyncset.done $0x0  }
0x2e: {  	s19 =	simm.s32 $0x1100;
	s18 =	rddreg [dreg:$0x6];
	[sflag:s29] =	ssyncadd.s32 $0xFFFFF000  }
0x2f: {  	[tilespmem:s19], [sflag:$0x2] =	stream.linear.gather [hbm4b:s18+s1], $0x1000, $0x38;
	[tilespmem:$0x1A100] =	vst v63  }
0x30: {  	_ =	swait.ge [sflag:s29], $0x1000  }
0x31: {  	[sflag:s29] =	ssyncset.done $0x0  }
0x32: {  	[sflag:s29] =	ssyncadd.s32 $0xFFFFF000  }
0x33: {  	v3 =	vld [tilespmem:$0x0];
	_ =	sdelay $0x4  }
0x34: {  	v4 =	vshll.u32 v3, $0x3  }
0x35: {  	v3 =	vand.u32 $0x7, v3;
	v4 =	vand.u32 $0xFFFFFFC0, v4  }
0x36: {  	v3 =	vor.u32 v3, v4  }
0x37: {  	v4 =	vperm.xlane v3, v0;
	_ =	sdelay $0x1  }
0x38: {  	v4 =	vadd.s32 v1, v4;
	_ =	sdelay $0x3  }
0x39: {  	s20 =	simm.s32 $0x2100  }
0x3a: {  	[tilespmem:s20], [sflag:$0x1] =	stream.indirect_vreg.gather [hbm4b:s23+s1], $0x80, v4, vm0, $0xb8;
	[tilespmem:$0x1A100] =	vst v63  }
0x3b: {  	s21 =	simm.s32 $0x2900;
	v3 =	vperm.xlane v3, v2  }
0x3c: {  	[tilespmem:s21], [sflag:$0x1] =	stream.indirect_vreg.gather [hbm4b:s24+s1], $0x80, v4, vm0, $0xb8;
	[tilespmem:$0x1A100] =	vst v63  }
0x3d: {  	s12 =	simm.s32 $0x3100;
	v3 =	vadd.s32 v1, v3  }
0x3e: {  	[tilespmem:s12], [sflag:$0x1] =	stream.indirect_vreg.gather [hbm4b:s25+s1], $0x80, v4, vm0, $0xb8;
	[tilespmem:$0x1A100] =	vst v63  }
0x3f: {  	s14 =	simm.s32 $0x3900  }
0x40: {  	[tilespmem:s14], [sflag:$0x1] =	stream.indirect_vreg.gather [hbm4b:s26+s1], $0x80, v4, vm0, $0xb8;
	[tilespmem:$0x1A100] =	vst v63  }
0x41: {  	s15 =	simm.s32 $0x4100  }
0x42: {  	[tilespmem:s15], [sflag:$0x1] =	stream.indirect_vreg.gather [hbm4b:s23+s1], $0x80, v3, vm0, $0xb8;
	[tilespmem:$0x1A100] =	vst v63  }
0x43: {  	s16 =	simm.s32 $0x4900  }
0x44: {  	[tilespmem:s16], [sflag:$0x1] =	stream.indirect_vreg.gather [hbm4b:s24+s1], $0x80, v3, vm0, $0xb8;
	[tilespmem:$0x1A100] =	vst v63  }
0x45: {  	s17 =	simm.s32 $0x5100  }
0x46: {  	[tilespmem:s17], [sflag:$0x1] =	stream.indirect_vreg.gather [hbm4b:s25+s1], $0x80, v3, vm0, $0xb8;
	[tilespmem:$0x1A100] =	vst v63  }
0x47: {  	s18 =	simm.s32 $0x5900  }
0x48: {  	[tilespmem:s18], [sflag:$0x1] =	stream.indirect_vreg.gather [hbm4b:s26+s1], $0x80, v3, vm0, $0xb8;
	[tilespmem:$0x1A100] =	vst v63  }
0x49: {  	v3 =	vld [tilespmem:$0x10];
	_ =	sdelay $0x4  }
0x4a: {  	v61 =	vshll.u32 v3, $0x3  }
0x4b: {  	v3 =	vand.u32 $0x7, v3;
	v4 =	vand.u32 $0xFFFFFFC0, v61  }
0x4c: {  	v3 =	vor.u32 v3, v4  }
0x4d: {  	v4 =	vperm.xlane v3, v0;
	_ =	sdelay $0x1  }
0x4e: {  	v4 =	vadd.s32 v1, v4;
	_ =	sdelay $0x3  }
0x4f: {  	s19 =	simm.s32 $0x6100  }
0x50: {  	[tilespmem:s19], [sflag:$0x1] =	stream.indirect_vreg.gather [hbm4b:s23+s1], $0x80, v4, vm0, $0xb8;
	[tilespmem:$0x1A100] =	vst v63  }
0x51: {  	s20 =	simm.s32 $0x6900;
	v3 =	vperm.xlane v3, v2  }
0x52: {  	[tilespmem:s20], [sflag:$0x1] =	stream.indirect_vreg.gather [hbm4b:s24+s1], $0x80, v4, vm0, $0xb8;
	[tilespmem:$0x1A100] =	vst v63  }
0x53: {  	s21 =	simm.s32 $0x7100;
	v3 =	vadd.s32 v1, v3  }
0x54: {  	[tilespmem:s21], [sflag:$0x1] =	stream.indirect_vreg.gather [hbm4b:s25+s1], $0x80, v4, vm0, $0xb8;
	[tilespmem:$0x1A100] =	vst v63  }
0x55: {  	s12 =	simm.s32 $0x7900  }
0x56: {  	[tilespmem:s12], [sflag:$0x1] =	stream.indirect_vreg.gather [hbm4b:s26+s1], $0x80, v4, vm0, $0xb8;
	[tilespmem:$0x1A100] =	vst v63  }
0x57: {  	s14 =	simm.s32 $0x8100  }
0x58: {  	[tilespmem:s14], [sflag:$0x1] =	stream.indirect_vreg.gather [hbm4b:s23+s1], $0x80, v3, vm0, $0xb8;
	[tilespmem:$0x1A100] =	vst v63  }
0x59: {  	s15 =	simm.s32 $0x8900  }
0x5a: {  	[tilespmem:s15], [sflag:$0x1] =	stream.indirect_vreg.gather [hbm4b:s24+s1], $0x80, v3, vm0, $0xb8;
	[tilespmem:$0x1A100] =	vst v63  }
0x5b: {  	s16 =	simm.s32 $0x9100  }
0x5c: {  	[tilespmem:s16], [sflag:$0x1] =	stream.indirect_vreg.gather [hbm4b:s25+s1], $0x80, v3, vm0, $0xb8;
	[tilespmem:$0x1A100] =	vst v63  }
0x5d: {  	s17 =	simm.s32 $0x9900  }
0x5e: {  	[tilespmem:s17], [sflag:$0x1] =	stream.indirect_vreg.gather [hbm4b:s26+s1], $0x80, v3, vm0, $0xb8;
	[tilespmem:$0x1A100] =	vst v63  }
0x5f: {  	v3 =	vld [tilespmem:$0x80];
	_ =	sdelay $0x4  }
0x60: {  	v62 =	vshll.u32 v3, $0x3  }
0x61: {  	v3 =	vand.u32 $0x7, v3;
	v4 =	vand.u32 $0xFFFFFFC0, v62  }
0x62: {  	v3 =	vor.u32 v3, v4  }
0x63: {  	v4 =	vperm.xlane v3, v0;
	_ =	sdelay $0x1  }
0x64: {  	v4 =	vadd.s32 v1, v4;
	_ =	sdelay $0x3  }
0x65: {  	s18 =	simm.s32 $0xA100  }
0x66: {  	[tilespmem:s18], [sflag:$0x1] =	stream.indirect_vreg.gather [hbm4b:s23+s1], $0x80, v4, vm0, $0xb8;
	[tilespmem:$0x1A100] =	vst v63  }
0x67: {  	s19 =	simm.s32 $0xA900;
	v3 =	vperm.xlane v3, v2  }
0x68: {  	[tilespmem:s19], [sflag:$0x1] =	stream.indirect_vreg.gather [hbm4b:s24+s1], $0x80, v4, vm0, $0xb8;
	[tilespmem:$0x1A100] =	vst v63  }
0x69: {  	s20 =	simm.s32 $0xB100;
	v3 =	vadd.s32 v1, v3  }
0x6a: {  	[tilespmem:s20], [sflag:$0x1] =	stream.indirect_vreg.gather [hbm4b:s25+s1], $0x80, v4, vm0, $0xb8;
	[tilespmem:$0x1A100] =	vst v63  }
0x6b: {  	s21 =	simm.s32 $0xB900  }
0x6c: {  	[tilespmem:s21], [sflag:$0x1] =	stream.indirect_vreg.gather [hbm4b:s26+s1], $0x80, v4, vm0, $0xb8;
	[tilespmem:$0x1A100] =	vst v63  }
0x6d: {  	_ = 	snop  }
0x6e: {  	[tilespmem:s22], [sflag:$0x1] =	stream.indirect_vreg.gather [hbm4b:s23+s1], $0x80, v3, vm0, $0xb8;
	[tilespmem:$0x1A100] =	vst v63  }
0x6f: {  	_ = 	snop  }
0x70: {  	[tilespmem:s28], [sflag:$0x1] =	stream.indirect_vreg.gather [hbm4b:s24+s1], $0x80, v3, vm0, $0xb8;
	[tilespmem:$0x1A100] =	vst v63  }
0x71: {  	_ = 	snop  }
0x72: {  	[tilespmem:s30], [sflag:$0x1] =	stream.indirect_vreg.gather [hbm4b:s25+s1], $0x80, v3, vm0, $0xb8;
	[tilespmem:$0x1A100] =	vst v63  }
0x73: {  	_ = 	snop  }
0x74: {  	[tilespmem:s31], [sflag:$0x1] =	stream.indirect_vreg.gather [hbm4b:s26+s1], $0x80, v3, vm0, $0xb8;
	[tilespmem:$0x1A100] =	vst v63  }
0x75: {  	v3 =	vld [tilespmem:$0x90];
	_ =	sdelay $0x4  }
0x76: {  	v63 =	vshll.u32 v3, $0x3  }
0x77: {  	v3 =	vand.u32 $0x7, v3;
	v4 =	vand.u32 $0xFFFFFFC0, v63  }
0x78: {  	v3 =	vor.u32 v3, v4  }
0x79: {  	v4 =	vperm.xlane v3, v0;
	_ =	sdelay $0x1  }
0x7a: {  	v4 =	vadd.s32 v1, v4;
	_ =	sdelay $0x4  }
0x7b: {  	[tilespmem:s13], [sflag:$0x1] =	stream.indirect_vreg.gather [hbm4b:s23+s1], $0x80, v4, vm0, $0xb8;
	[tilespmem:$0x1A100] =	vst v63  }
0x7c: {  	v3 =	vperm.xlane v3, v2  }
0x7d: {  	[tilespmem:s0], [sflag:$0x1] =	stream.indirect_vreg.gather [hbm4b:s24+s1], $0x80, v4, vm0, $0xb8;
	[tilespmem:$0x1A100] =	vst v63  }
0x7e: {  	v3 =	vadd.s32 v1, v3  }
0x7f: {  	[tilespmem:s2], [sflag:$0x1] =	stream.indirect_vreg.gather [hbm4b:s25+s1], $0x80, v4, vm0, $0xb8;
	[tilespmem:$0x1A100] =	vst v63  }
0x80: {  	_ = 	snop  }
0x81: {  	[tilespmem:s3], [sflag:$0x1] =	stream.indirect_vreg.gather [hbm4b:s26+s1], $0x80, v4, vm0, $0xb8;
	[tilespmem:$0x1A100] =	vst v63  }
0x82: {  	_ = 	snop  }
0x83: {  	[tilespmem:s4], [sflag:$0x1] =	stream.indirect_vreg.gather [hbm4b:s23+s1], $0x80, v3, vm0, $0xb8;
	[tilespmem:$0x1A100] =	vst v63  }
0x84: {  	_ = 	snop  }
0x85: {  	[tilespmem:s5], [sflag:$0x1] =	stream.indirect_vreg.gather [hbm4b:s24+s1], $0x80, v3, vm0, $0xb8;
	[tilespmem:$0x1A100] =	vst v63  }
0x86: {  	_ = 	snop  }
0x87: {  	[tilespmem:s6], [sflag:$0x1] =	stream.indirect_vreg.gather [hbm4b:s25+s1], $0x80, v3, vm0, $0xb8;
	[tilespmem:$0x1A100] =	vst v63  }
0x88: {  	_ = 	snop  }
0x89: {  	[tilespmem:s7], [sflag:$0x1] =	stream.indirect_vreg.gather [hbm4b:s26+s1], $0x80, v3, vm0, $0xb8;
	[tilespmem:$0x1A100] =	vst v63  }
0x8a: {  	_ =	swait.ge [sflag:s8], $0x8000  }
0x8b: {  	[sflag:s8] =	ssyncset.done $0x0  }
0x8c: {  	[sflag:s8] =	ssyncadd.s32 $0xFFFF8000  }
0x8d: {  	_ =	swait.ge [sflag:s8], $0x8000  }
0x8e: {  	[sflag:s8] =	ssyncset.done $0x0  }
0x8f: {  	s11 =	simm.s32 $0x0;
	[sflag:s8] =	ssyncadd.s32 $0xFFFF8000  }
.LBB2_2:
0x90: {  	s12 =	sshll.u32 s11, $0x7;
	s14 =	sshll.u32 s11, $0xA  }
0x91: {  	s16 =	simm.s32 $0x0;
	s14 =	sand.u32 $0x6000, s14;
	s15 =	sand.u32 $0x380, s12  }
0x92: {  	s20 =	sand.u32 $0x40, s16;
	s15 =	sor.u32 s14, s15  }
0x93: {  	v3 =	vld [tilespmem:s12+$0x100];
	s16 =	sand.u32 $0x1C00, s16;
	s14 =	sor.u32 s20, s15  }
0x94: {  	v4 =	vld [tilespmem:s12+$0x1100];
	s12 =	sor.u32 s16, s14  }
0x95: {  	v5 =	vld [tilespmem:s12+$0x2130]  }
0x96: {  	v6 =	vld [tilespmem:s12+$0xA130]  }
0x97: {  	v7 =	vld [tilespmem:s12+$0x2100]  }
0x98: {  	v9 =	vld [tilespmem:s12+$0xA100]  }
0x99: {  	s21 =	simm.s32 $0x40;
	v10 =	vld [tilespmem:s12+$0x2110]  }
0x9a: {  	s14 =	sand.u32 $0x40, s21;
	s16 =	simm.s32 $0x200;
	v11 =	vld [tilespmem:s12+$0xA110]  }
0x9b: {  	s17 =	sand.u32 $0x1C00, s16;
	s14 =	sor.u32 s14, s15;
	v12 =	vld [tilespmem:s12+$0x2120];
	v8 =	vmul.f32 v5, v3;
	v6 =	vmul.f32 v6, v4  }
0x9c: {  	v13 =	vld [tilespmem:s12+$0xA120];
	s14 =	sor.u32 s17, s14  }
0x9d: {  	v5 =	vld [tilespmem:s14+$0x2130];
	v7 =	vmul.f32 v7, v3;
	v9 =	vmul.f32 v9, v4;
	v14 =	vadd.f32 v6, v8  }
0x9e: {  	v8 =	vld [tilespmem:s14+$0xA130]  }
0x9f: {  	v11 =	vmul.f32 v11, v4;
	v6 =	vld [tilespmem:s14+$0x2100];
	v15 =	vadd.f32 v9, v7;
	[tilespmem:s12+$0x12130] =	vst v14;
	v14 =	vmul.f32 v10, v3  }
0xa0: {  	v9 =	vld [tilespmem:s14+$0xA100]  }
0xa1: {  	s18 =	simm.s32 $0x80;
	s17 =	simm.s32 $0x4;
	v10 =	vmul.f32 v12, v3;
	v7 =	vld [tilespmem:s14+$0x2110];
	[tilespmem:s12+$0x12100] =	vst v15;
	v12 =	vadd.f32 v11, v14;
	v11 =	vmul.f32 v13, v4  }
.LBB2_3:
0xa2: {  	s19 =	sand.u32 $0x40, s18;
	v13 =	vld [tilespmem:s14+$0xA110];
	s16 =	sadd.s32 $0x200, s16  }
0xa3: {  	s17 =	sadd.s32 $0x4, s17;
	v15 =	vmul.f32 v5, v3;
	s20 =	sand.u32 $0x1C00, s16;
	s19 =	sor.u32 s19, s15;
	v14 =	vld [tilespmem:s14+$0x2120];
	v8 =	vmul.f32 v8, v4;
	[tilespmem:s12+$0x12110] =	vst v12;
	v10 =	vadd.f32 v11, v10  }
0xa4: {  	p0 =	slt.u32 s17, $0x3C;
	s19 =	sor.u32 s20, s19;
	v11 =	vmul.f32 v6, v3;
	v16 =	vld [tilespmem:s14+$0xA120]  }
.Ltmp0:
0xa5: {  	v5 =	vld [tilespmem:s19+$0x2130];
	v9 =	vmul.f32 v9, v4;
	v12 =	vadd.f32 v8, v15;
	[tilespmem:s12+$0x12120] =	vst v10;
	s12 =	smov.u32 s14;
	s14 =	smov.u32 s19;
	(pc) =	sbr.rel @p0 .LBB2_3-.Ltmp0, $4  }
0xa6: {  	v8 =	vld [tilespmem:s14+$0xA130];
	v15 =	vmul.f32 v7, v3  }
0xa7: {  	v6 =	vld [tilespmem:s14+$0x2100];
	v11 =	vadd.f32 v9, v11;
	v13 =	vmul.f32 v13, v4;
	[tilespmem:s12+$0x12130] =	vst v12  }
0xa8: {  	v9 =	vld [tilespmem:s14+$0xA100];
	v10 =	vmul.f32 v14, v3  }
0xa9: {  	s18 =	sadd.s32 $0x40, s18;
	v7 =	vld [tilespmem:s14+$0x2110];
	[tilespmem:s12+$0x12100] =	vst v11;
	v12 =	vadd.f32 v13, v15;
	v11 =	vmul.f32 v16, v4  }
0xaa: {  	v13 =	vld [tilespmem:s14+$0xA110]  }
0xab: {  	v14 =	vld [tilespmem:s14+$0x2120];
	[tilespmem:s12+$0x12110] =	vst v12  }
0xac: {  	v12 =	vld [tilespmem:s14+$0xA120];
	_ =	sdelay $0x1  }
0xad: {  	v5 =	vmul.f32 v5, v3;
	v8 =	vmul.f32 v8, v4  }
0xae: {  	s11 =	sadd.s32 $0x1, s11;
	v10 =	vadd.f32 v11, v10;
	v6 =	vmul.f32 v6, v3;
	v9 =	vmul.f32 v9, v4  }
0xaf: {  	p0 =	sne.s32 s11, $0x20;
	v5 =	vadd.f32 v8, v5;
	v7 =	vmul.f32 v7, v3;
	v61 =	vmul.f32 v13, v4  }
.Ltmp1:
0xb0: {  	[tilespmem:s12+$0x12120] =	vst v10;
	v6 =	vadd.f32 v9, v6;
	v3 =	vmul.f32 v14, v3;
	v62 =	vmul.f32 v12, v4;
	(pc) =	sbr.rel @p0 .LBB2_2-.Ltmp1, $4  }
0xb1: {  	[tilespmem:s14+$0x12130] =	vst v5;
	v63 =	vadd.f32 v61, v7  }
0xb2: {  	[tilespmem:s14+$0x12100] =	vst v6;
	v3 =	vadd.f32 v62, v3  }
0xb3: {  	[tilespmem:s14+$0x12110] =	vst v63  }
0xb4: {  	[tilespmem:s14+$0x12120] =	vst v3  }
0xb5: {  	s11 =	simm.s32 $0x0;
	s12 =	rddreg [dreg:$0x13]  }
0xb6: {  	[hbm4b:s12+s11] =	stream.linear.scatter [tilespmem:s9], [sflag:$0x2], $0x8000, $0x38;
	[tilespmem:$0x1A100] =	vst v63  }
0xb7: {  	_ =	swait.ge [sflag:s29], $0x8000  }
0xb8: {  	[sflag:s29] =	ssyncset.done $0x0  }
0xb9: {  	s20 =	rddreg [dreg:$0x7];
	[sflag:s29] =	ssyncadd.s32 $0xFFFF8000  }
0xba: {  	[tilespmem:s11], [sflag:$0x2] =	stream.linear.gather [hbm4b:s20+s11], $0x20, $0x38;
	[tilespmem:$0x1A100] =	vst v63  }
0xbb: {  	_ =	swait.ge [sflag:s29], $0x20  }
0xbc: {  	[sflag:s29] =	ssyncset.done $0x0  }
0xbd: {  	s14 =	simm.s32 $0x80;
	s21 =	rddreg [dreg:$0x8];
	[sflag:s29] =	ssyncadd.s32 $0xFFFFFFE0  }
0xbe: {  	[tilespmem:s14], [sflag:$0x2] =	stream.linear.gather [hbm4b:s21+s11], $0x20, $0x38;
	[tilespmem:$0x1A100] =	vst v63  }
0xbf: {  	_ =	swait.ge [sflag:s29], $0x20  }
0xc0: {  	[sflag:s29] =	ssyncset.done $0x0  }
0xc1: {  	s15 =	simm.s32 $0x100;
	s14 =	rddreg [dreg:$0x9];
	[sflag:s29] =	ssyncadd.s32 $0xFFFFFFE0  }
0xc2: {  	[tilespmem:s15], [sflag:$0x2] =	stream.linear.gather [hbm4b:s14+s11], $0x1000, $0x38;
	[tilespmem:$0x1A100] =	vst v63  }
0xc3: {  	_ =	swait.ge [sflag:s29], $0x1000  }
0xc4: {  	[sflag:s29] =	ssyncset.done $0x0  }
0xc5: {  	s17 =	simm.s32 $0x1100;
	s16 =	rddreg [dreg:$0xa];
	[sflag:s29] =	ssyncadd.s32 $0xFFFFF000  }
0xc6: {  	[tilespmem:s17], [sflag:$0x2] =	stream.linear.gather [hbm4b:s16+s11], $0x1000, $0x38;
	[tilespmem:$0x1A100] =	vst v63  }
0xc7: {  	_ =	swait.ge [sflag:s29], $0x1000  }
0xc8: {  	[sflag:s29] =	ssyncset.done $0x0  }
0xc9: {  	[sflag:s29] =	ssyncadd.s32 $0xFFFFF000  }
0xca: {  	v3 =	vld [tilespmem:$0x0];
	_ =	sdelay $0x4  }
0xcb: {  	v4 =	vshll.u32 v3, $0x3  }
0xcc: {  	v3 =	vand.u32 $0x7, v3;
	v4 =	vand.u32 $0xFFFFFFC0, v4  }
0xcd: {  	v3 =	vor.u32 v3, v4  }
0xce: {  	v4 =	vperm.xlane v3, v0;
	_ =	sdelay $0x1  }
0xcf: {  	v4 =	vadd.s32 v1, v4;
	_ =	sdelay $0x3  }
0xd0: {  	s18 =	simm.s32 $0x2100  }
0xd1: {  	[tilespmem:s18], [sflag:$0x1] =	stream.indirect_vreg.gather [hbm4b:s23+s11], $0x80, v4, vm0, $0xb8;
	[tilespmem:$0x1A100] =	vst v63  }
0xd2: {  	s19 =	simm.s32 $0x2900;
	v3 =	vperm.xlane v3, v2  }
0xd3: {  	[tilespmem:s19], [sflag:$0x1] =	stream.indirect_vreg.gather [hbm4b:s24+s11], $0x80, v4, vm0, $0xb8;
	[tilespmem:$0x1A100] =	vst v63  }
0xd4: {  	s20 =	simm.s32 $0x3100;
	v3 =	vadd.s32 v1, v3  }
0xd5: {  	[tilespmem:s20], [sflag:$0x1] =	stream.indirect_vreg.gather [hbm4b:s25+s11], $0x80, v4, vm0, $0xb8;
	[tilespmem:$0x1A100] =	vst v63  }
0xd6: {  	s21 =	simm.s32 $0x3900  }
0xd7: {  	[tilespmem:s21], [sflag:$0x1] =	stream.indirect_vreg.gather [hbm4b:s26+s11], $0x80, v4, vm0, $0xb8;
	[tilespmem:$0x1A100] =	vst v63  }
0xd8: {  	s14 =	simm.s32 $0x4100  }
0xd9: {  	[tilespmem:s14], [sflag:$0x1] =	stream.indirect_vreg.gather [hbm4b:s23+s11], $0x80, v3, vm0, $0xb8;
	[tilespmem:$0x1A100] =	vst v63  }
0xda: {  	s15 =	simm.s32 $0x4900  }
0xdb: {  	[tilespmem:s15], [sflag:$0x1] =	stream.indirect_vreg.gather [hbm4b:s24+s11], $0x80, v3, vm0, $0xb8;
	[tilespmem:$0x1A100] =	vst v63  }
0xdc: {  	s16 =	simm.s32 $0x5100  }
0xdd: {  	[tilespmem:s16], [sflag:$0x1] =	stream.indirect_vreg.gather [hbm4b:s25+s11], $0x80, v3, vm0, $0xb8;
	[tilespmem:$0x1A100] =	vst v63  }
0xde: {  	s17 =	simm.s32 $0x5900  }
0xdf: {  	[tilespmem:s17], [sflag:$0x1] =	stream.indirect_vreg.gather [hbm4b:s26+s11], $0x80, v3, vm0, $0xb8;
	[tilespmem:$0x1A100] =	vst v63  }
0xe0: {  	v3 =	vld [tilespmem:$0x10];
	_ =	sdelay $0x4  }
0xe1: {  	v61 =	vshll.u32 v3, $0x3  }
0xe2: {  	v3 =	vand.u32 $0x7, v3;
	v4 =	vand.u32 $0xFFFFFFC0, v61  }
0xe3: {  	v3 =	vor.u32 v3, v4  }
0xe4: {  	v4 =	vperm.xlane v3, v0;
	_ =	sdelay $0x1  }
0xe5: {  	v4 =	vadd.s32 v1, v4;
	_ =	sdelay $0x3  }
0xe6: {  	s18 =	simm.s32 $0x6100  }
0xe7: {  	[tilespmem:s18], [sflag:$0x1] =	stream.indirect_vreg.gather [hbm4b:s23+s11], $0x80, v4, vm0, $0xb8;
	[tilespmem:$0x1A100] =	vst v63  }
0xe8: {  	s19 =	simm.s32 $0x6900;
	v3 =	vperm.xlane v3, v2  }
0xe9: {  	[tilespmem:s19], [sflag:$0x1] =	stream.indirect_vreg.gather [hbm4b:s24+s11], $0x80, v4, vm0, $0xb8;
	[tilespmem:$0x1A100] =	vst v63  }
0xea: {  	s20 =	simm.s32 $0x7100;
	v3 =	vadd.s32 v1, v3  }
0xeb: {  	[tilespmem:s20], [sflag:$0x1] =	stream.indirect_vreg.gather [hbm4b:s25+s11], $0x80, v4, vm0, $0xb8;
	[tilespmem:$0x1A100] =	vst v63  }
0xec: {  	s21 =	simm.s32 $0x7900  }
0xed: {  	[tilespmem:s21], [sflag:$0x1] =	stream.indirect_vreg.gather [hbm4b:s26+s11], $0x80, v4, vm0, $0xb8;
	[tilespmem:$0x1A100] =	vst v63  }
0xee: {  	s14 =	simm.s32 $0x8100  }
0xef: {  	[tilespmem:s14], [sflag:$0x1] =	stream.indirect_vreg.gather [hbm4b:s23+s11], $0x80, v3, vm0, $0xb8;
	[tilespmem:$0x1A100] =	vst v63  }
0xf0: {  	s15 =	simm.s32 $0x8900  }
0xf1: {  	[tilespmem:s15], [sflag:$0x1] =	stream.indirect_vreg.gather [hbm4b:s24+s11], $0x80, v3, vm0, $0xb8;
	[tilespmem:$0x1A100] =	vst v63  }
0xf2: {  	s16 =	simm.s32 $0x9100  }
0xf3: {  	[tilespmem:s16], [sflag:$0x1] =	stream.indirect_vreg.gather [hbm4b:s25+s11], $0x80, v3, vm0, $0xb8;
	[tilespmem:$0x1A100] =	vst v63  }
0xf4: {  	s17 =	simm.s32 $0x9900  }
0xf5: {  	[tilespmem:s17], [sflag:$0x1] =	stream.indirect_vreg.gather [hbm4b:s26+s11], $0x80, v3, vm0, $0xb8;
	[tilespmem:$0x1A100] =	vst v63  }
0xf6: {  	v3 =	vld [tilespmem:$0x80];
	_ =	sdelay $0x4  }
0xf7: {  	v62 =	vshll.u32 v3, $0x3  }
0xf8: {  	v3 =	vand.u32 $0x7, v3;
	v4 =	vand.u32 $0xFFFFFFC0, v62  }
0xf9: {  	v3 =	vor.u32 v3, v4  }
0xfa: {  	v4 =	vperm.xlane v3, v0;
	_ =	sdelay $0x1  }
0xfb: {  	v4 =	vadd.s32 v1, v4;
	_ =	sdelay $0x3  }
0xfc: {  	s18 =	simm.s32 $0xA100  }
0xfd: {  	[tilespmem:s18], [sflag:$0x1] =	stream.indirect_vreg.gather [hbm4b:s23+s11], $0x80, v4, vm0, $0xb8;
	[tilespmem:$0x1A100] =	vst v63  }
0xfe: {  	s19 =	simm.s32 $0xA900;
	v3 =	vperm.xlane v3, v2  }
0xff: {  	[tilespmem:s19], [sflag:$0x1] =	stream.indirect_vreg.gather [hbm4b:s24+s11], $0x80, v4, vm0, $0xb8;
	[tilespmem:$0x1A100] =	vst v63  }
0x100: {  	s20 =	simm.s32 $0xB100;
	v3 =	vadd.s32 v1, v3  }
0x101: {  	[tilespmem:s20], [sflag:$0x1] =	stream.indirect_vreg.gather [hbm4b:s25+s11], $0x80, v4, vm0, $0xb8;
	[tilespmem:$0x1A100] =	vst v63  }
0x102: {  	s21 =	simm.s32 $0xB900  }
0x103: {  	[tilespmem:s21], [sflag:$0x1] =	stream.indirect_vreg.gather [hbm4b:s26+s11], $0x80, v4, vm0, $0xb8;
	[tilespmem:$0x1A100] =	vst v63  }
0x104: {  	_ = 	snop  }
0x105: {  	[tilespmem:s22], [sflag:$0x1] =	stream.indirect_vreg.gather [hbm4b:s23+s11], $0x80, v3, vm0, $0xb8;
	[tilespmem:$0x1A100] =	vst v63  }
0x106: {  	_ = 	snop  }
0x107: {  	[tilespmem:s28], [sflag:$0x1] =	stream.indirect_vreg.gather [hbm4b:s24+s11], $0x80, v3, vm0, $0xb8;
	[tilespmem:$0x1A100] =	vst v63  }
0x108: {  	_ = 	snop  }
0x109: {  	[tilespmem:s30], [sflag:$0x1] =	stream.indirect_vreg.gather [hbm4b:s25+s11], $0x80, v3, vm0, $0xb8;
	[tilespmem:$0x1A100] =	vst v63  }
0x10a: {  	_ = 	snop  }
0x10b: {  	[tilespmem:s31], [sflag:$0x1] =	stream.indirect_vreg.gather [hbm4b:s26+s11], $0x80, v3, vm0, $0xb8;
	[tilespmem:$0x1A100] =	vst v63  }
0x10c: {  	v3 =	vld [tilespmem:$0x90];
	_ =	sdelay $0x4  }
0x10d: {  	v63 =	vshll.u32 v3, $0x3  }
0x10e: {  	v3 =	vand.u32 $0x7, v3;
	v4 =	vand.u32 $0xFFFFFFC0, v63  }
0x10f: {  	v3 =	vor.u32 v3, v4  }
0x110: {  	v4 =	vperm.xlane v3, v0;
	_ =	sdelay $0x1  }
0x111: {  	v4 =	vadd.s32 v1, v4;
	_ =	sdelay $0x4  }
0x112: {  	[tilespmem:s13], [sflag:$0x1] =	stream.indirect_vreg.gather [hbm4b:s23+s11], $0x80, v4, vm0, $0xb8;
	[tilespmem:$0x1A100] =	vst v63  }
0x113: {  	v3 =	vperm.xlane v3, v2  }
0x114: {  	[tilespmem:s0], [sflag:$0x1] =	stream.indirect_vreg.gather [hbm4b:s24+s11], $0x80, v4, vm0, $0xb8;
	[tilespmem:$0x1A100] =	vst v63  }
0x115: {  	v3 =	vadd.s32 v1, v3  }
0x116: {  	[tilespmem:s2], [sflag:$0x1] =	stream.indirect_vreg.gather [hbm4b:s25+s11], $0x80, v4, vm0, $0xb8;
	[tilespmem:$0x1A100] =	vst v63  }
0x117: {  	_ = 	snop  }
0x118: {  	[tilespmem:s3], [sflag:$0x1] =	stream.indirect_vreg.gather [hbm4b:s26+s11], $0x80, v4, vm0, $0xb8;
	[tilespmem:$0x1A100] =	vst v63  }
0x119: {  	_ = 	snop  }
0x11a: {  	[tilespmem:s4], [sflag:$0x1] =	stream.indirect_vreg.gather [hbm4b:s23+s11], $0x80, v3, vm0, $0xb8;
	[tilespmem:$0x1A100] =	vst v63  }
0x11b: {  	_ = 	snop  }
0x11c: {  	[tilespmem:s5], [sflag:$0x1] =	stream.indirect_vreg.gather [hbm4b:s24+s11], $0x80, v3, vm0, $0xb8;
	[tilespmem:$0x1A100] =	vst v63  }
0x11d: {  	_ = 	snop  }
0x11e: {  	[tilespmem:s6], [sflag:$0x1] =	stream.indirect_vreg.gather [hbm4b:s25+s11], $0x80, v3, vm0, $0xb8;
	[tilespmem:$0x1A100] =	vst v63  }
0x11f: {  	_ = 	snop  }
0x120: {  	[tilespmem:s7], [sflag:$0x1] =	stream.indirect_vreg.gather [hbm4b:s26+s11], $0x80, v3, vm0, $0xb8;
	[tilespmem:$0x1A100] =	vst v63  }
0x121: {  	_ =	swait.ge [sflag:s8], $0x8000  }
0x122: {  	[sflag:s8] =	ssyncset.done $0x0  }
0x123: {  	[sflag:s8] =	ssyncadd.s32 $0xFFFF8000  }
0x124: {  	_ =	swait.ge [sflag:s8], $0x8000  }
0x125: {  	[sflag:s8] =	ssyncset.done $0x0  }
0x126: {  	s12 =	simm.s32 $0x0;
	[sflag:s8] =	ssyncadd.s32 $0xFFFF8000  }
.LBB2_6:
0x127: {  	s14 =	sshll.u32 s12, $0x7;
	s15 =	sshll.u32 s12, $0xA  }
0x128: {  	s15 =	sand.u32 $0x6000, s15;
	s16 =	sand.u32 $0x380, s14  }
0x129: {  	s20 =	sand.u32 $0x40, s11;
	s16 =	sor.u32 s15, s16  }
0x12a: {  	s17 =	sand.u32 $0x1C00, s11;
	v3 =	vld [tilespmem:s14+$0x100];
	s15 =	sor.u32 s20, s16  }
0x12b: {  	v4 =	vld [tilespmem:s14+$0x1100];
	s14 =	sor.u32 s17, s15  }
0x12c: {  	v5 =	vld [tilespmem:s14+$0x2130]  }
0x12d: {  	v6 =	vld [tilespmem:s14+$0xA130]  }
0x12e: {  	v7 =	vld [tilespmem:s14+$0x2100]  }
0x12f: {  	v9 =	vld [tilespmem:s14+$0xA100]  }
0x130: {  	s21 =	simm.s32 $0x40;
	v10 =	vld [tilespmem:s14+$0x2110]  }
0x131: {  	s15 =	sand.u32 $0x40, s21;
	s17 =	simm.s32 $0x200;
	v11 =	vld [tilespmem:s14+$0xA110]  }
0x132: {  	s18 =	sand.u32 $0x1C00, s17;
	s15 =	sor.u32 s15, s16;
	v12 =	vld [tilespmem:s14+$0x2120];
	v8 =	vmul.f32 v5, v3;
	v6 =	vmul.f32 v6, v4  }
0x133: {  	v13 =	vld [tilespmem:s14+$0xA120];
	s15 =	sor.u32 s18, s15  }
0x134: {  	v5 =	vld [tilespmem:s15+$0x2130];
	v7 =	vmul.f32 v7, v3;
	v9 =	vmul.f32 v9, v4;
	v14 =	vadd.f32 v6, v8  }
0x135: {  	v8 =	vld [tilespmem:s15+$0xA130]  }
0x136: {  	v11 =	vmul.f32 v11, v4;
	v6 =	vld [tilespmem:s15+$0x2100];
	v15 =	vadd.f32 v9, v7;
	[tilespmem:s14+$0x12130] =	vst v14;
	v14 =	vmul.f32 v10, v3  }
0x137: {  	v9 =	vld [tilespmem:s15+$0xA100]  }
0x138: {  	s19 =	simm.s32 $0x80;
	s18 =	simm.s32 $0x4;
	v10 =	vmul.f32 v12, v3;
	v7 =	vld [tilespmem:s15+$0x2110];
	[tilespmem:s14+$0x12100] =	vst v15;
	v12 =	vadd.f32 v11, v14;
	v11 =	vmul.f32 v13, v4  }
.LBB2_7:
0x139: {  	s20 =	sand.u32 $0x40, s19;
	v13 =	vld [tilespmem:s15+$0xA110];
	s17 =	sadd.s32 $0x200, s17  }
0x13a: {  	s18 =	sadd.s32 $0x4, s18;
	v15 =	vmul.f32 v5, v3;
	s21 =	sand.u32 $0x1C00, s17;
	s20 =	sor.u32 s20, s16;
	v14 =	vld [tilespmem:s15+$0x2120];
	v8 =	vmul.f32 v8, v4;
	[tilespmem:s14+$0x12110] =	vst v12;
	v10 =	vadd.f32 v11, v10  }
0x13b: {  	p0 =	slt.u32 s18, $0x3C;
	s20 =	sor.u32 s21, s20;
	v11 =	vmul.f32 v6, v3;
	v16 =	vld [tilespmem:s15+$0xA120]  }
.Ltmp2:
0x13c: {  	v5 =	vld [tilespmem:s20+$0x2130];
	v9 =	vmul.f32 v9, v4;
	v12 =	vadd.f32 v8, v15;
	[tilespmem:s14+$0x12120] =	vst v10;
	s14 =	smov.u32 s15;
	s15 =	smov.u32 s20;
	(pc) =	sbr.rel @p0 .LBB2_7-.Ltmp2, $4  }
0x13d: {  	v8 =	vld [tilespmem:s15+$0xA130];
	v15 =	vmul.f32 v7, v3  }
0x13e: {  	v6 =	vld [tilespmem:s15+$0x2100];
	v11 =	vadd.f32 v9, v11;
	v13 =	vmul.f32 v13, v4;
	[tilespmem:s14+$0x12130] =	vst v12  }
0x13f: {  	v9 =	vld [tilespmem:s15+$0xA100];
	v10 =	vmul.f32 v14, v3  }
0x140: {  	s19 =	sadd.s32 $0x40, s19;
	v7 =	vld [tilespmem:s15+$0x2110];
	[tilespmem:s14+$0x12100] =	vst v11;
	v12 =	vadd.f32 v13, v15;
	v11 =	vmul.f32 v16, v4  }
0x141: {  	v13 =	vld [tilespmem:s15+$0xA110]  }
0x142: {  	v14 =	vld [tilespmem:s15+$0x2120];
	[tilespmem:s14+$0x12110] =	vst v12  }
0x143: {  	v12 =	vld [tilespmem:s15+$0xA120];
	_ =	sdelay $0x1  }
0x144: {  	v5 =	vmul.f32 v5, v3;
	v8 =	vmul.f32 v8, v4  }
0x145: {  	s12 =	sadd.s32 $0x1, s12;
	v10 =	vadd.f32 v11, v10;
	v6 =	vmul.f32 v6, v3;
	v9 =	vmul.f32 v9, v4  }
0x146: {  	p0 =	sne.s32 s12, $0x20;
	v5 =	vadd.f32 v8, v5;
	v7 =	vmul.f32 v7, v3;
	v61 =	vmul.f32 v13, v4  }
.Ltmp3:
0x147: {  	[tilespmem:s14+$0x12120] =	vst v10;
	v6 =	vadd.f32 v9, v6;
	v3 =	vmul.f32 v14, v3;
	v62 =	vmul.f32 v12, v4;
	(pc) =	sbr.rel @p0 .LBB2_6-.Ltmp3, $4  }
0x148: {  	[tilespmem:s15+$0x12130] =	vst v5;
	v63 =	vadd.f32 v61, v7  }
0x149: {  	[tilespmem:s15+$0x12100] =	vst v6;
	v3 =	vadd.f32 v62, v3  }
0x14a: {  	[tilespmem:s15+$0x12110] =	vst v63  }
0x14b: {  	[tilespmem:s15+$0x12120] =	vst v3  }
0x14c: {  	s11 =	simm.s32 $0x0;
	s12 =	rddreg [dreg:$0x14]  }
0x14d: {  	[hbm4b:s12+s11] =	stream.linear.scatter [tilespmem:s9], [sflag:$0x2], $0x8000, $0x38;
	[tilespmem:$0x1A100] =	vst v63  }
0x14e: {  	_ =	swait.ge [sflag:s29], $0x8000  }
0x14f: {  	[sflag:s29] =	ssyncset.done $0x0  }
0x150: {  	s20 =	rddreg [dreg:$0xb];
	[sflag:s29] =	ssyncadd.s32 $0xFFFF8000  }
0x151: {  	[tilespmem:s11], [sflag:$0x2] =	stream.linear.gather [hbm4b:s20+s11], $0x20, $0x38;
	[tilespmem:$0x1A100] =	vst v63  }
0x152: {  	_ =	swait.ge [sflag:s29], $0x20  }
0x153: {  	[sflag:s29] =	ssyncset.done $0x0  }
0x154: {  	s14 =	simm.s32 $0x80;
	s21 =	rddreg [dreg:$0xc];
	[sflag:s29] =	ssyncadd.s32 $0xFFFFFFE0  }
0x155: {  	[tilespmem:s14], [sflag:$0x2] =	stream.linear.gather [hbm4b:s21+s11], $0x20, $0x38;
	[tilespmem:$0x1A100] =	vst v63  }
0x156: {  	_ =	swait.ge [sflag:s29], $0x20  }
0x157: {  	[sflag:s29] =	ssyncset.done $0x0  }
0x158: {  	s15 =	simm.s32 $0x100;
	s14 =	rddreg [dreg:$0xd];
	[sflag:s29] =	ssyncadd.s32 $0xFFFFFFE0  }
0x159: {  	[tilespmem:s15], [sflag:$0x2] =	stream.linear.gather [hbm4b:s14+s11], $0x1000, $0x38;
	[tilespmem:$0x1A100] =	vst v63  }
0x15a: {  	_ =	swait.ge [sflag:s29], $0x1000  }
0x15b: {  	[sflag:s29] =	ssyncset.done $0x0  }
0x15c: {  	s17 =	simm.s32 $0x1100;
	s16 =	rddreg [dreg:$0x10];
	[sflag:s29] =	ssyncadd.s32 $0xFFFFF000  }
0x15d: {  	[tilespmem:s17], [sflag:$0x2] =	stream.linear.gather [hbm4b:s16+s11], $0x1000, $0x38;
	[tilespmem:$0x1A100] =	vst v63  }
0x15e: {  	_ =	swait.ge [sflag:s29], $0x1000  }
0x15f: {  	[sflag:s29] =	ssyncset.done $0x0  }
0x160: {  	[sflag:s29] =	ssyncadd.s32 $0xFFFFF000  }
0x161: {  	v3 =	vld [tilespmem:$0x0];
	_ =	sdelay $0x4  }
0x162: {  	v4 =	vshll.u32 v3, $0x3  }
0x163: {  	v3 =	vand.u32 $0x7, v3;
	v4 =	vand.u32 $0xFFFFFFC0, v4  }
0x164: {  	v3 =	vor.u32 v3, v4  }
0x165: {  	v4 =	vperm.xlane v3, v0;
	_ =	sdelay $0x1  }
0x166: {  	v4 =	vadd.s32 v1, v4;
	_ =	sdelay $0x3  }
0x167: {  	s18 =	simm.s32 $0x2100  }
0x168: {  	[tilespmem:s18], [sflag:$0x1] =	stream.indirect_vreg.gather [hbm4b:s23+s11], $0x80, v4, vm0, $0xb8;
	[tilespmem:$0x1A100] =	vst v63  }
0x169: {  	s19 =	simm.s32 $0x2900;
	v3 =	vperm.xlane v3, v2  }
0x16a: {  	[tilespmem:s19], [sflag:$0x1] =	stream.indirect_vreg.gather [hbm4b:s24+s11], $0x80, v4, vm0, $0xb8;
	[tilespmem:$0x1A100] =	vst v63  }
0x16b: {  	s20 =	simm.s32 $0x3100;
	v3 =	vadd.s32 v1, v3  }
0x16c: {  	[tilespmem:s20], [sflag:$0x1] =	stream.indirect_vreg.gather [hbm4b:s25+s11], $0x80, v4, vm0, $0xb8;
	[tilespmem:$0x1A100] =	vst v63  }
0x16d: {  	s21 =	simm.s32 $0x3900  }
0x16e: {  	[tilespmem:s21], [sflag:$0x1] =	stream.indirect_vreg.gather [hbm4b:s26+s11], $0x80, v4, vm0, $0xb8;
	[tilespmem:$0x1A100] =	vst v63  }
0x16f: {  	s14 =	simm.s32 $0x4100  }
0x170: {  	[tilespmem:s14], [sflag:$0x1] =	stream.indirect_vreg.gather [hbm4b:s23+s11], $0x80, v3, vm0, $0xb8;
	[tilespmem:$0x1A100] =	vst v63  }
0x171: {  	s15 =	simm.s32 $0x4900  }
0x172: {  	[tilespmem:s15], [sflag:$0x1] =	stream.indirect_vreg.gather [hbm4b:s24+s11], $0x80, v3, vm0, $0xb8;
	[tilespmem:$0x1A100] =	vst v63  }
0x173: {  	s16 =	simm.s32 $0x5100  }
0x174: {  	[tilespmem:s16], [sflag:$0x1] =	stream.indirect_vreg.gather [hbm4b:s25+s11], $0x80, v3, vm0, $0xb8;
	[tilespmem:$0x1A100] =	vst v63  }
0x175: {  	s17 =	simm.s32 $0x5900  }
0x176: {  	[tilespmem:s17], [sflag:$0x1] =	stream.indirect_vreg.gather [hbm4b:s26+s11], $0x80, v3, vm0, $0xb8;
	[tilespmem:$0x1A100] =	vst v63  }
0x177: {  	v3 =	vld [tilespmem:$0x10];
	_ =	sdelay $0x4  }
0x178: {  	v61 =	vshll.u32 v3, $0x3  }
0x179: {  	v3 =	vand.u32 $0x7, v3;
	v4 =	vand.u32 $0xFFFFFFC0, v61  }
0x17a: {  	v3 =	vor.u32 v3, v4  }
0x17b: {  	v4 =	vperm.xlane v3, v0;
	_ =	sdelay $0x1  }
0x17c: {  	v4 =	vadd.s32 v1, v4;
	_ =	sdelay $0x3  }
0x17d: {  	s18 =	simm.s32 $0x6100  }
0x17e: {  	[tilespmem:s18], [sflag:$0x1] =	stream.indirect_vreg.gather [hbm4b:s23+s11], $0x80, v4, vm0, $0xb8;
	[tilespmem:$0x1A100] =	vst v63  }
0x17f: {  	s19 =	simm.s32 $0x6900;
	v3 =	vperm.xlane v3, v2  }
0x180: {  	[tilespmem:s19], [sflag:$0x1] =	stream.indirect_vreg.gather [hbm4b:s24+s11], $0x80, v4, vm0, $0xb8;
	[tilespmem:$0x1A100] =	vst v63  }
0x181: {  	s20 =	simm.s32 $0x7100;
	v3 =	vadd.s32 v1, v3  }
0x182: {  	[tilespmem:s20], [sflag:$0x1] =	stream.indirect_vreg.gather [hbm4b:s25+s11], $0x80, v4, vm0, $0xb8;
	[tilespmem:$0x1A100] =	vst v63  }
0x183: {  	s21 =	simm.s32 $0x7900  }
0x184: {  	[tilespmem:s21], [sflag:$0x1] =	stream.indirect_vreg.gather [hbm4b:s26+s11], $0x80, v4, vm0, $0xb8;
	[tilespmem:$0x1A100] =	vst v63  }
0x185: {  	s14 =	simm.s32 $0x8100  }
0x186: {  	[tilespmem:s14], [sflag:$0x1] =	stream.indirect_vreg.gather [hbm4b:s23+s11], $0x80, v3, vm0, $0xb8;
	[tilespmem:$0x1A100] =	vst v63  }
0x187: {  	s15 =	simm.s32 $0x8900  }
0x188: {  	[tilespmem:s15], [sflag:$0x1] =	stream.indirect_vreg.gather [hbm4b:s24+s11], $0x80, v3, vm0, $0xb8;
	[tilespmem:$0x1A100] =	vst v63  }
0x189: {  	s16 =	simm.s32 $0x9100  }
0x18a: {  	[tilespmem:s16], [sflag:$0x1] =	stream.indirect_vreg.gather [hbm4b:s25+s11], $0x80, v3, vm0, $0xb8;
	[tilespmem:$0x1A100] =	vst v63  }
0x18b: {  	s17 =	simm.s32 $0x9900  }
0x18c: {  	[tilespmem:s17], [sflag:$0x1] =	stream.indirect_vreg.gather [hbm4b:s26+s11], $0x80, v3, vm0, $0xb8;
	[tilespmem:$0x1A100] =	vst v63  }
0x18d: {  	v3 =	vld [tilespmem:$0x80];
	_ =	sdelay $0x4  }
0x18e: {  	v62 =	vshll.u32 v3, $0x3  }
0x18f: {  	v3 =	vand.u32 $0x7, v3;
	v4 =	vand.u32 $0xFFFFFFC0, v62  }
0x190: {  	v3 =	vor.u32 v3, v4  }
0x191: {  	v4 =	vperm.xlane v3, v0;
	_ =	sdelay $0x1  }
0x192: {  	v4 =	vadd.s32 v1, v4;
	_ =	sdelay $0x3  }
0x193: {  	s18 =	simm.s32 $0xA100  }
0x194: {  	[tilespmem:s18], [sflag:$0x1] =	stream.indirect_vreg.gather [hbm4b:s23+s11], $0x80, v4, vm0, $0xb8;
	[tilespmem:$0x1A100] =	vst v63  }
0x195: {  	s19 =	simm.s32 $0xA900;
	v3 =	vperm.xlane v3, v2  }
0x196: {  	[tilespmem:s19], [sflag:$0x1] =	stream.indirect_vreg.gather [hbm4b:s24+s11], $0x80, v4, vm0, $0xb8;
	[tilespmem:$0x1A100] =	vst v63  }
0x197: {  	s20 =	simm.s32 $0xB100;
	v3 =	vadd.s32 v1, v3  }
0x198: {  	[tilespmem:s20], [sflag:$0x1] =	stream.indirect_vreg.gather [hbm4b:s25+s11], $0x80, v4, vm0, $0xb8;
	[tilespmem:$0x1A100] =	vst v63  }
0x199: {  	s21 =	simm.s32 $0xB900  }
0x19a: {  	[tilespmem:s21], [sflag:$0x1] =	stream.indirect_vreg.gather [hbm4b:s26+s11], $0x80, v4, vm0, $0xb8;
	[tilespmem:$0x1A100] =	vst v63  }
0x19b: {  	_ = 	snop  }
0x19c: {  	[tilespmem:s22], [sflag:$0x1] =	stream.indirect_vreg.gather [hbm4b:s23+s11], $0x80, v3, vm0, $0xb8;
	[tilespmem:$0x1A100] =	vst v63  }
0x19d: {  	_ = 	snop  }
0x19e: {  	[tilespmem:s28], [sflag:$0x1] =	stream.indirect_vreg.gather [hbm4b:s24+s11], $0x80, v3, vm0, $0xb8;
	[tilespmem:$0x1A100] =	vst v63  }
0x19f: {  	_ = 	snop  }
0x1a0: {  	[tilespmem:s30], [sflag:$0x1] =	stream.indirect_vreg.gather [hbm4b:s25+s11], $0x80, v3, vm0, $0xb8;
	[tilespmem:$0x1A100] =	vst v63  }
0x1a1: {  	_ = 	snop  }
0x1a2: {  	[tilespmem:s31], [sflag:$0x1] =	stream.indirect_vreg.gather [hbm4b:s26+s11], $0x80, v3, vm0, $0xb8;
	[tilespmem:$0x1A100] =	vst v63  }
0x1a3: {  	v3 =	vld [tilespmem:$0x90];
	_ =	sdelay $0x4  }
0x1a4: {  	v63 =	vshll.u32 v3, $0x3  }
0x1a5: {  	v3 =	vand.u32 $0x7, v3;
	v4 =	vand.u32 $0xFFFFFFC0, v63  }
0x1a6: {  	v3 =	vor.u32 v3, v4  }
0x1a7: {  	v4 =	vperm.xlane v3, v0;
	_ =	sdelay $0x1  }
0x1a8: {  	v4 =	vadd.s32 v1, v4;
	_ =	sdelay $0x4  }
0x1a9: {  	[tilespmem:s13], [sflag:$0x1] =	stream.indirect_vreg.gather [hbm4b:s23+s11], $0x80, v4, vm0, $0xb8;
	[tilespmem:$0x1A100] =	vst v63  }
0x1aa: {  	v3 =	vperm.xlane v3, v2  }
0x1ab: {  	[tilespmem:s0], [sflag:$0x1] =	stream.indirect_vreg.gather [hbm4b:s24+s11], $0x80, v4, vm0, $0xb8;
	[tilespmem:$0x1A100] =	vst v63  }
0x1ac: {  	v3 =	vadd.s32 v1, v3  }
0x1ad: {  	[tilespmem:s2], [sflag:$0x1] =	stream.indirect_vreg.gather [hbm4b:s25+s11], $0x80, v4, vm0, $0xb8;
	[tilespmem:$0x1A100] =	vst v63  }
0x1ae: {  	_ = 	snop  }
0x1af: {  	[tilespmem:s3], [sflag:$0x1] =	stream.indirect_vreg.gather [hbm4b:s26+s11], $0x80, v4, vm0, $0xb8;
	[tilespmem:$0x1A100] =	vst v63  }
0x1b0: {  	_ = 	snop  }
0x1b1: {  	[tilespmem:s4], [sflag:$0x1] =	stream.indirect_vreg.gather [hbm4b:s23+s11], $0x80, v3, vm0, $0xb8;
	[tilespmem:$0x1A100] =	vst v63  }
0x1b2: {  	_ = 	snop  }
0x1b3: {  	[tilespmem:s5], [sflag:$0x1] =	stream.indirect_vreg.gather [hbm4b:s24+s11], $0x80, v3, vm0, $0xb8;
	[tilespmem:$0x1A100] =	vst v63  }
0x1b4: {  	_ = 	snop  }
0x1b5: {  	[tilespmem:s6], [sflag:$0x1] =	stream.indirect_vreg.gather [hbm4b:s25+s11], $0x80, v3, vm0, $0xb8;
	[tilespmem:$0x1A100] =	vst v63  }
0x1b6: {  	_ = 	snop  }
0x1b7: {  	[tilespmem:s7], [sflag:$0x1] =	stream.indirect_vreg.gather [hbm4b:s26+s11], $0x80, v3, vm0, $0xb8;
	[tilespmem:$0x1A100] =	vst v63  }
0x1b8: {  	_ =	swait.ge [sflag:s8], $0x8000  }
0x1b9: {  	[sflag:s8] =	ssyncset.done $0x0  }
0x1ba: {  	[sflag:s8] =	ssyncadd.s32 $0xFFFF8000  }
0x1bb: {  	_ =	swait.ge [sflag:s8], $0x8000  }
0x1bc: {  	[sflag:s8] =	ssyncset.done $0x0  }
0x1bd: {  	s12 =	simm.s32 $0x0;
	[sflag:s8] =	ssyncadd.s32 $0xFFFF8000  }
.LBB2_10:
0x1be: {  	s14 =	sshll.u32 s12, $0x7;
	s15 =	sshll.u32 s12, $0xA  }
0x1bf: {  	s15 =	sand.u32 $0x6000, s15;
	s16 =	sand.u32 $0x380, s14  }
0x1c0: {  	s20 =	sand.u32 $0x40, s11;
	s16 =	sor.u32 s15, s16  }
0x1c1: {  	s17 =	sand.u32 $0x1C00, s11;
	v3 =	vld [tilespmem:s14+$0x100];
	s15 =	sor.u32 s20, s16  }
0x1c2: {  	v4 =	vld [tilespmem:s14+$0x1100];
	s14 =	sor.u32 s17, s15  }
0x1c3: {  	v5 =	vld [tilespmem:s14+$0x2130]  }
0x1c4: {  	v6 =	vld [tilespmem:s14+$0xA130]  }
0x1c5: {  	v7 =	vld [tilespmem:s14+$0x2100]  }
0x1c6: {  	v9 =	vld [tilespmem:s14+$0xA100]  }
0x1c7: {  	s21 =	simm.s32 $0x40;
	v10 =	vld [tilespmem:s14+$0x2110]  }
0x1c8: {  	s15 =	sand.u32 $0x40, s21;
	s17 =	simm.s32 $0x200;
	v11 =	vld [tilespmem:s14+$0xA110]  }
0x1c9: {  	s18 =	sand.u32 $0x1C00, s17;
	s15 =	sor.u32 s15, s16;
	v12 =	vld [tilespmem:s14+$0x2120];
	v8 =	vmul.f32 v5, v3;
	v6 =	vmul.f32 v6, v4  }
0x1ca: {  	v13 =	vld [tilespmem:s14+$0xA120];
	s15 =	sor.u32 s18, s15  }
0x1cb: {  	v5 =	vld [tilespmem:s15+$0x2130];
	v7 =	vmul.f32 v7, v3;
	v9 =	vmul.f32 v9, v4;
	v14 =	vadd.f32 v6, v8  }
0x1cc: {  	v8 =	vld [tilespmem:s15+$0xA130]  }
0x1cd: {  	v11 =	vmul.f32 v11, v4;
	v6 =	vld [tilespmem:s15+$0x2100];
	v15 =	vadd.f32 v9, v7;
	[tilespmem:s14+$0x12130] =	vst v14;
	v14 =	vmul.f32 v10, v3  }
0x1ce: {  	v9 =	vld [tilespmem:s15+$0xA100]  }
0x1cf: {  	s19 =	simm.s32 $0x80;
	s18 =	simm.s32 $0x4;
	v10 =	vmul.f32 v12, v3;
	v7 =	vld [tilespmem:s15+$0x2110];
	[tilespmem:s14+$0x12100] =	vst v15;
	v12 =	vadd.f32 v11, v14;
	v11 =	vmul.f32 v13, v4  }
.LBB2_11:
0x1d0: {  	s20 =	sand.u32 $0x40, s19;
	v13 =	vld [tilespmem:s15+$0xA110];
	s17 =	sadd.s32 $0x200, s17  }
0x1d1: {  	s18 =	sadd.s32 $0x4, s18;
	v15 =	vmul.f32 v5, v3;
	s21 =	sand.u32 $0x1C00, s17;
	s20 =	sor.u32 s20, s16;
	v14 =	vld [tilespmem:s15+$0x2120];
	v8 =	vmul.f32 v8, v4;
	[tilespmem:s14+$0x12110] =	vst v12;
	v10 =	vadd.f32 v11, v10  }
0x1d2: {  	p0 =	slt.u32 s18, $0x3C;
	s20 =	sor.u32 s21, s20;
	v11 =	vmul.f32 v6, v3;
	v16 =	vld [tilespmem:s15+$0xA120]  }
.Ltmp4:
0x1d3: {  	v5 =	vld [tilespmem:s20+$0x2130];
	v9 =	vmul.f32 v9, v4;
	v12 =	vadd.f32 v8, v15;
	[tilespmem:s14+$0x12120] =	vst v10;
	s14 =	smov.u32 s15;
	s15 =	smov.u32 s20;
	(pc) =	sbr.rel @p0 .LBB2_11-.Ltmp4, $4  }
0x1d4: {  	v8 =	vld [tilespmem:s15+$0xA130];
	v15 =	vmul.f32 v7, v3  }
0x1d5: {  	v6 =	vld [tilespmem:s15+$0x2100];
	v11 =	vadd.f32 v9, v11;
	v13 =	vmul.f32 v13, v4;
	[tilespmem:s14+$0x12130] =	vst v12  }
0x1d6: {  	v9 =	vld [tilespmem:s15+$0xA100];
	v10 =	vmul.f32 v14, v3  }
0x1d7: {  	s19 =	sadd.s32 $0x40, s19;
	v7 =	vld [tilespmem:s15+$0x2110];
	[tilespmem:s14+$0x12100] =	vst v11;
	v12 =	vadd.f32 v13, v15;
	v11 =	vmul.f32 v16, v4  }
0x1d8: {  	v13 =	vld [tilespmem:s15+$0xA110]  }
0x1d9: {  	v14 =	vld [tilespmem:s15+$0x2120];
	[tilespmem:s14+$0x12110] =	vst v12  }
0x1da: {  	v12 =	vld [tilespmem:s15+$0xA120];
	_ =	sdelay $0x1  }
0x1db: {  	v5 =	vmul.f32 v5, v3;
	v8 =	vmul.f32 v8, v4  }
0x1dc: {  	s12 =	sadd.s32 $0x1, s12;
	v10 =	vadd.f32 v11, v10;
	v6 =	vmul.f32 v6, v3;
	v9 =	vmul.f32 v9, v4  }
0x1dd: {  	p0 =	sne.s32 s12, $0x20;
	v5 =	vadd.f32 v8, v5;
	v7 =	vmul.f32 v7, v3;
	v61 =	vmul.f32 v13, v4  }
.Ltmp5:
0x1de: {  	[tilespmem:s14+$0x12120] =	vst v10;
	v6 =	vadd.f32 v9, v6;
	v3 =	vmul.f32 v14, v3;
	v62 =	vmul.f32 v12, v4;
	(pc) =	sbr.rel @p0 .LBB2_10-.Ltmp5, $4  }
0x1df: {  	[tilespmem:s15+$0x12130] =	vst v5;
	v63 =	vadd.f32 v61, v7  }
0x1e0: {  	[tilespmem:s15+$0x12100] =	vst v6;
	v3 =	vadd.f32 v62, v3  }
0x1e1: {  	[tilespmem:s15+$0x12110] =	vst v63  }
0x1e2: {  	[tilespmem:s15+$0x12120] =	vst v3  }
0x1e3: {  	s11 =	simm.s32 $0x0;
	s12 =	rddreg [dreg:$0x15]  }
0x1e4: {  	[hbm4b:s12+s11] =	stream.linear.scatter [tilespmem:s9], [sflag:$0x2], $0x8000, $0x38;
	[tilespmem:$0x1A100] =	vst v63  }
0x1e5: {  	_ =	swait.ge [sflag:s29], $0x8000  }
0x1e6: {  	[sflag:s29] =	ssyncset.done $0x0  }
0x1e7: {  	s20 =	rddreg [dreg:$0xe];
	[sflag:s29] =	ssyncadd.s32 $0xFFFF8000  }
0x1e8: {  	[tilespmem:s11], [sflag:$0x2] =	stream.linear.gather [hbm4b:s20+s11], $0x20, $0x38;
	[tilespmem:$0x1A100] =	vst v63  }
0x1e9: {  	_ =	swait.ge [sflag:s29], $0x20  }
0x1ea: {  	[sflag:s29] =	ssyncset.done $0x0  }
0x1eb: {  	s14 =	simm.s32 $0x80;
	s21 =	rddreg [dreg:$0xf];
	[sflag:s29] =	ssyncadd.s32 $0xFFFFFFE0  }
0x1ec: {  	[tilespmem:s14], [sflag:$0x2] =	stream.linear.gather [hbm4b:s21+s11], $0x20, $0x38;
	[tilespmem:$0x1A100] =	vst v63  }
0x1ed: {  	_ =	swait.ge [sflag:s29], $0x20  }
0x1ee: {  	[sflag:s29] =	ssyncset.done $0x0  }
0x1ef: {  	s15 =	simm.s32 $0x100;
	s14 =	rddreg [dreg:$0x11];
	[sflag:s29] =	ssyncadd.s32 $0xFFFFFFE0  }
0x1f0: {  	[tilespmem:s15], [sflag:$0x2] =	stream.linear.gather [hbm4b:s14+s11], $0x1000, $0x38;
	[tilespmem:$0x1A100] =	vst v63  }
0x1f1: {  	_ =	swait.ge [sflag:s29], $0x1000  }
0x1f2: {  	[sflag:s29] =	ssyncset.done $0x0  }
0x1f3: {  	s17 =	simm.s32 $0x1100;
	s16 =	rddreg [dreg:$0x12];
	[sflag:s29] =	ssyncadd.s32 $0xFFFFF000  }
0x1f4: {  	[tilespmem:s17], [sflag:$0x2] =	stream.linear.gather [hbm4b:s16+s11], $0x1000, $0x38;
	[tilespmem:$0x1A100] =	vst v63  }
0x1f5: {  	_ =	swait.ge [sflag:s29], $0x1000  }
0x1f6: {  	[sflag:s29] =	ssyncset.done $0x0  }
0x1f7: {  	[sflag:s29] =	ssyncadd.s32 $0xFFFFF000  }
0x1f8: {  	v3 =	vld [tilespmem:$0x0];
	_ =	sdelay $0x4  }
0x1f9: {  	v4 =	vshll.u32 v3, $0x3  }
0x1fa: {  	v3 =	vand.u32 $0x7, v3;
	v4 =	vand.u32 $0xFFFFFFC0, v4  }
0x1fb: {  	v3 =	vor.u32 v3, v4  }
0x1fc: {  	v4 =	vperm.xlane v3, v0;
	_ =	sdelay $0x1  }
0x1fd: {  	v4 =	vadd.s32 v1, v4;
	_ =	sdelay $0x3  }
0x1fe: {  	s18 =	simm.s32 $0x2100  }
0x1ff: {  	[tilespmem:s18], [sflag:$0x1] =	stream.indirect_vreg.gather [hbm4b:s23+s11], $0x80, v4, vm0, $0xb8;
	[tilespmem:$0x1A100] =	vst v63  }
0x200: {  	s19 =	simm.s32 $0x2900;
	v3 =	vperm.xlane v3, v2  }
0x201: {  	[tilespmem:s19], [sflag:$0x1] =	stream.indirect_vreg.gather [hbm4b:s24+s11], $0x80, v4, vm0, $0xb8;
	[tilespmem:$0x1A100] =	vst v63  }
0x202: {  	s20 =	simm.s32 $0x3100;
	v3 =	vadd.s32 v1, v3  }
0x203: {  	[tilespmem:s20], [sflag:$0x1] =	stream.indirect_vreg.gather [hbm4b:s25+s11], $0x80, v4, vm0, $0xb8;
	[tilespmem:$0x1A100] =	vst v63  }
0x204: {  	s21 =	simm.s32 $0x3900  }
0x205: {  	[tilespmem:s21], [sflag:$0x1] =	stream.indirect_vreg.gather [hbm4b:s26+s11], $0x80, v4, vm0, $0xb8;
	[tilespmem:$0x1A100] =	vst v63  }
0x206: {  	s14 =	simm.s32 $0x4100  }
0x207: {  	[tilespmem:s14], [sflag:$0x1] =	stream.indirect_vreg.gather [hbm4b:s23+s11], $0x80, v3, vm0, $0xb8;
	[tilespmem:$0x1A100] =	vst v63  }
0x208: {  	s15 =	simm.s32 $0x4900  }
0x209: {  	[tilespmem:s15], [sflag:$0x1] =	stream.indirect_vreg.gather [hbm4b:s24+s11], $0x80, v3, vm0, $0xb8;
	[tilespmem:$0x1A100] =	vst v63  }
0x20a: {  	s16 =	simm.s32 $0x5100  }
0x20b: {  	[tilespmem:s16], [sflag:$0x1] =	stream.indirect_vreg.gather [hbm4b:s25+s11], $0x80, v3, vm0, $0xb8;
	[tilespmem:$0x1A100] =	vst v63  }
0x20c: {  	s17 =	simm.s32 $0x5900  }
0x20d: {  	[tilespmem:s17], [sflag:$0x1] =	stream.indirect_vreg.gather [hbm4b:s26+s11], $0x80, v3, vm0, $0xb8;
	[tilespmem:$0x1A100] =	vst v63  }
0x20e: {  	v3 =	vld [tilespmem:$0x10];
	_ =	sdelay $0x4  }
0x20f: {  	v61 =	vshll.u32 v3, $0x3  }
0x210: {  	v3 =	vand.u32 $0x7, v3;
	v4 =	vand.u32 $0xFFFFFFC0, v61  }
0x211: {  	v3 =	vor.u32 v3, v4  }
0x212: {  	v4 =	vperm.xlane v3, v0;
	_ =	sdelay $0x1  }
0x213: {  	v4 =	vadd.s32 v1, v4;
	_ =	sdelay $0x3  }
0x214: {  	s18 =	simm.s32 $0x6100  }
0x215: {  	[tilespmem:s18], [sflag:$0x1] =	stream.indirect_vreg.gather [hbm4b:s23+s11], $0x80, v4, vm0, $0xb8;
	[tilespmem:$0x1A100] =	vst v63  }
0x216: {  	s19 =	simm.s32 $0x6900;
	v3 =	vperm.xlane v3, v2  }
0x217: {  	[tilespmem:s19], [sflag:$0x1] =	stream.indirect_vreg.gather [hbm4b:s24+s11], $0x80, v4, vm0, $0xb8;
	[tilespmem:$0x1A100] =	vst v63  }
0x218: {  	s20 =	simm.s32 $0x7100;
	v3 =	vadd.s32 v1, v3  }
0x219: {  	[tilespmem:s20], [sflag:$0x1] =	stream.indirect_vreg.gather [hbm4b:s25+s11], $0x80, v4, vm0, $0xb8;
	[tilespmem:$0x1A100] =	vst v63  }
0x21a: {  	s21 =	simm.s32 $0x7900  }
0x21b: {  	[tilespmem:s21], [sflag:$0x1] =	stream.indirect_vreg.gather [hbm4b:s26+s11], $0x80, v4, vm0, $0xb8;
	[tilespmem:$0x1A100] =	vst v63  }
0x21c: {  	s14 =	simm.s32 $0x8100  }
0x21d: {  	[tilespmem:s14], [sflag:$0x1] =	stream.indirect_vreg.gather [hbm4b:s23+s11], $0x80, v3, vm0, $0xb8;
	[tilespmem:$0x1A100] =	vst v63  }
0x21e: {  	s15 =	simm.s32 $0x8900  }
0x21f: {  	[tilespmem:s15], [sflag:$0x1] =	stream.indirect_vreg.gather [hbm4b:s24+s11], $0x80, v3, vm0, $0xb8;
	[tilespmem:$0x1A100] =	vst v63  }
0x220: {  	s16 =	simm.s32 $0x9100  }
0x221: {  	[tilespmem:s16], [sflag:$0x1] =	stream.indirect_vreg.gather [hbm4b:s25+s11], $0x80, v3, vm0, $0xb8;
	[tilespmem:$0x1A100] =	vst v63  }
0x222: {  	s17 =	simm.s32 $0x9900  }
0x223: {  	[tilespmem:s17], [sflag:$0x1] =	stream.indirect_vreg.gather [hbm4b:s26+s11], $0x80, v3, vm0, $0xb8;
	[tilespmem:$0x1A100] =	vst v63  }
0x224: {  	v3 =	vld [tilespmem:$0x80];
	_ =	sdelay $0x4  }
0x225: {  	v62 =	vshll.u32 v3, $0x3  }
0x226: {  	v3 =	vand.u32 $0x7, v3;
	v4 =	vand.u32 $0xFFFFFFC0, v62  }
0x227: {  	v3 =	vor.u32 v3, v4  }
0x228: {  	v4 =	vperm.xlane v3, v0;
	_ =	sdelay $0x1  }
0x229: {  	v4 =	vadd.s32 v1, v4;
	_ =	sdelay $0x3  }
0x22a: {  	s18 =	simm.s32 $0xA100  }
0x22b: {  	[tilespmem:s18], [sflag:$0x1] =	stream.indirect_vreg.gather [hbm4b:s23+s11], $0x80, v4, vm0, $0xb8;
	[tilespmem:$0x1A100] =	vst v63  }
0x22c: {  	s19 =	simm.s32 $0xA900;
	v3 =	vperm.xlane v3, v2  }
0x22d: {  	[tilespmem:s19], [sflag:$0x1] =	stream.indirect_vreg.gather [hbm4b:s24+s11], $0x80, v4, vm0, $0xb8;
	[tilespmem:$0x1A100] =	vst v63  }
0x22e: {  	s20 =	simm.s32 $0xB100;
	v3 =	vadd.s32 v1, v3  }
0x22f: {  	[tilespmem:s20], [sflag:$0x1] =	stream.indirect_vreg.gather [hbm4b:s25+s11], $0x80, v4, vm0, $0xb8;
	[tilespmem:$0x1A100] =	vst v63  }
0x230: {  	s21 =	simm.s32 $0xB900  }
0x231: {  	[tilespmem:s21], [sflag:$0x1] =	stream.indirect_vreg.gather [hbm4b:s26+s11], $0x80, v4, vm0, $0xb8;
	[tilespmem:$0x1A100] =	vst v63  }
0x232: {  	_ = 	snop  }
0x233: {  	[tilespmem:s22], [sflag:$0x1] =	stream.indirect_vreg.gather [hbm4b:s23+s11], $0x80, v3, vm0, $0xb8;
	[tilespmem:$0x1A100] =	vst v63  }
0x234: {  	_ = 	snop  }
0x235: {  	[tilespmem:s28], [sflag:$0x1] =	stream.indirect_vreg.gather [hbm4b:s24+s11], $0x80, v3, vm0, $0xb8;
	[tilespmem:$0x1A100] =	vst v63  }
0x236: {  	_ = 	snop  }
0x237: {  	[tilespmem:s30], [sflag:$0x1] =	stream.indirect_vreg.gather [hbm4b:s25+s11], $0x80, v3, vm0, $0xb8;
	[tilespmem:$0x1A100] =	vst v63  }
0x238: {  	_ = 	snop  }
0x239: {  	[tilespmem:s31], [sflag:$0x1] =	stream.indirect_vreg.gather [hbm4b:s26+s11], $0x80, v3, vm0, $0xb8;
	[tilespmem:$0x1A100] =	vst v63  }
0x23a: {  	v3 =	vld [tilespmem:$0x90];
	_ =	sdelay $0x4  }
0x23b: {  	v63 =	vshll.u32 v3, $0x3  }
0x23c: {  	v3 =	vand.u32 $0x7, v3;
	v4 =	vand.u32 $0xFFFFFFC0, v63  }
0x23d: {  	v3 =	vor.u32 v3, v4  }
0x23e: {  	v4 =	vperm.xlane v3, v0;
	_ =	sdelay $0x1  }
0x23f: {  	v4 =	vadd.s32 v1, v4;
	_ =	sdelay $0x4  }
0x240: {  	[tilespmem:s13], [sflag:$0x1] =	stream.indirect_vreg.gather [hbm4b:s23+s11], $0x80, v4, vm0, $0xb8;
	[tilespmem:$0x1A100] =	vst v63  }
0x241: {  	v3 =	vperm.xlane v3, v2  }
0x242: {  	[tilespmem:s0], [sflag:$0x1] =	stream.indirect_vreg.gather [hbm4b:s24+s11], $0x80, v4, vm0, $0xb8;
	[tilespmem:$0x1A100] =	vst v63  }
0x243: {  	v3 =	vadd.s32 v1, v3  }
0x244: {  	[tilespmem:s2], [sflag:$0x1] =	stream.indirect_vreg.gather [hbm4b:s25+s11], $0x80, v4, vm0, $0xb8;
	[tilespmem:$0x1A100] =	vst v63  }
0x245: {  	_ = 	snop  }
0x246: {  	[tilespmem:s3], [sflag:$0x1] =	stream.indirect_vreg.gather [hbm4b:s26+s11], $0x80, v4, vm0, $0xb8;
	[tilespmem:$0x1A100] =	vst v63  }
0x247: {  	_ = 	snop  }
0x248: {  	[tilespmem:s4], [sflag:$0x1] =	stream.indirect_vreg.gather [hbm4b:s23+s11], $0x80, v3, vm0, $0xb8;
	[tilespmem:$0x1A100] =	vst v63  }
0x249: {  	_ = 	snop  }
0x24a: {  	[tilespmem:s5], [sflag:$0x1] =	stream.indirect_vreg.gather [hbm4b:s24+s11], $0x80, v3, vm0, $0xb8;
	[tilespmem:$0x1A100] =	vst v63  }
0x24b: {  	_ = 	snop  }
0x24c: {  	[tilespmem:s6], [sflag:$0x1] =	stream.indirect_vreg.gather [hbm4b:s25+s11], $0x80, v3, vm0, $0xb8;
	[tilespmem:$0x1A100] =	vst v63  }
0x24d: {  	_ = 	snop  }
0x24e: {  	[tilespmem:s7], [sflag:$0x1] =	stream.indirect_vreg.gather [hbm4b:s26+s11], $0x80, v3, vm0, $0xb8;
	[tilespmem:$0x1A100] =	vst v63  }
0x24f: {  	_ =	swait.ge [sflag:s8], $0x8000  }
0x250: {  	[sflag:s8] =	ssyncset.done $0x0  }
0x251: {  	[sflag:s8] =	ssyncadd.s32 $0xFFFF8000  }
0x252: {  	_ =	swait.ge [sflag:s8], $0x8000  }
0x253: {  	[sflag:s8] =	ssyncset.done $0x0  }
0x254: {  	s12 =	simm.s32 $0x0;
	[sflag:s8] =	ssyncadd.s32 $0xFFFF8000  }
.LBB2_14:
0x255: {  	s14 =	sshll.u32 s12, $0x7;
	s15 =	sshll.u32 s12, $0xA  }
0x256: {  	s15 =	sand.u32 $0x6000, s15;
	s16 =	sand.u32 $0x380, s14  }
0x257: {  	s20 =	sand.u32 $0x40, s11;
	s16 =	sor.u32 s15, s16  }
0x258: {  	s17 =	sand.u32 $0x1C00, s11;
	v3 =	vld [tilespmem:s14+$0x100];
	s15 =	sor.u32 s20, s16  }
0x259: {  	v4 =	vld [tilespmem:s14+$0x1100];
	s14 =	sor.u32 s17, s15  }
0x25a: {  	v5 =	vld [tilespmem:s14+$0x2130]  }
0x25b: {  	v6 =	vld [tilespmem:s14+$0xA130]  }
0x25c: {  	v7 =	vld [tilespmem:s14+$0x2100]  }
0x25d: {  	v9 =	vld [tilespmem:s14+$0xA100]  }
0x25e: {  	s21 =	simm.s32 $0x40;
	v10 =	vld [tilespmem:s14+$0x2110]  }
0x25f: {  	s15 =	sand.u32 $0x40, s21;
	s17 =	simm.s32 $0x200;
	v11 =	vld [tilespmem:s14+$0xA110]  }
0x260: {  	s18 =	sand.u32 $0x1C00, s17;
	s15 =	sor.u32 s15, s16;
	v12 =	vld [tilespmem:s14+$0x2120];
	v8 =	vmul.f32 v5, v3;
	v6 =	vmul.f32 v6, v4  }
0x261: {  	v13 =	vld [tilespmem:s14+$0xA120];
	s15 =	sor.u32 s18, s15  }
0x262: {  	v5 =	vld [tilespmem:s15+$0x2130];
	v7 =	vmul.f32 v7, v3;
	v9 =	vmul.f32 v9, v4;
	v14 =	vadd.f32 v6, v8  }
0x263: {  	v8 =	vld [tilespmem:s15+$0xA130]  }
0x264: {  	v11 =	vmul.f32 v11, v4;
	v6 =	vld [tilespmem:s15+$0x2100];
	v15 =	vadd.f32 v9, v7;
	[tilespmem:s14+$0x12130] =	vst v14;
	v14 =	vmul.f32 v10, v3  }
0x265: {  	v9 =	vld [tilespmem:s15+$0xA100]  }
0x266: {  	s19 =	simm.s32 $0x80;
	s18 =	simm.s32 $0x4;
	v10 =	vmul.f32 v12, v3;
	v7 =	vld [tilespmem:s15+$0x2110];
	[tilespmem:s14+$0x12100] =	vst v15;
	v12 =	vadd.f32 v11, v14;
	v11 =	vmul.f32 v13, v4  }
.LBB2_15:
0x267: {  	s20 =	sand.u32 $0x40, s19;
	v13 =	vld [tilespmem:s15+$0xA110];
	s17 =	sadd.s32 $0x200, s17  }
0x268: {  	s18 =	sadd.s32 $0x4, s18;
	v15 =	vmul.f32 v5, v3;
	s21 =	sand.u32 $0x1C00, s17;
	s20 =	sor.u32 s20, s16;
	v14 =	vld [tilespmem:s15+$0x2120];
	v8 =	vmul.f32 v8, v4;
	[tilespmem:s14+$0x12110] =	vst v12;
	v10 =	vadd.f32 v11, v10  }
0x269: {  	p0 =	slt.u32 s18, $0x3C;
	s20 =	sor.u32 s21, s20;
	v11 =	vmul.f32 v6, v3;
	v16 =	vld [tilespmem:s15+$0xA120]  }
.Ltmp6:
0x26a: {  	v5 =	vld [tilespmem:s20+$0x2130];
	v9 =	vmul.f32 v9, v4;
	v12 =	vadd.f32 v8, v15;
	[tilespmem:s14+$0x12120] =	vst v10;
	s14 =	smov.u32 s15;
	s15 =	smov.u32 s20;
	(pc) =	sbr.rel @p0 .LBB2_15-.Ltmp6, $4  }
0x26b: {  	v8 =	vld [tilespmem:s15+$0xA130];
	v15 =	vmul.f32 v7, v3  }
0x26c: {  	v6 =	vld [tilespmem:s15+$0x2100];
	v11 =	vadd.f32 v9, v11;
	v13 =	vmul.f32 v13, v4;
	[tilespmem:s14+$0x12130] =	vst v12  }
0x26d: {  	v9 =	vld [tilespmem:s15+$0xA100];
	v10 =	vmul.f32 v14, v3  }
0x26e: {  	s19 =	sadd.s32 $0x40, s19;
	v7 =	vld [tilespmem:s15+$0x2110];
	[tilespmem:s14+$0x12100] =	vst v11;
	v12 =	vadd.f32 v13, v15;
	v11 =	vmul.f32 v16, v4  }
0x26f: {  	v13 =	vld [tilespmem:s15+$0xA110]  }
0x270: {  	v14 =	vld [tilespmem:s15+$0x2120];
	[tilespmem:s14+$0x12110] =	vst v12  }
0x271: {  	v12 =	vld [tilespmem:s15+$0xA120];
	_ =	sdelay $0x1  }
0x272: {  	v5 =	vmul.f32 v5, v3;
	v8 =	vmul.f32 v8, v4  }
0x273: {  	s12 =	sadd.s32 $0x1, s12;
	v10 =	vadd.f32 v11, v10;
	v6 =	vmul.f32 v6, v3;
	v9 =	vmul.f32 v9, v4  }
0x274: {  	p0 =	sne.s32 s12, $0x20;
	v5 =	vadd.f32 v8, v5;
	v7 =	vmul.f32 v7, v3;
	v61 =	vmul.f32 v13, v4  }
.Ltmp7:
0x275: {  	[tilespmem:s14+$0x12120] =	vst v10;
	v6 =	vadd.f32 v9, v6;
	v3 =	vmul.f32 v14, v3;
	v62 =	vmul.f32 v12, v4;
	(pc) =	sbr.rel @p0 .LBB2_14-.Ltmp7, $4  }
0x276: {  	[tilespmem:s15+$0x12130] =	vst v5;
	v63 =	vadd.f32 v61, v7  }
0x277: {  	[tilespmem:s15+$0x12100] =	vst v6;
	v3 =	vadd.f32 v62, v3  }
0x278: {  	[tilespmem:s15+$0x12110] =	vst v63  }
0x279: {  	[tilespmem:s15+$0x12120] =	vst v3  }
0x27a: {  	s11 =	rddreg [dreg:$0x16]  }
0x27b: {  	[hbm4b:s11+s1] =	stream.linear.scatter [tilespmem:s9], [sflag:$0x2], $0x8000, $0x38;
	[tilespmem:$0x1A100] =	vst v63  }
0x27c: {  	_ =	swait.ge [sflag:s29], $0x8000  }
0x27d: {  	s10 =	sadd.s32 $0x1, s10;
	s21 =	rddreg [dreg:$0x17]  }
0x27e: {  	p0 =	sne.s32 s10, s21  }
.Ltmp8:
0x27f: {  	_ = 	snop;
	(pc) =	sbr.rel @p0 .LBB2_1-.Ltmp8, $3  }
0x280: {  	_ =	sdelay $0x1  }
0x281: {  	[sflag:s29] =	ssyncset.done $0x0  }
0x282: {  	[sflag:s29] =	ssyncadd.s32 $0xFFFF8000  }
0x283: {  	_ =	sfence.sel $0x180000  }
0x284: {  	[bflag:$0x0] =	sbarrier.arrive $0xFFFF  }
0x285: {  	_ =	strace $0x9000004A  }
0x286: {  	s0 =	stileid.u32;
	[bflag:$0x2] =	sbarrier.arrive $0xFFFF  }
0x287: {  	p0 =	sne.s32 s0, $0x0;
	s0 =	rddreg [dreg:$0x2]  }
0x288: {  	s0 =	sadd.s32 @!p0 $0x100000, s0  }
0x289: {  	[sflag:s0] =	ssyncadd.tile.s32 @!p0 $0x1;
	_ =	shalt  }
.Lfunc_end2:
_tile_overlayer_lowered:
.L_overlay_start_2:
0x28a: {  	(tag) =	ssettag $0x2  }
0x28b: {  	s0 =	rddreg [dreg:$0x0];
	s2 =	stileid.u32  }
0x28c: {  	s1 =	rddreg [dreg:$0x1];
	p0 =	sne.s32 s2, $0x0  }
0x28d: {  	s3 =	rddreg [dreg:$0x2];
	[bflag:$0x3] =	sbarrier.arrive $0xFFFF;
	s2 =	simm.s32 @!p0 $0x1C02  }
0x28e: {  	[timem:s3], [sflag:s2] =	dma.local @!p0 [hbm:s0], s1  }
0x28f: {  	s0 =	simm.s32 @!p0 $0x2  }
0x290: {  	_ =	swait.ge @!p0 [sflag:s0], s1  }
0x291: {  	s1 =	ssub.s32 @!p0 $0x0, s1;
	[sflag:s0] =	ssyncset.done @!p0 $0x0  }
0x292: {  	[sflag:s0] =	ssyncadd.s32 @!p0 s1  }
0x293: {  	[bflag:$0x3] =	sbarrier.arrive $0xFFFF  }
0x294: {  	_ =	shalt  }

// kernel: kernel.7.cloned.1.call-start
scs
__scs_entry_jumppad:
0x0: {  	(pc) =	sbr.rel $0x88, $3  }
0x1: {  	(tag) =	ssettag $0x0;
	lr =	simm.s32 $0x1  }
0x2: {  	[smem:$0x3F9B] =	sst lr;
	_ =	strace $0xD0000000  }
0x3: {  	_ = 	snop  }
0x4: {  	_ = 	snop  }
0x5: {  	_ = 	snop  }
0x6: {  	_ = 	snop  }
0x7: {  	_ = 	snop  }
__scs_overlays_trampoline_lowered:
0x8: {  	[smem:$0x3FAA] =	sst s0  }
0x9: {  	[smem:$0x3FAB] =	sst s1  }
0xa: {  	[smem:$0x3FAC] =	sst s2  }
0xb: {  	[smem:$0x3FAD] =	sst s3  }
0xc: {  	[smem:$0x3FAE] =	sst s4  }
0xd: {  	[smem:$0x3FAF] =	sst s5  }
0xe: {  	[smem:$0x3FB0] =	sst s6  }
0xf: {  	[smem:$0x3FB1] =	sst s7  }
0x10: {  	[smem:$0x3FB2] =	sst s8  }
0x11: {  	[smem:$0x3FB3] =	sst s9;
	s0 =	simm.s32 @!p0 $0x0  }
0x12: {  	s1 =	sld [smem:$0x3F99];
	s0 =	simm.s32 @p0 $0x1  }
0x13: {  	[smem:$0x3FB4] =	sst s0;
	s0 =	simm.s32 @!p1 $0x0  }
0x14: {  	s2 =	sld [smem:$0x3F98];
	s0 =	simm.s32 @p1 $0x1  }
0x15: {  	[smem:$0x3FB5] =	sst s0;
	s0 =	simm.s32 @!p2 $0x0  }
0x16: {  	s3 =	sld [smem:$0x3FDB];
	s0 =	simm.s32 @p2 $0x1  }
0x17: {  	s4 =	simm.s32 $0x1BF5;
	[smem:$0x3FB7] =	sst s0  }
0x18: {  	s0 =	sld [smem:$0x3F9A];
	_ =	swait.ge [sflag:s4], $0x0  }
0x19: {  	s7 =	sld [smem:$0x3F9B]  }
0x1a: {  	s8 =	sadd.s32 $0xFFFFE003, lr  }
0x1b: {  	s9 =	sadd.s32 $0xFFFFFEF7, lr;
	s5 =	simm.s32 $0xFFFFFFFF;
	p2 =	slt.u32 s8, $0xFFFFF086  }
0x1c: {  	p1 =	slt.u32 s9, $0xF7A;
	s5 =	simm.s32 @!p2 $0x0  }
0x1d: {  	s5 =	simm.s32 @p1 $0x1;
	p0 =	seq.s32 s7, s2  }
0x1e: {  	s7 =	smul.u32 @!p0 $0xF7A, s2;
	p2 =	seq.s32 @!p0 s5, $0x0  }
0x1f: {  	s9 =	smul.u32 $0xF7A, s1;
	s8 =	simm.s32 @!p0 $0x1BF5;
	p2 =	por !p2, p0  }
0x20: {  	[sflag:s8] =	ssyncset.s32 @!p0 $0xFFFFF086;
	s6 =	sadd.s32 @!p0 s3, s7;
	s7 =	simm.s32 @!p0 $0x108  }
0x21: {  	s3 =	sadd.s32 s3, s9;
	s6 =	sadd.s32 @!p0 $0x88, s6;
	s7 =	simm.s32 @p2 $0x1082  }
0x22: {  	[simem:s7], [sflag:s8] =	dma.local @!p0 [hbm:s6], $0xF7A  }
0x23: {  	s9 =	sor.u32 $0xD0000000, s2;
	s6 =	simm.s32 $0x108;
	_ =	swait.ge @!p0 [sflag:s8], $0x0  }
0x24: {  	s3 =	sadd.s32 $0x88, s3;
	s6 =	simm.s32 @!p1 $0x1082;
	[sflag:s4] =	ssyncset.s32 $0xFFFFF086  }
0x25: {  	[simem:s6], [sflag:s4] =	dma.local [hbm:s3], $0xF7A  }
0x26: {  	[smem:$0x3F9B] =	sst s1;
	(tag) =	ssettag s2;
	_ =	strace s9  }
0x27: {  	s1 =	sld [smem:$0x3FAB]  }
0x28: {  	s2 =	sld [smem:$0x3FAC]  }
0x29: {  	s4 =	sld [smem:$0x3FAE]  }
0x2a: {  	p0 =	seq.s32 s5, $0x0;
	s5 =	sld [smem:$0x3FAF]  }
0x2b: {  	s6 =	sld [smem:$0x3FB0]  }
0x2c: {  	s7 =	sld [smem:$0x3FB1]  }
0x2d: {  	s3 =	simm.s32 $0x108;
	s8 =	sld [smem:$0x3FB2]  }
0x2e: {  	s3 =	simm.s32 @!p0 $0x1082;
	s9 =	sld [smem:$0x3FB3]  }
0x2f: {  	lr =	sadd.s32 s0, s3;
	s0 =	sld [smem:$0x3FAA]  }
0x30: {  	s3 =	sld [smem:$0x3FAD]  }
0x31: {  	[smem:$0x3FB6] =	sst s10  }
0x32: {  	s10 =	sld [smem:$0x3FB4];
	_ =	sdelay $0x3  }
0x33: {  	p0 =	seq.s32 s10, $0x1;
	s10 =	sld [smem:$0x3FB6];
	_ =	sdelay $0x3  }
0x34: {  	[smem:$0x3FB6] =	sst s10  }
0x35: {  	s10 =	sld [smem:$0x3FB5];
	_ =	sdelay $0x3  }
0x36: {  	p1 =	seq.s32 s10, $0x1;
	s10 =	sld [smem:$0x3FB6];
	_ =	sdelay $0x3  }
0x37: {  	[smem:$0x3FB6] =	sst s10  }
0x38: {  	s10 =	sld [smem:$0x3FB7]  }
0x39: {  	_ = 	snop;
	(pc) =	sbr.ind lr, $3  }
0x3a: {  	_ = 	snop  }
0x3b: {  	_ = 	snop  }
0x3c: {  	p2 =	seq.s32 s10, $0x1;
	s10 =	sld [smem:$0x3FB6]  }
0x3d: {  	_ =	shalt  }
0x3e: {  	_ =	shalt  }
0x3f: {  	_ =	shalt  }
0x40: {  	_ =	shalt  }
0x41: {  	_ =	shalt  }
0x42: {  	_ =	shalt  }
0x43: {  	_ =	shalt  }
0x44: {  	_ =	shalt  }
0x45: {  	_ =	shalt  }
0x46: {  	_ =	shalt  }
0x47: {  	_ =	shalt  }
0x48: {  	_ =	shalt  }
0x49: {  	_ =	shalt  }
0x4a: {  	_ =	shalt  }
0x4b: {  	_ =	shalt  }
0x4c: {  	_ =	shalt  }
0x4d: {  	_ =	shalt  }
0x4e: {  	_ =	shalt  }
0x4f: {  	_ =	shalt  }
0x50: {  	_ =	shalt  }
0x51: {  	_ =	shalt  }
0x52: {  	_ =	shalt  }
0x53: {  	_ =	shalt  }
0x54: {  	_ =	shalt  }
0x55: {  	_ =	shalt  }
0x56: {  	_ =	shalt  }
0x57: {  	_ =	shalt  }
0x58: {  	_ =	shalt  }
0x59: {  	_ =	shalt  }
0x5a: {  	_ =	shalt  }
0x5b: {  	_ =	shalt  }
0x5c: {  	_ =	shalt  }
0x5d: {  	_ =	shalt  }
0x5e: {  	_ =	shalt  }
0x5f: {  	_ =	shalt  }
0x60: {  	_ =	shalt  }
0x61: {  	_ =	shalt  }
0x62: {  	_ =	shalt  }
0x63: {  	_ =	shalt  }
0x64: {  	_ =	shalt  }
0x65: {  	_ =	shalt  }
0x66: {  	_ =	shalt  }
0x67: {  	_ =	shalt  }
0x68: {  	_ =	shalt  }
0x69: {  	_ =	shalt  }
0x6a: {  	_ =	shalt  }
0x6b: {  	_ =	shalt  }
0x6c: {  	_ =	shalt  }
0x6d: {  	_ =	shalt  }
0x6e: {  	_ =	shalt  }
0x6f: {  	_ =	shalt  }
0x70: {  	_ =	shalt  }
0x71: {  	_ =	shalt  }
0x72: {  	_ =	shalt  }
0x73: {  	_ =	shalt  }
0x74: {  	_ =	shalt  }
0x75: {  	_ =	shalt  }
0x76: {  	_ =	shalt  }
0x77: {  	_ =	shalt  }
0x78: {  	_ =	shalt  }
0x79: {  	_ =	shalt  }
0x7a: {  	_ =	shalt  }
0x7b: {  	_ =	shalt  }
0x7c: {  	_ =	shalt  }
0x7d: {  	_ =	shalt  }
0x7e: {  	_ =	shalt  }
0x7f: {  	_ =	shalt  }
0x80: {  	_ =	shalt  }
0x81: {  	_ =	shalt  }
0x82: {  	_ =	shalt  }
0x83: {  	_ =	shalt  }
0x84: {  	_ =	shalt  }
0x85: {  	_ =	shalt  }
0x86: {  	_ =	shalt  }
0x87: {  	_ =	shalt  }
.Lfunc_end0:
.L_simem_size_0:
called_computation_lowered:
.L_overlay_start_0:
0x88: {  	s2 =	sld [smem:$0x3FD9]  }
0x89: {  	s3 =	sld [smem:$0x3FFE];
	_ =	sdelay $0x1  }
0x8a: {  	s1 =	srdreg.scid  }
0x8b: {  	s0 =	sand.u32 $0x1, s1  }
0x8c: {  	s17 =	sshll.u32 s0, $0xA;
	s2 =	sadd.s32 s3, s2  }
0x8d: {  	s2 =	sadd.s32 s2, s17  }
0x8e: {  	[smem:$0x3FC2] =	sst s2  }
0x8f: {  	_ = 	snop  }
0x90: {  	s2 =	sld [smem:$0x3FC9];
	(tm) =	ssettm $0x1  }
0x91: {  	s18 =	sld [smem:$0x3FFB];
	_ =	sdelay $0x3  }
0x92: {  	_ =	strace s18  }
0x93: {  	s3 =	sld [smem:$0x3FFC];
	_ =	sdelay $0x3  }
0x94: {  	_ =	strace s3  }
0x95: {  	s3 =	sld [smem:$0x3FFD];
	_ =	sdelay $0x3  }
0x96: {  	_ =	strace s3  }
0x97: {  	_ =	strace $0x8FFFFFFF  }
0x98: {  	s19 =	sld [smem:$0x3FDB];
	_ =	sdelay $0x1  }
0x99: {  	s4 =	simm.s32 $_scs_section_size  }
0x9a: {  	s5 =	simm.s32 $_size__tile_overlayer_lowered;
	s6 =	simm.s32 $_tile_overlayer_lowered  }
0x9b: {  	s22 =	simm.s32 $0x1BFF;
	s21 =	sshll.u32 s6, $0x1;
	s3 =	sadd.s32 s4, s19  }
0x9c: {  	s7 =	simm.s32 $0x0;
	s20 =	sshll.u32 s5, $0x1;
	s5 =	sadd.s32 s21, s3  }
0x9d: {  	[timem:s7], [sflag:s22] =	dma.local [hbm:s5], s20  }
0x9e: {  	_ =	swait.ge [sflag:s22], s20  }
0x9f: {  	s4 =	ssub.s32 $0x0, s20;
	[sflag:s22] =	ssyncset.done $0x0  }
0xa0: {  	[sflag:s22] =	ssyncadd.s32 s4;
	_ =	sdelay $0x1  }
0xa1: {  	s23 =	simm.s32 $0x1B8B  }
0xa2: {  	_ =	swait.ge [sflag:s23], $0x1  }
0xa3: {  	[sflag:s23] =	ssyncset.done $0x0  }
0xa4: {  	s25 =	simm.s32 $0x1B8E;
	s24 =	sld [smem:$0x3FFE];
	[sflag:s23] =	ssyncadd.s32 $0xFFFFFFFF  }
0xa5: {  	s26 =	simm.s32 $execute0_lowered;
	[smem:$0x3FD2] =	sst s25  }
0xa6: {  	s5 =	sshll.u32 s26, $0x1;
	_ =	strace $0x80000046;
	[dreg:$0x1] =	wrdreg $0xFFFFFFFF  }
0xa7: {  	s28 =	simm.s32 $_size_execute0_lowered;
	s3 =	sadd.s32 s3, s5;
	[dreg:$0x0] =	wrdreg $0x0  }
0xa8: {  	s5 =	sshll.u32 s28, $0x1;
	[dreg:$0x2] =	wrdreg s3  }
0xa9: {  	[dreg:$0x3] =	wrdreg s5  }
0xaa: {  	[dreg:$0x4] =	wrdreg $0xC0  }
0xab: {  	_ =	task [dreg:s7], $0x5FFFF  }
0xac: {  	[dreg:$0x1] =	wrdreg $0xFFFFFFFF  }
0xad: {  	[dreg:$0x0] =	wrdreg $0x60  }
0xae: {  	[dreg:$0x2] =	wrdreg s2  }
0xaf: {  	[dreg:$0x3] =	wrdreg s24  }
0xb0: {  	[dreg:$0x4] =	wrdreg $0x9  }
0xb1: {  	_ =	task.clear_ibuf [dreg:s7], $0x5FFFF;
	_ =	strace $0x90000046  }
0xb2: {  	s29 =	simm.s32 $0x9;
	_ =	strace $0x80000048  }
0xb3: {  	_ =	swait.ge [sflag:s29], $0x1  }
0xb4: {  	[sflag:s29] =	ssyncadd.s32 $0xFFFFFFFF  }
0xb5: {  	_ =	strace $0x90000048  }
0xb6: {  	_ =	sfence  }
0xb7: {  	s30 =	sld [smem:$0x0];
	_ =	sdelay $0x2  }
0xb8: {  	s31 =	sshll.u32 s1, $0xD;
	s1 =	sshrl.u32 s1, $0x2  }
0xb9: {  	s3 =	sand.u32 $0x4000, s31;
	s1 =	sadd.s32 s1, s30  }
0xba: {  	s0 =	sor.u32 s3, s0;
	s1 =	sshll.u32 s1, $0x11  }
0xbb: {  	s0 =	sor.u32 s1, s0  }
0xbc: {  	s0 =	sadd.s32 $0x8F2B, s0  }
0xbd: {  	[sflag:s0] =	ssyncadd.remote.s32 $0x1  }
0xbe: {  	_ =	sfence.sel $0xFFFF  }
0xbf: {  	[dreg:$0x0] =	wrdreg $0xFFFFFFFF;
	(pc) =	sbr.abs _section_cstart, $3  }
0xc0: {  	[dreg:$0x1] =	wrdreg $0xFFFFFFFF  }
0xc1: {  	_ =	task.clear_ibuf [dreg:s7], $0x2FFFF;
	_ =	strace $0x9FFFFFFF  }
0xc2: {  	(tm) =	ssettm $0x7FFFFFFF  }
0xc3: {  	_ =	shalt  }
tec
execute0_lowered:
.L_overlay_start_1:
0x0: {  	(tag) =	ssettag $0x1  }
0x1: {  	s0 =	rddreg [dreg:$0x0]  }
0x2: {  	s1 =	rddreg [dreg:$0x1]  }
0x3: {  	s2 =	srdreg.scid;
	s6 =	stileid.u32;
	s28 =	simm.s32 $0x200  }
0x4: {  	s30 =	simm.s32 $0x2;
	s29 =	simm.s32 $0x2400;
	s31 =	simm.s32 $0x6400  }
0x5: {  	s4 =	sand.u32 $0x1, s2;
	s2 =	simm.s32 $0x0;
	s3 =	sshll.u32 s6, $0x7  }
0x6: {  	s6 =	sshll.u32 s6, $0xF;
	s5 =	sshll.u32 s4, $0x6;
	[smem:$0x7FF] =	sst s2  }
0x7: {  	s7 =	sshll.u32 s4, $0xE;
	s4 =	ssub.s32 $0x2, s4;
	s3 =	sor.u32 s5, s3  }
0x8: {  	_ =	strace $0x80000047;
	s6 =	sor.u32 s7, s6;
	s23 =	sshrl.u32 s4, $0x1  }
0x9: {  	[dreg:$0x8] =	wrdreg s28;
	s5 =	sadd.s32 s3, s1;
	s6 =	sadd.s32 s0, s6  }
0xa: {  	s7 =	sadd.s32 $0x11700, s1;
	s8 =	sadd.s32 $0x10400, s5;
	[dreg:$0x9] =	wrdreg s6  }
0xb: {  	s3 =	sadd.s32 $0x11400, s1;
	s5 =	sadd.s32 $0x10C00, s5;
	[dreg:$0x3] =	wrdreg s8  }
0xc: {  	s0 =	ssub.s32 s4, s23;
	s24 =	sadd.s32 $0x1000, s6;
	[dreg:$0x4] =	wrdreg s5  }
0xd: {  	v2 =	vlaneseq.u32;
	s25 =	sadd.s32 $0x2000, s6;
	s26 =	sadd.s32 $0x3000, s6;
	[dreg:$0x5] =	wrdreg s24  }
0xe: {  	vm0 =	vmmov $0xffff;
	v1 =	vshrl.u32 v2, $0x3;
	s6 =	sadd.s32 $0x11600, s1;
	s17 =	smax.u32 s0, $0x1;
	[dreg:$0x6] =	wrdreg s25  }
0xf: {  	v0 =	vand.u32 $0x7, v2;
	v2 =	vor.u32 $0x8, v2;
	v1 =	vmul.u32 $0x8, v1;
	s5 =	sadd.s32 $0x11500, s1;
	[dreg:$0x7] =	wrdreg s26;
	s26 =	simm.s32 $0x5400  }
.LBB2_1:
0x10: {  	s28 =	rddreg [dreg:$0x3];
	s1 =	simm.s32 $0x7  }
0x11: {  	[tilespmem:s2], [sflag:$0x7] =	stream.linear.gather [hbm4b:s28+s2], $0x200, $0x38;
	[tilespmem:$0x10400] =	vst v63  }
0x12: {  	_ =	swait.ge [sflag:s1], $0x200  }
0x13: {  	s14 =	rddreg [dreg:$0x4];
	[sflag:s1] =	ssyncset.done $0x0  }
0x14: {  	s0 =	rddreg [dreg:$0x8];
	[sflag:s1] =	ssyncadd.s32 $0xFFFFFE00  }
0x15: {  	[tilespmem:s0], [sflag:$0x7] =	stream.linear.gather [hbm4b:s14+s2], $0x200, $0x38;
	[tilespmem:$0x10400] =	vst v63  }
0x16: {  	_ =	swait.ge [sflag:s1], $0x200  }
0x17: {  	s11 =	simm.s32 $0x400;
	[sflag:s1] =	ssyncset.done $0x0  }
0x18: {  	s12 =	simm.s32 $0x1;
	s15 =	rddreg [dreg:$0x9];
	[sflag:s1] =	ssyncadd.s32 $0xFFFFFE00  }
0x19: {  	[tilespmem:s11], [sflag:$0x1] =	stream.linear.gather [hbm4b:s15+s2], $0x8000, $0x38;
	[tilespmem:$0x10400] =	vst v63  }
0x1a: {  	_ =	swait.ge [sflag:s12], $0x8000  }
0x1b: {  	[sflag:s12] =	ssyncset.done $0x0  }
0x1c: {  	s18 =	simm.s32 $0x8400;
	s16 =	rddreg [dreg:$0x5];
	[sflag:s12] =	ssyncadd.s32 $0xFFFF8000  }
0x1d: {  	[tilespmem:s18], [sflag:$0x2] =	stream.linear.gather [hbm4b:s16+s2], $0x8000, $0x38;
	[tilespmem:$0x10400] =	vst v63  }
0x1e: {  	v3 =	vld [tilespmem:$0x0];
	_ =	sdelay $0x4  }
0x1f: {  	v4 =	vshll.u32 v3, $0x3  }
0x20: {  	v3 =	vand.u32 $0x7, v3;
	v4 =	vand.u32 $0xFFFFFFC0, v4  }
0x21: {  	v3 =	vor.u32 v3, v4  }
0x22: {  	v4 =	vperm.xlane v3, v0;
	_ =	sdelay $0x1  }
0x23: {  	v4 =	vadd.s32 v1, v4;
	_ =	sdelay $0x4  }
0x24: {  	[hbm4b:s3+s2] =	stream.indirect_vreg.scatter [tilespmem:s11], [sflag:$0x3], $0x80, v4, vm0, $0xb8;
	[tilespmem:$0x10400] =	vst v63  }
0x25: {  	s19 =	simm.s32 $0xC00;
	v3 =	vperm.xlane v3, v2  }
0x26: {  	[hbm4b:s5+s2] =	stream.indirect_vreg.scatter [tilespmem:s19], [sflag:$0x3], $0x80, v4, vm0, $0xb8;
	[tilespmem:$0x10400] =	vst v63  }
0x27: {  	s20 =	simm.s32 $0x1400;
	v3 =	vadd.s32 v1, v3  }
0x28: {  	[hbm4b:s6+s2] =	stream.indirect_vreg.scatter [tilespmem:s20], [sflag:$0x3], $0x80, v4, vm0, $0xb8;
	[tilespmem:$0x10400] =	vst v63  }
0x29: {  	s22 =	simm.s32 $0x1C00  }
0x2a: {  	[hbm4b:s7+s2] =	stream.indirect_vreg.scatter [tilespmem:s22], [sflag:$0x3], $0x80, v4, vm0, $0xb8;
	[tilespmem:$0x10400] =	vst v63  }
0x2b: {  	s23 =	simm.s32 $0x2400  }
0x2c: {  	[hbm4b:s3+s2] =	stream.indirect_vreg.scatter [tilespmem:s23], [sflag:$0x3], $0x80, v3, vm0, $0xb8;
	[tilespmem:$0x10400] =	vst v63  }
0x2d: {  	s24 =	simm.s32 $0x2C00  }
0x2e: {  	[hbm4b:s5+s2] =	stream.indirect_vreg.scatter [tilespmem:s24], [sflag:$0x3], $0x80, v3, vm0, $0xb8;
	[tilespmem:$0x10400] =	vst v63  }
0x2f: {  	s25 =	simm.s32 $0x3400  }
0x30: {  	[hbm4b:s6+s2] =	stream.indirect_vreg.scatter [tilespmem:s25], [sflag:$0x3], $0x80, v3, vm0, $0xb8;
	[tilespmem:$0x10400] =	vst v63  }
0x31: {  	s28 =	simm.s32 $0x3C00  }
0x32: {  	[hbm4b:s7+s2] =	stream.indirect_vreg.scatter [tilespmem:s28], [sflag:$0x3], $0x80, v3, vm0, $0xb8;
	[tilespmem:$0x10400] =	vst v63  }
0x33: {  	v3 =	vld [tilespmem:$0x10];
	_ =	sdelay $0x4  }
0x34: {  	v49 =	vshll.u32 v3, $0x3  }
0x35: {  	v3 =	vand.u32 $0x7, v3;
	v4 =	vand.u32 $0xFFFFFFC0, v49  }
0x36: {  	v3 =	vor.u32 v3, v4  }
0x37: {  	v4 =	vperm.xlane v3, v0;
	_ =	sdelay $0x1  }
0x38: {  	v4 =	vadd.s32 v1, v4;
	_ =	sdelay $0x3  }
0x39: {  	s8 =	simm.s32 $0x4400  }
0x3a: {  	[hbm4b:s3+s2] =	stream.indirect_vreg.scatter [tilespmem:s8], [sflag:$0x3], $0x80, v4, vm0, $0xb8;
	[tilespmem:$0x10400] =	vst v63  }
0x3b: {  	s10 =	simm.s32 $0x4C00;
	v3 =	vperm.xlane v3, v2  }
0x3c: {  	[hbm4b:s5+s2] =	stream.indirect_vreg.scatter [tilespmem:s10], [sflag:$0x3], $0x80, v4, vm0, $0xb8;
	[tilespmem:$0x10400] =	vst v63  }
0x3d: {  	s14 =	simm.s32 $0x5400;
	v3 =	vadd.s32 v1, v3  }
0x3e: {  	[hbm4b:s6+s2] =	stream.indirect_vreg.scatter [tilespmem:s14], [sflag:$0x3], $0x80, v4, vm0, $0xb8;
	[tilespmem:$0x10400] =	vst v63  }
0x3f: {  	s15 =	simm.s32 $0x5C00  }
0x40: {  	[hbm4b:s7+s2] =	stream.indirect_vreg.scatter [tilespmem:s15], [sflag:$0x3], $0x80, v4, vm0, $0xb8;
	[tilespmem:$0x10400] =	vst v63  }
0x41: {  	s16 =	simm.s32 $0x6400  }
0x42: {  	[hbm4b:s3+s2] =	stream.indirect_vreg.scatter [tilespmem:s16], [sflag:$0x3], $0x80, v3, vm0, $0xb8;
	[tilespmem:$0x10400] =	vst v63  }
0x43: {  	s23 =	simm.s32 $0x6C00  }
0x44: {  	[hbm4b:s5+s2] =	stream.indirect_vreg.scatter [tilespmem:s23], [sflag:$0x3], $0x80, v3, vm0, $0xb8;
	[tilespmem:$0x10400] =	vst v63  }
0x45: {  	s24 =	simm.s32 $0x7400  }
0x46: {  	[hbm4b:s6+s2] =	stream.indirect_vreg.scatter [tilespmem:s24], [sflag:$0x3], $0x80, v3, vm0, $0xb8;
	[tilespmem:$0x10400] =	vst v63  }
0x47: {  	s8 =	simm.s32 $0x7C00  }
0x48: {  	[hbm4b:s7+s2] =	stream.indirect_vreg.scatter [tilespmem:s8], [sflag:$0x3], $0x80, v3, vm0, $0xb8;
	[tilespmem:$0x10400] =	vst v63  }
0x49: {  	v3 =	vld [tilespmem:$0x200];
	_ =	sdelay $0x4  }
0x4a: {  	v50 =	vshll.u32 v3, $0x3  }
0x4b: {  	v3 =	vand.u32 $0x7, v3;
	v4 =	vand.u32 $0xFFFFFFC0, v50  }
0x4c: {  	v3 =	vor.u32 v3, v4  }
0x4d: {  	v4 =	vperm.xlane v3, v0;
	_ =	sdelay $0x1  }
0x4e: {  	v4 =	vadd.s32 v1, v4;
	_ =	sdelay $0x4  }
0x4f: {  	[hbm4b:s3+s2] =	stream.indirect_vreg.scatter [tilespmem:s11], [sflag:$0x4], $0x80, v4, vm0, $0xb8;
	[tilespmem:$0x10400] =	vst v63  }
0x50: {  	s21 =	simm.s32 $0xC00;
	v3 =	vperm.xlane v3, v2  }
0x51: {  	[hbm4b:s5+s2] =	stream.indirect_vreg.scatter [tilespmem:s21], [sflag:$0x4], $0x80, v4, vm0, $0xb8;
	[tilespmem:$0x10400] =	vst v63  }
0x52: {  	s1 =	simm.s32 $0x1400;
	v3 =	vadd.s32 v1, v3  }
0x53: {  	[hbm4b:s6+s2] =	stream.indirect_vreg.scatter [tilespmem:s1], [sflag:$0x4], $0x80, v4, vm0, $0xb8;
	[tilespmem:$0x10400] =	vst v63  }
0x54: {  	s22 =	simm.s32 $0x1C00  }
0x55: {  	[hbm4b:s7+s2] =	stream.indirect_vreg.scatter [tilespmem:s22], [sflag:$0x4], $0x80, v4, vm0, $0xb8;
	[tilespmem:$0x10400] =	vst v63  }
0x56: {  	s4 =	simm.s32 $0x2400  }
0x57: {  	[hbm4b:s3+s2] =	stream.indirect_vreg.scatter [tilespmem:s4], [sflag:$0x4], $0x80, v3, vm0, $0xb8;
	[tilespmem:$0x10400] =	vst v63  }
0x58: {  	s9 =	simm.s32 $0x2C00  }
0x59: {  	[hbm4b:s5+s2] =	stream.indirect_vreg.scatter [tilespmem:s9], [sflag:$0x4], $0x80, v3, vm0, $0xb8;
	[tilespmem:$0x10400] =	vst v63  }
0x5a: {  	s13 =	simm.s32 $0x3400  }
0x5b: {  	[hbm4b:s6+s2] =	stream.indirect_vreg.scatter [tilespmem:s13], [sflag:$0x4], $0x80, v3, vm0, $0xb8;
	[tilespmem:$0x10400] =	vst v63  }
0x5c: {  	s18 =	simm.s32 $0x3C00  }
0x5d: {  	[hbm4b:s7+s2] =	stream.indirect_vreg.scatter [tilespmem:s18], [sflag:$0x4], $0x80, v3, vm0, $0xb8;
	[tilespmem:$0x10400] =	vst v63  }
0x5e: {  	v3 =	vld [tilespmem:$0x210];
	_ =	sdelay $0x4  }
0x5f: {  	v51 =	vshll.u32 v3, $0x3  }
0x60: {  	v3 =	vand.u32 $0x7, v3;
	v4 =	vand.u32 $0xFFFFFFC0, v51  }
0x61: {  	v3 =	vor.u32 v3, v4  }
0x62: {  	v4 =	vperm.xlane v3, v0;
	_ =	sdelay $0x1  }
0x63: {  	v4 =	vadd.s32 v1, v4;
	_ =	sdelay $0x3  }
0x64: {  	s19 =	simm.s32 $0x4400  }
0x65: {  	[hbm4b:s3+s2] =	stream.indirect_vreg.scatter [tilespmem:s19], [sflag:$0x4], $0x80, v4, vm0, $0xb8;
	[tilespmem:$0x10400] =	vst v63  }
0x66: {  	s20 =	simm.s32 $0x4C00;
	v3 =	vperm.xlane v3, v2  }
0x67: {  	[hbm4b:s5+s2] =	stream.indirect_vreg.scatter [tilespmem:s20], [sflag:$0x4], $0x80, v4, vm0, $0xb8;
	[tilespmem:$0x10400] =	vst v63  }
0x68: {  	s10 =	simm.s32 $0x5400;
	v3 =	vadd.s32 v1, v3  }
0x69: {  	[hbm4b:s6+s2] =	stream.indirect_vreg.scatter [tilespmem:s10], [sflag:$0x4], $0x80, v4, vm0, $0xb8;
	[tilespmem:$0x10400] =	vst v63  }
0x6a: {  	s14 =	simm.s32 $0x5C00  }
0x6b: {  	[hbm4b:s7+s2] =	stream.indirect_vreg.scatter [tilespmem:s14], [sflag:$0x4], $0x80, v4, vm0, $0xb8;
	[tilespmem:$0x10400] =	vst v63  }
0x6c: {  	s15 =	simm.s32 $0x6400  }
0x6d: {  	[hbm4b:s3+s2] =	stream.indirect_vreg.scatter [tilespmem:s15], [sflag:$0x4], $0x80, v3, vm0, $0xb8;
	[tilespmem:$0x10400] =	vst v63  }
0x6e: {  	s16 =	simm.s32 $0x6C00  }
0x6f: {  	[hbm4b:s5+s2] =	stream.indirect_vreg.scatter [tilespmem:s16], [sflag:$0x4], $0x80, v3, vm0, $0xb8;
	[tilespmem:$0x10400] =	vst v63  }
0x70: {  	s25 =	simm.s32 $0x7400  }
0x71: {  	[hbm4b:s6+s2] =	stream.indirect_vreg.scatter [tilespmem:s25], [sflag:$0x4], $0x80, v3, vm0, $0xb8;
	[tilespmem:$0x10400] =	vst v63  }
0x72: {  	s28 =	simm.s32 $0x7C00  }
0x73: {  	[hbm4b:s7+s2] =	stream.indirect_vreg.scatter [tilespmem:s28], [sflag:$0x4], $0x80, v3, vm0, $0xb8;
	[tilespmem:$0x10400] =	vst v63  }
0x74: {  	_ =	swait.ge [sflag:s30], $0x8000  }
0x75: {  	[sflag:s30] =	ssyncset.done $0x0  }
0x76: {  	s18 =	simm.s32 $0x3;
	[sflag:s30] =	ssyncadd.s32 $0xFFFF8000  }
0x77: {  	_ =	swait.ge [sflag:s18], $0x8000  }
0x78: {  	[sflag:s18] =	ssyncset.done $0x0  }
0x79: {  	s19 =	simm.s32 $0x4;
	[sflag:s18] =	ssyncadd.s32 $0xFFFF8000  }
0x7a: {  	_ =	swait.ge [sflag:s19], $0x8000  }
0x7b: {  	[sflag:s19] =	ssyncset.done $0x0  }
0x7c: {  	s4 =	rddreg [dreg:$0x6];
	[sflag:s19] =	ssyncadd.s32 $0xFFFF8000  }
0x7d: {  	[tilespmem:s11], [sflag:$0x1] =	stream.linear.gather [hbm4b:s4+s2], $0x8000, $0x38;
	[tilespmem:$0x10400] =	vst v63  }
0x7e: {  	v3 =	vld [tilespmem:$0x80];
	_ =	sdelay $0x4  }
0x7f: {  	v52 =	vshll.u32 v3, $0x3  }
0x80: {  	v3 =	vand.u32 $0x7, v3;
	v4 =	vand.u32 $0xFFFFFFC0, v52  }
0x81: {  	v3 =	vor.u32 v3, v4  }
0x82: {  	v4 =	vperm.xlane v3, v0;
	_ =	sdelay $0x1  }
0x83: {  	v4 =	vadd.s32 v1, v4;
	_ =	sdelay $0x3  }
0x84: {  	s0 =	simm.s32 $0x8400  }
0x85: {  	[hbm4b:s3+s2] =	stream.indirect_vreg.scatter [tilespmem:s0], [sflag:$0x5], $0x80, v4, vm0, $0xb8;
	[tilespmem:$0x10400] =	vst v63  }
0x86: {  	s8 =	simm.s32 $0x8C00;
	v3 =	vperm.xlane v3, v2  }
0x87: {  	[hbm4b:s5+s2] =	stream.indirect_vreg.scatter [tilespmem:s8], [sflag:$0x5], $0x80, v4, vm0, $0xb8;
	[tilespmem:$0x10400] =	vst v63  }
0x88: {  	s9 =	simm.s32 $0x9400;
	v3 =	vadd.s32 v1, v3  }
0x89: {  	[hbm4b:s6+s2] =	stream.indirect_vreg.scatter [tilespmem:s9], [sflag:$0x5], $0x80, v4, vm0, $0xb8;
	[tilespmem:$0x10400] =	vst v63  }
0x8a: {  	s10 =	simm.s32 $0x9C00  }
0x8b: {  	[hbm4b:s7+s2] =	stream.indirect_vreg.scatter [tilespmem:s10], [sflag:$0x5], $0x80, v4, vm0, $0xb8;
	[tilespmem:$0x10400] =	vst v63  }
0x8c: {  	s13 =	simm.s32 $0xA400  }
0x8d: {  	[hbm4b:s3+s2] =	stream.indirect_vreg.scatter [tilespmem:s13], [sflag:$0x5], $0x80, v3, vm0, $0xb8;
	[tilespmem:$0x10400] =	vst v63  }
0x8e: {  	s14 =	simm.s32 $0xAC00  }
0x8f: {  	[hbm4b:s5+s2] =	stream.indirect_vreg.scatter [tilespmem:s14], [sflag:$0x5], $0x80, v3, vm0, $0xb8;
	[tilespmem:$0x10400] =	vst v63  }
0x90: {  	s13 =	simm.s32 $0xB400  }
0x91: {  	[hbm4b:s6+s2] =	stream.indirect_vreg.scatter [tilespmem:s13], [sflag:$0x5], $0x80, v3, vm0, $0xb8;
	[tilespmem:$0x10400] =	vst v63  }
0x92: {  	s15 =	simm.s32 $0xBC00  }
0x93: {  	[hbm4b:s7+s2] =	stream.indirect_vreg.scatter [tilespmem:s15], [sflag:$0x5], $0x80, v3, vm0, $0xb8;
	[tilespmem:$0x10400] =	vst v63  }
0x94: {  	v3 =	vld [tilespmem:$0x90];
	_ =	sdelay $0x4  }
0x95: {  	v53 =	vshll.u32 v3, $0x3  }
0x96: {  	v3 =	vand.u32 $0x7, v3;
	v4 =	vand.u32 $0xFFFFFFC0, v53  }
0x97: {  	v3 =	vor.u32 v3, v4  }
0x98: {  	v4 =	vperm.xlane v3, v0;
	_ =	sdelay $0x1  }
0x99: {  	v4 =	vadd.s32 v1, v4;
	_ =	sdelay $0x3  }
0x9a: {  	s16 =	simm.s32 $0xC400  }
0x9b: {  	[hbm4b:s3+s2] =	stream.indirect_vreg.scatter [tilespmem:s16], [sflag:$0x5], $0x80, v4, vm0, $0xb8;
	[tilespmem:$0x10400] =	vst v63  }
0x9c: {  	s20 =	simm.s32 $0xCC00;
	v3 =	vperm.xlane v3, v2  }
0x9d: {  	[hbm4b:s5+s2] =	stream.indirect_vreg.scatter [tilespmem:s20], [sflag:$0x5], $0x80, v4, vm0, $0xb8;
	[tilespmem:$0x10400] =	vst v63  }
0x9e: {  	s21 =	simm.s32 $0xD400;
	v3 =	vadd.s32 v1, v3  }
0x9f: {  	[hbm4b:s6+s2] =	stream.indirect_vreg.scatter [tilespmem:s21], [sflag:$0x5], $0x80, v4, vm0, $0xb8;
	[tilespmem:$0x10400] =	vst v63  }
0xa0: {  	s25 =	simm.s32 $0xDC00  }
0xa1: {  	[hbm4b:s7+s2] =	stream.indirect_vreg.scatter [tilespmem:s25], [sflag:$0x5], $0x80, v4, vm0, $0xb8;
	[tilespmem:$0x10400] =	vst v63  }
0xa2: {  	s28 =	simm.s32 $0xE400  }
0xa3: {  	[hbm4b:s3+s2] =	stream.indirect_vreg.scatter [tilespmem:s28], [sflag:$0x5], $0x80, v3, vm0, $0xb8;
	[tilespmem:$0x10400] =	vst v63  }
0xa4: {  	s20 =	simm.s32 $0xEC00  }
0xa5: {  	[hbm4b:s5+s2] =	stream.indirect_vreg.scatter [tilespmem:s20], [sflag:$0x5], $0x80, v3, vm0, $0xb8;
	[tilespmem:$0x10400] =	vst v63  }
0xa6: {  	s21 =	simm.s32 $0xF400  }
0xa7: {  	[hbm4b:s6+s2] =	stream.indirect_vreg.scatter [tilespmem:s21], [sflag:$0x5], $0x80, v3, vm0, $0xb8;
	[tilespmem:$0x10400] =	vst v63  }
0xa8: {  	s28 =	simm.s32 $0xFC00  }
0xa9: {  	[hbm4b:s7+s2] =	stream.indirect_vreg.scatter [tilespmem:s28], [sflag:$0x5], $0x80, v3, vm0, $0xb8;
	[tilespmem:$0x10400] =	vst v63  }
0xaa: {  	v3 =	vld [tilespmem:$0x280];
	_ =	sdelay $0x4  }
0xab: {  	v54 =	vshll.u32 v3, $0x3  }
0xac: {  	v3 =	vand.u32 $0x7, v3;
	v4 =	vand.u32 $0xFFFFFFC0, v54  }
0xad: {  	v3 =	vor.u32 v3, v4  }
0xae: {  	v4 =	vperm.xlane v3, v0;
	_ =	sdelay $0x1  }
0xaf: {  	v4 =	vadd.s32 v1, v4;
	_ =	sdelay $0x4  }
0xb0: {  	[hbm4b:s3+s2] =	stream.indirect_vreg.scatter [tilespmem:s0], [sflag:$0x6], $0x80, v4, vm0, $0xb8;
	[tilespmem:$0x10400] =	vst v63  }
0xb1: {  	s23 =	simm.s32 $0x8C00;
	v3 =	vperm.xlane v3, v2  }
0xb2: {  	[hbm4b:s5+s2] =	stream.indirect_vreg.scatter [tilespmem:s23], [sflag:$0x6], $0x80, v4, vm0, $0xb8;
	[tilespmem:$0x10400] =	vst v63  }
0xb3: {  	s24 =	simm.s32 $0x9400;
	v3 =	vadd.s32 v1, v3  }
0xb4: {  	[hbm4b:s6+s2] =	stream.indirect_vreg.scatter [tilespmem:s24], [sflag:$0x6], $0x80, v4, vm0, $0xb8;
	[tilespmem:$0x10400] =	vst v63  }
0xb5: {  	s8 =	simm.s32 $0x9C00  }
0xb6: {  	[hbm4b:s7+s2] =	stream.indirect_vreg.scatter [tilespmem:s8], [sflag:$0x6], $0x80, v4, vm0, $0xb8;
	[tilespmem:$0x10400] =	vst v63  }
0xb7: {  	s1 =	simm.s32 $0xA400  }
0xb8: {  	[hbm4b:s3+s2] =	stream.indirect_vreg.scatter [tilespmem:s1], [sflag:$0x6], $0x80, v3, vm0, $0xb8;
	[tilespmem:$0x10400] =	vst v63  }
0xb9: {  	s22 =	simm.s32 $0xAC00  }
0xba: {  	[hbm4b:s5+s2] =	stream.indirect_vreg.scatter [tilespmem:s22], [sflag:$0x6], $0x80, v3, vm0, $0xb8;
	[tilespmem:$0x10400] =	vst v63  }
0xbb: {  	_ = 	snop  }
0xbc: {  	[hbm4b:s6+s2] =	stream.indirect_vreg.scatter [tilespmem:s13], [sflag:$0x6], $0x80, v3, vm0, $0xb8;
	[tilespmem:$0x10400] =	vst v63  }
0xbd: {  	s4 =	simm.s32 $0xBC00  }
0xbe: {  	[hbm4b:s7+s2] =	stream.indirect_vreg.scatter [tilespmem:s4], [sflag:$0x6], $0x80, v3, vm0, $0xb8;
	[tilespmem:$0x10400] =	vst v63  }
0xbf: {  	v3 =	vld [tilespmem:$0x290];
	_ =	sdelay $0x4  }
0xc0: {  	v55 =	vshll.u32 v3, $0x3  }
0xc1: {  	v3 =	vand.u32 $0x7, v3;
	v4 =	vand.u32 $0xFFFFFFC0, v55  }
0xc2: {  	v3 =	vor.u32 v3, v4  }
0xc3: {  	v4 =	vperm.xlane v3, v0;
	_ =	sdelay $0x1  }
0xc4: {  	v4 =	vadd.s32 v1, v4;
	_ =	sdelay $0x3  }
0xc5: {  	s9 =	simm.s32 $0xC400  }
0xc6: {  	[hbm4b:s3+s2] =	stream.indirect_vreg.scatter [tilespmem:s9], [sflag:$0x6], $0x80, v4, vm0, $0xb8;
	[tilespmem:$0x10400] =	vst v63  }
0xc7: {  	s10 =	simm.s32 $0xCC00;
	v3 =	vperm.xlane v3, v2  }
0xc8: {  	[hbm4b:s5+s2] =	stream.indirect_vreg.scatter [tilespmem:s10], [sflag:$0x6], $0x80, v4, vm0, $0xb8;
	[tilespmem:$0x10400] =	vst v63  }
0xc9: {  	s14 =	simm.s32 $0xD400;
	v3 =	vadd.s32 v1, v3  }
0xca: {  	[hbm4b:s6+s2] =	stream.indirect_vreg.scatter [tilespmem:s14], [sflag:$0x6], $0x80, v4, vm0, $0xb8;
	[tilespmem:$0x10400] =	vst v63  }
0xcb: {  	s15 =	simm.s32 $0xDC00  }
0xcc: {  	[hbm4b:s7+s2] =	stream.indirect_vreg.scatter [tilespmem:s15], [sflag:$0x6], $0x80, v4, vm0, $0xb8;
	[tilespmem:$0x10400] =	vst v63  }
0xcd: {  	s16 =	simm.s32 $0xE400  }
0xce: {  	[hbm4b:s3+s2] =	stream.indirect_vreg.scatter [tilespmem:s16], [sflag:$0x6], $0x80, v3, vm0, $0xb8;
	[tilespmem:$0x10400] =	vst v63  }
0xcf: {  	_ = 	snop  }
0xd0: {  	[hbm4b:s5+s2] =	stream.indirect_vreg.scatter [tilespmem:s20], [sflag:$0x6], $0x80, v3, vm0, $0xb8;
	[tilespmem:$0x10400] =	vst v63  }
0xd1: {  	_ = 	snop  }
0xd2: {  	[hbm4b:s6+s2] =	stream.indirect_vreg.scatter [tilespmem:s21], [sflag:$0x6], $0x80, v3, vm0, $0xb8;
	[tilespmem:$0x10400] =	vst v63  }
0xd3: {  	_ = 	snop  }
0xd4: {  	[hbm4b:s7+s2] =	stream.indirect_vreg.scatter [tilespmem:s28], [sflag:$0x6], $0x80, v3, vm0, $0xb8;
	[tilespmem:$0x10400] =	vst v63  }
0xd5: {  	_ =	swait.ge [sflag:s12], $0x8000  }
0xd6: {  	[sflag:s12] =	ssyncset.done $0x0  }
0xd7: {  	[sflag:s12] =	ssyncadd.s32 $0xFFFF8000;
	s12 =	simm.s32 $0x5  }
0xd8: {  	_ =	swait.ge [sflag:s12], $0x8000  }
0xd9: {  	[sflag:s12] =	ssyncset.done $0x0  }
0xda: {  	s1 =	simm.s32 $0x6;
	[sflag:s12] =	ssyncadd.s32 $0xFFFF8000  }
0xdb: {  	_ =	swait.ge [sflag:s1], $0x8000  }
0xdc: {  	[sflag:s1] =	ssyncset.done $0x0  }
0xdd: {  	s25 =	simm.s32 $0x8400;
	s15 =	rddreg [dreg:$0x7];
	[sflag:s1] =	ssyncadd.s32 $0xFFFF8000  }
0xde: {  	[tilespmem:s25], [sflag:$0x2] =	stream.linear.gather [hbm4b:s15+s2], $0x8000, $0x38;
	[tilespmem:$0x10400] =	vst v63  }
0xdf: {  	v3 =	vld [tilespmem:$0x100];
	_ =	sdelay $0x4  }
0xe0: {  	v56 =	vshll.u32 v3, $0x3  }
0xe1: {  	v3 =	vand.u32 $0x7, v3;
	v4 =	vand.u32 $0xFFFFFFC0, v56  }
0xe2: {  	v3 =	vor.u32 v3, v4  }
0xe3: {  	v4 =	vperm.xlane v3, v0;
	_ =	sdelay $0x1  }
0xe4: {  	v4 =	vadd.s32 v1, v4;
	_ =	sdelay $0x4  }
0xe5: {  	[hbm4b:s3+s2] =	stream.indirect_vreg.scatter [tilespmem:s11], [sflag:$0x3], $0x80, v4, vm0, $0xb8;
	[tilespmem:$0x10400] =	vst v63  }
0xe6: {  	s16 =	simm.s32 $0xC00;
	v3 =	vperm.xlane v3, v2  }
0xe7: {  	[hbm4b:s5+s2] =	stream.indirect_vreg.scatter [tilespmem:s16], [sflag:$0x3], $0x80, v4, vm0, $0xb8;
	[tilespmem:$0x10400] =	vst v63  }
0xe8: {  	s0 =	simm.s32 $0x1400;
	v3 =	vadd.s32 v1, v3  }
0xe9: {  	[hbm4b:s6+s2] =	stream.indirect_vreg.scatter [tilespmem:s0], [sflag:$0x3], $0x80, v4, vm0, $0xb8;
	[tilespmem:$0x10400] =	vst v63  }
0xea: {  	s8 =	simm.s32 $0x1C00  }
0xeb: {  	[hbm4b:s7+s2] =	stream.indirect_vreg.scatter [tilespmem:s8], [sflag:$0x3], $0x80, v4, vm0, $0xb8;
	[tilespmem:$0x10400] =	vst v63  }
0xec: {  	_ = 	snop  }
0xed: {  	[hbm4b:s3+s2] =	stream.indirect_vreg.scatter [tilespmem:s29], [sflag:$0x3], $0x80, v3, vm0, $0xb8;
	[tilespmem:$0x10400] =	vst v63  }
0xee: {  	s22 =	simm.s32 $0x2C00  }
0xef: {  	[hbm4b:s5+s2] =	stream.indirect_vreg.scatter [tilespmem:s22], [sflag:$0x3], $0x80, v3, vm0, $0xb8;
	[tilespmem:$0x10400] =	vst v63  }
0xf0: {  	s23 =	simm.s32 $0x3400  }
0xf1: {  	[hbm4b:s6+s2] =	stream.indirect_vreg.scatter [tilespmem:s23], [sflag:$0x3], $0x80, v3, vm0, $0xb8;
	[tilespmem:$0x10400] =	vst v63  }
0xf2: {  	s10 =	simm.s32 $0x3C00  }
0xf3: {  	[hbm4b:s7+s2] =	stream.indirect_vreg.scatter [tilespmem:s10], [sflag:$0x3], $0x80, v3, vm0, $0xb8;
	[tilespmem:$0x10400] =	vst v63  }
0xf4: {  	v3 =	vld [tilespmem:$0x110];
	_ =	sdelay $0x4  }
0xf5: {  	v57 =	vshll.u32 v3, $0x3  }
0xf6: {  	v3 =	vand.u32 $0x7, v3;
	v4 =	vand.u32 $0xFFFFFFC0, v57  }
0xf7: {  	v3 =	vor.u32 v3, v4  }
0xf8: {  	v4 =	vperm.xlane v3, v0;
	_ =	sdelay $0x1  }
0xf9: {  	v4 =	vadd.s32 v1, v4;
	_ =	sdelay $0x3  }
0xfa: {  	s14 =	simm.s32 $0x4400  }
0xfb: {  	[hbm4b:s3+s2] =	stream.indirect_vreg.scatter [tilespmem:s14], [sflag:$0x3], $0x80, v4, vm0, $0xb8;
	[tilespmem:$0x10400] =	vst v63  }
0xfc: {  	s15 =	simm.s32 $0x4C00;
	v3 =	vperm.xlane v3, v2  }
0xfd: {  	[hbm4b:s5+s2] =	stream.indirect_vreg.scatter [tilespmem:s15], [sflag:$0x3], $0x80, v4, vm0, $0xb8;
	[tilespmem:$0x10400] =	vst v63  }
0xfe: {  	v3 =	vadd.s32 v1, v3  }
0xff: {  	[hbm4b:s6+s2] =	stream.indirect_vreg.scatter [tilespmem:s26], [sflag:$0x3], $0x80, v4, vm0, $0xb8;
	[tilespmem:$0x10400] =	vst v63  }
0x100: {  	s25 =	simm.s32 $0x5C00  }
0x101: {  	[hbm4b:s7+s2] =	stream.indirect_vreg.scatter [tilespmem:s25], [sflag:$0x3], $0x80, v4, vm0, $0xb8;
	[tilespmem:$0x10400] =	vst v63  }
0x102: {  	_ = 	snop  }
0x103: {  	[hbm4b:s3+s2] =	stream.indirect_vreg.scatter [tilespmem:s31], [sflag:$0x3], $0x80, v3, vm0, $0xb8;
	[tilespmem:$0x10400] =	vst v63  }
0x104: {  	s4 =	simm.s32 $0x6C00  }
0x105: {  	[hbm4b:s5+s2] =	stream.indirect_vreg.scatter [tilespmem:s4], [sflag:$0x3], $0x80, v3, vm0, $0xb8;
	[tilespmem:$0x10400] =	vst v63  }
0x106: {  	s9 =	simm.s32 $0x7400  }
0x107: {  	[hbm4b:s6+s2] =	stream.indirect_vreg.scatter [tilespmem:s9], [sflag:$0x3], $0x80, v3, vm0, $0xb8;
	[tilespmem:$0x10400] =	vst v63  }
0x108: {  	s24 =	simm.s32 $0x7C00  }
0x109: {  	[hbm4b:s7+s2] =	stream.indirect_vreg.scatter [tilespmem:s24], [sflag:$0x3], $0x80, v3, vm0, $0xb8;
	[tilespmem:$0x10400] =	vst v63  }
0x10a: {  	v3 =	vld [tilespmem:$0x300];
	_ =	sdelay $0x4  }
0x10b: {  	v58 =	vshll.u32 v3, $0x3  }
0x10c: {  	v3 =	vand.u32 $0x7, v3;
	v4 =	vand.u32 $0xFFFFFFC0, v58  }
0x10d: {  	v3 =	vor.u32 v3, v4  }
0x10e: {  	v4 =	vperm.xlane v3, v0;
	_ =	sdelay $0x1  }
0x10f: {  	v4 =	vadd.s32 v1, v4;
	_ =	sdelay $0x4  }
0x110: {  	[hbm4b:s3+s2] =	stream.indirect_vreg.scatter [tilespmem:s11], [sflag:$0x4], $0x80, v4, vm0, $0xb8;
	[tilespmem:$0x10400] =	vst v63  }
0x111: {  	v3 =	vperm.xlane v3, v2  }
0x112: {  	[hbm4b:s5+s2] =	stream.indirect_vreg.scatter [tilespmem:s16], [sflag:$0x4], $0x80, v4, vm0, $0xb8;
	[tilespmem:$0x10400] =	vst v63  }
0x113: {  	v3 =	vadd.s32 v1, v3  }
0x114: {  	[hbm4b:s6+s2] =	stream.indirect_vreg.scatter [tilespmem:s0], [sflag:$0x4], $0x80, v4, vm0, $0xb8;
	[tilespmem:$0x10400] =	vst v63  }
0x115: {  	_ = 	snop  }
0x116: {  	[hbm4b:s7+s2] =	stream.indirect_vreg.scatter [tilespmem:s8], [sflag:$0x4], $0x80, v4, vm0, $0xb8;
	[tilespmem:$0x10400] =	vst v63  }
0x117: {  	_ = 	snop  }
0x118: {  	[hbm4b:s3+s2] =	stream.indirect_vreg.scatter [tilespmem:s29], [sflag:$0x4], $0x80, v3, vm0, $0xb8;
	[tilespmem:$0x10400] =	vst v63  }
0x119: {  	_ = 	snop  }
0x11a: {  	[hbm4b:s5+s2] =	stream.indirect_vreg.scatter [tilespmem:s22], [sflag:$0x4], $0x80, v3, vm0, $0xb8;
	[tilespmem:$0x10400] =	vst v63  }
0x11b: {  	_ = 	snop  }
0x11c: {  	[hbm4b:s6+s2] =	stream.indirect_vreg.scatter [tilespmem:s23], [sflag:$0x4], $0x80, v3, vm0, $0xb8;
	[tilespmem:$0x10400] =	vst v63  }
0x11d: {  	_ = 	snop  }
0x11e: {  	[hbm4b:s7+s2] =	stream.indirect_vreg.scatter [tilespmem:s10], [sflag:$0x4], $0x80, v3, vm0, $0xb8;
	[tilespmem:$0x10400] =	vst v63  }
0x11f: {  	v3 =	vld [tilespmem:$0x310];
	_ =	sdelay $0x4  }
0x120: {  	v59 =	vshll.u32 v3, $0x3  }
0x121: {  	v3 =	vand.u32 $0x7, v3;
	v4 =	vand.u32 $0xFFFFFFC0, v59  }
0x122: {  	v3 =	vor.u32 v3, v4  }
0x123: {  	v4 =	vperm.xlane v3, v0;
	_ =	sdelay $0x1  }
0x124: {  	v4 =	vadd.s32 v1, v4;
	_ =	sdelay $0x4  }
0x125: {  	[hbm4b:s3+s2] =	stream.indirect_vreg.scatter [tilespmem:s14], [sflag:$0x4], $0x80, v4, vm0, $0xb8;
	[tilespmem:$0x10400] =	vst v63  }
0x126: {  	v3 =	vperm.xlane v3, v2  }
0x127: {  	[hbm4b:s5+s2] =	stream.indirect_vreg.scatter [tilespmem:s15], [sflag:$0x4], $0x80, v4, vm0, $0xb8;
	[tilespmem:$0x10400] =	vst v63  }
0x128: {  	v3 =	vadd.s32 v1, v3  }
0x129: {  	[hbm4b:s6+s2] =	stream.indirect_vreg.scatter [tilespmem:s26], [sflag:$0x4], $0x80, v4, vm0, $0xb8;
	[tilespmem:$0x10400] =	vst v63  }
0x12a: {  	_ = 	snop  }
0x12b: {  	[hbm4b:s7+s2] =	stream.indirect_vreg.scatter [tilespmem:s25], [sflag:$0x4], $0x80, v4, vm0, $0xb8;
	[tilespmem:$0x10400] =	vst v63  }
0x12c: {  	_ = 	snop  }
0x12d: {  	[hbm4b:s3+s2] =	stream.indirect_vreg.scatter [tilespmem:s31], [sflag:$0x4], $0x80, v3, vm0, $0xb8;
	[tilespmem:$0x10400] =	vst v63  }
0x12e: {  	_ = 	snop  }
0x12f: {  	[hbm4b:s5+s2] =	stream.indirect_vreg.scatter [tilespmem:s4], [sflag:$0x4], $0x80, v3, vm0, $0xb8;
	[tilespmem:$0x10400] =	vst v63  }
0x130: {  	_ = 	snop  }
0x131: {  	[hbm4b:s6+s2] =	stream.indirect_vreg.scatter [tilespmem:s9], [sflag:$0x4], $0x80, v3, vm0, $0xb8;
	[tilespmem:$0x10400] =	vst v63  }
0x132: {  	_ = 	snop  }
0x133: {  	[hbm4b:s7+s2] =	stream.indirect_vreg.scatter [tilespmem:s24], [sflag:$0x4], $0x80, v3, vm0, $0xb8;
	[tilespmem:$0x10400] =	vst v63  }
0x134: {  	_ =	swait.ge [sflag:s30], $0x8000  }
0x135: {  	[sflag:s30] =	ssyncset.done $0x0  }
0x136: {  	[sflag:s30] =	ssyncadd.s32 $0xFFFF8000  }
0x137: {  	v3 =	vld [tilespmem:$0x180];
	_ =	sdelay $0x4  }
0x138: {  	v60 =	vshll.u32 v3, $0x3  }
0x139: {  	v3 =	vand.u32 $0x7, v3;
	v4 =	vand.u32 $0xFFFFFFC0, v60  }
0x13a: {  	v3 =	vor.u32 v3, v4  }
0x13b: {  	v4 =	vperm.xlane v3, v0;
	_ =	sdelay $0x1  }
0x13c: {  	v4 =	vadd.s32 v1, v4;
	_ =	sdelay $0x3  }
0x13d: {  	s16 =	simm.s32 $0x8400  }
0x13e: {  	[hbm4b:s3+s2] =	stream.indirect_vreg.scatter [tilespmem:s16], [sflag:$0x5], $0x80, v4, vm0, $0xb8;
	[tilespmem:$0x10400] =	vst v63  }
0x13f: {  	s23 =	simm.s32 $0x8C00;
	v3 =	vperm.xlane v3, v2  }
0x140: {  	[hbm4b:s5+s2] =	stream.indirect_vreg.scatter [tilespmem:s23], [sflag:$0x5], $0x80, v4, vm0, $0xb8;
	[tilespmem:$0x10400] =	vst v63  }
0x141: {  	s8 =	simm.s32 $0x9400;
	v3 =	vadd.s32 v1, v3  }
0x142: {  	[hbm4b:s6+s2] =	stream.indirect_vreg.scatter [tilespmem:s8], [sflag:$0x5], $0x80, v4, vm0, $0xb8;
	[tilespmem:$0x10400] =	vst v63  }
0x143: {  	s0 =	simm.s32 $0x9C00  }
0x144: {  	[hbm4b:s7+s2] =	stream.indirect_vreg.scatter [tilespmem:s0], [sflag:$0x5], $0x80, v4, vm0, $0xb8;
	[tilespmem:$0x10400] =	vst v63  }
0x145: {  	s11 =	simm.s32 $0xA400  }
0x146: {  	[hbm4b:s3+s2] =	stream.indirect_vreg.scatter [tilespmem:s11], [sflag:$0x5], $0x80, v3, vm0, $0xb8;
	[tilespmem:$0x10400] =	vst v63  }
0x147: {  	s4 =	simm.s32 $0xAC00  }
0x148: {  	[hbm4b:s5+s2] =	stream.indirect_vreg.scatter [tilespmem:s4], [sflag:$0x5], $0x80, v3, vm0, $0xb8;
	[tilespmem:$0x10400] =	vst v63  }
0x149: {  	_ = 	snop  }
0x14a: {  	[hbm4b:s6+s2] =	stream.indirect_vreg.scatter [tilespmem:s13], [sflag:$0x5], $0x80, v3, vm0, $0xb8;
	[tilespmem:$0x10400] =	vst v63  }
0x14b: {  	s9 =	simm.s32 $0xBC00  }
0x14c: {  	[hbm4b:s7+s2] =	stream.indirect_vreg.scatter [tilespmem:s9], [sflag:$0x5], $0x80, v3, vm0, $0xb8;
	[tilespmem:$0x10400] =	vst v63  }
0x14d: {  	v3 =	vld [tilespmem:$0x190];
	_ =	sdelay $0x4  }
0x14e: {  	v61 =	vshll.u32 v3, $0x3  }
0x14f: {  	v3 =	vand.u32 $0x7, v3;
	v4 =	vand.u32 $0xFFFFFFC0, v61  }
0x150: {  	v3 =	vor.u32 v3, v4  }
0x151: {  	v4 =	vperm.xlane v3, v0;
	_ =	sdelay $0x1  }
0x152: {  	v4 =	vadd.s32 v1, v4;
	_ =	sdelay $0x3  }
0x153: {  	s10 =	simm.s32 $0xC400  }
0x154: {  	[hbm4b:s3+s2] =	stream.indirect_vreg.scatter [tilespmem:s10], [sflag:$0x5], $0x80, v4, vm0, $0xb8;
	[tilespmem:$0x10400] =	vst v63  }
0x155: {  	s14 =	simm.s32 $0xCC00;
	v3 =	vperm.xlane v3, v2  }
0x156: {  	[hbm4b:s5+s2] =	stream.indirect_vreg.scatter [tilespmem:s14], [sflag:$0x5], $0x80, v4, vm0, $0xb8;
	[tilespmem:$0x10400] =	vst v63  }
0x157: {  	s15 =	simm.s32 $0xD400;
	v3 =	vadd.s32 v1, v3  }
0x158: {  	[hbm4b:s6+s2] =	stream.indirect_vreg.scatter [tilespmem:s15], [sflag:$0x5], $0x80, v4, vm0, $0xb8;
	[tilespmem:$0x10400] =	vst v63  }
0x159: {  	s16 =	simm.s32 $0xDC00  }
0x15a: {  	[hbm4b:s7+s2] =	stream.indirect_vreg.scatter [tilespmem:s16], [sflag:$0x5], $0x80, v4, vm0, $0xb8;
	[tilespmem:$0x10400] =	vst v63  }
0x15b: {  	s25 =	simm.s32 $0xE400  }
0x15c: {  	[hbm4b:s3+s2] =	stream.indirect_vreg.scatter [tilespmem:s25], [sflag:$0x5], $0x80, v3, vm0, $0xb8;
	[tilespmem:$0x10400] =	vst v63  }
0x15d: {  	_ = 	snop  }
0x15e: {  	[hbm4b:s5+s2] =	stream.indirect_vreg.scatter [tilespmem:s20], [sflag:$0x5], $0x80, v3, vm0, $0xb8;
	[tilespmem:$0x10400] =	vst v63  }
0x15f: {  	_ = 	snop  }
0x160: {  	[hbm4b:s6+s2] =	stream.indirect_vreg.scatter [tilespmem:s21], [sflag:$0x5], $0x80, v3, vm0, $0xb8;
	[tilespmem:$0x10400] =	vst v63  }
0x161: {  	_ = 	snop  }
0x162: {  	[hbm4b:s7+s2] =	stream.indirect_vreg.scatter [tilespmem:s28], [sflag:$0x5], $0x80, v3, vm0, $0xb8;
	[tilespmem:$0x10400] =	vst v63  }
0x163: {  	v3 =	vld [tilespmem:$0x380];
	_ =	sdelay $0x4  }
0x164: {  	v62 =	vshll.u32 v3, $0x3  }
0x165: {  	v3 =	vand.u32 $0x7, v3;
	v4 =	vand.u32 $0xFFFFFFC0, v62  }
0x166: {  	v3 =	vor.u32 v3, v4  }
0x167: {  	v4 =	vperm.xlane v3, v0;
	_ =	sdelay $0x1  }
0x168: {  	v4 =	vadd.s32 v1, v4;
	_ =	sdelay $0x3  }
0x169: {  	s22 =	simm.s32 $0x8400  }
0x16a: {  	[hbm4b:s3+s2] =	stream.indirect_vreg.scatter [tilespmem:s22], [sflag:$0x6], $0x80, v4, vm0, $0xb8;
	[tilespmem:$0x10400] =	vst v63  }
0x16b: {  	v3 =	vperm.xlane v3, v2  }
0x16c: {  	[hbm4b:s5+s2] =	stream.indirect_vreg.scatter [tilespmem:s23], [sflag:$0x6], $0x80, v4, vm0, $0xb8;
	[tilespmem:$0x10400] =	vst v63  }
0x16d: {  	v3 =	vadd.s32 v1, v3  }
0x16e: {  	[hbm4b:s6+s2] =	stream.indirect_vreg.scatter [tilespmem:s8], [sflag:$0x6], $0x80, v4, vm0, $0xb8;
	[tilespmem:$0x10400] =	vst v63  }
0x16f: {  	_ = 	snop  }
0x170: {  	[hbm4b:s7+s2] =	stream.indirect_vreg.scatter [tilespmem:s0], [sflag:$0x6], $0x80, v4, vm0, $0xb8;
	[tilespmem:$0x10400] =	vst v63  }
0x171: {  	_ = 	snop  }
0x172: {  	[hbm4b:s3+s2] =	stream.indirect_vreg.scatter [tilespmem:s11], [sflag:$0x6], $0x80, v3, vm0, $0xb8;
	[tilespmem:$0x10400] =	vst v63  }
0x173: {  	_ = 	snop  }
0x174: {  	[hbm4b:s5+s2] =	stream.indirect_vreg.scatter [tilespmem:s4], [sflag:$0x6], $0x80, v3, vm0, $0xb8;
	[tilespmem:$0x10400] =	vst v63  }
0x175: {  	_ = 	snop  }
0x176: {  	[hbm4b:s6+s2] =	stream.indirect_vreg.scatter [tilespmem:s13], [sflag:$0x6], $0x80, v3, vm0, $0xb8;
	[tilespmem:$0x10400] =	vst v63  }
0x177: {  	_ = 	snop  }
0x178: {  	[hbm4b:s7+s2] =	stream.indirect_vreg.scatter [tilespmem:s9], [sflag:$0x6], $0x80, v3, vm0, $0xb8;
	[tilespmem:$0x10400] =	vst v63  }
0x179: {  	v3 =	vld [tilespmem:$0x390];
	_ =	sdelay $0x4  }
0x17a: {  	v63 =	vshll.u32 v3, $0x3  }
0x17b: {  	v3 =	vand.u32 $0x7, v3;
	v4 =	vand.u32 $0xFFFFFFC0, v63  }
0x17c: {  	v3 =	vor.u32 v3, v4  }
0x17d: {  	v4 =	vperm.xlane v3, v0;
	_ =	sdelay $0x1  }
0x17e: {  	v4 =	vadd.s32 v1, v4;
	_ =	sdelay $0x4  }
0x17f: {  	[hbm4b:s3+s2] =	stream.indirect_vreg.scatter [tilespmem:s10], [sflag:$0x6], $0x80, v4, vm0, $0xb8;
	[tilespmem:$0x10400] =	vst v63  }
0x180: {  	v3 =	vperm.xlane v3, v2  }
0x181: {  	[hbm4b:s5+s2] =	stream.indirect_vreg.scatter [tilespmem:s14], [sflag:$0x6], $0x80, v4, vm0, $0xb8;
	[tilespmem:$0x10400] =	vst v63  }
0x182: {  	v3 =	vadd.s32 v1, v3  }
0x183: {  	[hbm4b:s6+s2] =	stream.indirect_vreg.scatter [tilespmem:s15], [sflag:$0x6], $0x80, v4, vm0, $0xb8;
	[tilespmem:$0x10400] =	vst v63  }
0x184: {  	_ = 	snop  }
0x185: {  	[hbm4b:s7+s2] =	stream.indirect_vreg.scatter [tilespmem:s16], [sflag:$0x6], $0x80, v4, vm0, $0xb8;
	[tilespmem:$0x10400] =	vst v63  }
0x186: {  	_ = 	snop  }
0x187: {  	[hbm4b:s3+s2] =	stream.indirect_vreg.scatter [tilespmem:s25], [sflag:$0x6], $0x80, v3, vm0, $0xb8;
	[tilespmem:$0x10400] =	vst v63  }
0x188: {  	_ = 	snop  }
0x189: {  	[hbm4b:s5+s2] =	stream.indirect_vreg.scatter [tilespmem:s20], [sflag:$0x6], $0x80, v3, vm0, $0xb8;
	[tilespmem:$0x10400] =	vst v63  }
0x18a: {  	_ = 	snop  }
0x18b: {  	[hbm4b:s6+s2] =	stream.indirect_vreg.scatter [tilespmem:s21], [sflag:$0x6], $0x80, v3, vm0, $0xb8;
	[tilespmem:$0x10400] =	vst v63  }
0x18c: {  	_ = 	snop  }
0x18d: {  	[hbm4b:s7+s2] =	stream.indirect_vreg.scatter [tilespmem:s28], [sflag:$0x6], $0x80, v3, vm0, $0xb8;
	[tilespmem:$0x10400] =	vst v63  }
0x18e: {  	_ =	swait.ge [sflag:s18], $0x8000  }
0x18f: {  	[sflag:s18] =	ssyncset.done $0x0  }
0x190: {  	[sflag:s18] =	ssyncadd.s32 $0xFFFF8000  }
0x191: {  	_ =	swait.ge [sflag:s19], $0x8000  }
0x192: {  	[sflag:s19] =	ssyncset.done $0x0  }
0x193: {  	[sflag:s19] =	ssyncadd.s32 $0xFFFF8000  }
0x194: {  	p0 =	sne.s32 s17, $0x1;
	_ =	swait.ge [sflag:s12], $0x8000  }
.Ltmp0:
0x195: {  	[sflag:s12] =	ssyncset.done $0x0;
	(pc) =	sbr.rel @p0 .LBB2_1-.Ltmp0, $4  }
0x196: {  	[sflag:s12] =	ssyncadd.s32 $0xFFFF8000  }
0x197: {  	_ =	swait.ge [sflag:s1], $0x8000  }
0x198: {  	[sflag:s1] =	ssyncset.done $0x0  }
0x199: {  	s17 =	sadd.s32 $0xFFFFFFFF, s17;
	[sflag:s1] =	ssyncadd.s32 $0xFFFF8000  }
0x19a: {  	_ =	sfence.sel $0x180000  }
0x19b: {  	[bflag:$0x0] =	sbarrier.arrive $0xFFFF  }
0x19c: {  	_ =	strace $0x90000047  }
0x19d: {  	s0 =	stileid.u32;
	[bflag:$0x2] =	sbarrier.arrive $0xFFFF  }
0x19e: {  	p0 =	sne.s32 s0, $0x0;
	s0 =	rddreg [dreg:$0x2]  }
0x19f: {  	s0 =	sadd.s32 @!p0 $0x100000, s0  }
0x1a0: {  	[sflag:s0] =	ssyncadd.tile.s32 @!p0 $0x1;
	_ =	shalt  }
.Lfunc_end2:
_tile_overlayer_lowered:
.L_overlay_start_2:
0x1a1: {  	(tag) =	ssettag $0x2  }
0x1a2: {  	s0 =	rddreg [dreg:$0x0];
	s2 =	stileid.u32  }
0x1a3: {  	s1 =	rddreg [dreg:$0x1];
	p0 =	sne.s32 s2, $0x0  }
0x1a4: {  	s3 =	rddreg [dreg:$0x2];
	[bflag:$0x3] =	sbarrier.arrive $0xFFFF;
	s2 =	simm.s32 @!p0 $0x1C07  }
0x1a5: {  	[timem:s3], [sflag:s2] =	dma.local @!p0 [hbm:s0], s1  }
0x1a6: {  	s0 =	simm.s32 @!p0 $0x7  }
0x1a7: {  	_ =	swait.ge @!p0 [sflag:s0], s1  }
0x1a8: {  	s1 =	ssub.s32 @!p0 $0x0, s1;
	[sflag:s0] =	ssyncset.done @!p0 $0x0  }
0x1a9: {  	[sflag:s0] =	ssyncadd.s32 @!p0 s1  }
0x1aa: {  	[bflag:$0x3] =	sbarrier.arrive $0xFFFF  }
0x1ab: {  	_ =	shalt  }

</sc_bundles>
